<compile_context>
chip_gen: v7x
topology: tpu7x:2x2x1
jax: 0.10.2.dev20260603
libtpu: 0.0.44.dev20260713+nightly
codegen_flags: <defaults>
</compile_context>

<pallas_src>
import functools

import jax
import jax.numpy as jnp
from jax import lax
from jax.experimental import pallas as pl
from jax.experimental.pallas import tpu as pltpu
from jax.experimental.pallas import tpu_sc as plsc

N_NODES = 10000
N_EDGES = 320000
D_IN = 128
D_HID = 256
D_OUT = 64
DA = 64

NC = 2
NS = 16
NT = NC * NS
CH = 128
NCH = 2 * -(-N_EDGES // (NT * CH * 2))
E_PAD = NT * NCH * CH
RPT = 640
ACC_ROWS = NS * RPT
TST = 624


def _make_sc_agg(with_cnt, col_off=0, in_cols=DA):
  mesh = plsc.VectorSubcoreMesh(core_axis_name="c", subcore_axis_name="s")
  out_type = [jax.ShapeDtypeStruct((NC, ACC_ROWS, DA), jnp.float32)]
  scratch = [
      pltpu.VMEM((NCH, CH), jnp.int32),
      pltpu.VMEM((NCH, CH), jnp.int32),
      pltpu.VMEM((CH, DA), jnp.float32),
      pltpu.VMEM((CH, DA), jnp.float32),
      pltpu.VMEM_SHARED((N_NODES, DA), jnp.float32),
      pltpu.VMEM_SHARED((ACC_ROWS, DA), jnp.float32),
      pltpu.SemaphoreType.DMA,
      pltpu.SemaphoreType.DMA,
  ]
  if with_cnt:
    out_type.append(jax.ShapeDtypeStruct((NC, ACC_ROWS), jnp.float32))
    scratch += [
        pltpu.VMEM((CH,), jnp.float32),
        pltpu.VMEM((RPT,), jnp.float32),
        pltpu.VMEM_SHARED((ACC_ROWS,), jnp.float32),
    ]

  n16 = DA // 16

  def body(table, idx_h, *rest):
    zeros16 = jnp.zeros((16,), jnp.float32)
    ones16 = jnp.ones((16,), jnp.float32)
    if with_cnt:
      (out_a, out_c, src_v, dst_v, rows, rows1, tab, acc, sem0, sem1,
       ones_v, zc_v, cacc) = rest
    else:
      (out_a, src_v, dst_v, rows, rows1, tab, acc, sem0, sem1) = rest
    cid = lax.axis_index("c")
    sid = lax.axis_index("s")
    tid = cid * NS + sid
    base = sid * RPT

    pltpu.async_copy(idx_h.at[tid, 0], src_v, sem0)
    pltpu.async_copy(idx_h.at[tid, 1], dst_v, sem1)
    cs = pl.ds(col_off, DA)
    pltpu.sync_copy(table.at[pl.ds(sid * TST, TST), cs],
                    tab.at[pl.ds(sid * TST, TST)])
    @pl.when(sid == 0)
    def _():
      pltpu.sync_copy(table.at[pl.ds(NS * TST, N_NODES - NS * TST), cs],
                      tab.at[pl.ds(NS * TST, N_NODES - NS * TST)])

    def zrow(r, _):
      for c in range(n16):
        rows[r, pl.ds(c * 16, 16)] = zeros16
      return 0
    lax.fori_loop(0, CH, zrow, 0)
    for k in range(RPT // CH):
      pltpu.sync_copy(rows, acc.at[pl.ds(base + k * CH, CH)])
    if with_cnt:
      def zc(i, _):
        ones_v[pl.ds(i * 16, 16)] = ones16
        return 0
      lax.fori_loop(0, CH // 16, zc, 0)
      def zc2(i, _):
        zc_v[pl.ds(i * 16, 16)] = zeros16
        return 0
      lax.fori_loop(0, RPT // 16, zc2, 0)
      pltpu.sync_copy(zc_v, cacc.at[pl.ds(base, RPT)])
    pltpu.make_async_copy(idx_h.at[tid, 0], src_v, sem0).wait()
    pltpu.make_async_copy(idx_h.at[tid, 1], dst_v, sem1).wait()
    plsc.subcore_barrier()

    pltpu.async_copy(tab.at[src_v.at[0]], rows, sem0)

    def step(i, _):
      j = 2 * i
      pltpu.async_copy(tab.at[src_v.at[j + 1]], rows1, sem1)
      pltpu.make_async_copy(tab.at[src_v.at[j]], rows, sem0).wait()
      if with_cnt:
        pltpu.sync_copy(ones_v, cacc.at[dst_v.at[j]], add=True)
      pltpu.sync_copy(rows, acc.at[dst_v.at[j]], add=True)
      @pl.when(i < NCH // 2 - 1)
      def _():
        pltpu.async_copy(tab.at[src_v.at[j + 2]], rows, sem0)
      pltpu.make_async_copy(tab.at[src_v.at[j + 1]], rows1, sem1).wait()
      if with_cnt:
        pltpu.sync_copy(ones_v, cacc.at[dst_v.at[j + 1]], add=True)
      pltpu.sync_copy(rows1, acc.at[dst_v.at[j + 1]], add=True)
      return 0
    lax.fori_loop(0, NCH // 2, step, 0)
    plsc.subcore_barrier()

    pltpu.sync_copy(acc.at[pl.ds(base, RPT)], out_a.at[cid, pl.ds(base, RPT)])
    if with_cnt:
      pltpu.sync_copy(cacc.at[pl.ds(base, RPT)],
                      out_c.at[cid, pl.ds(base, RPT)])

  return pl.kernel(body, out_type=tuple(out_type), mesh=mesh,
                   scratch_types=tuple(scratch),
                   compiler_params=pltpu.CompilerParams(
                       use_tc_tiling_on_sc=False))


_sc_agg_lo = _make_sc_agg(True, 0)
_sc_agg_hi = _make_sc_agg(False, DA)
_sc_agg_p = _make_sc_agg(False, 0)

BR = 1000


def _densea_body(x, w1r, r_ref):
  r_ref[...] = lax.dot_general(x[...], w1r[...], (((1,), (0,)), ((), ())),
                               preferred_element_type=jnp.float32)


def _denseb_body(al, ah, cnt, r, w1l, b1l, w2l, h_ref, p_ref, ic_ref):
  c = jnp.maximum(cnt[0] + cnt[1], 1.0)
  mean = jnp.concatenate([al[0] + al[1], ah[0] + ah[1]], axis=1) / c
  h = lax.dot_general(mean, w1l[...], (((1,), (0,)), ((), ())),
                      preferred_element_type=jnp.float32)
  h = jnp.maximum(h + r[...] + b1l[...], 0.0)
  h_ref[...] = h
  p_ref[...] = lax.dot_general(h, w2l[...], (((1,), (0,)), ((), ())),
                               preferred_element_type=jnp.float32)
  ic_ref[...] = 1.0 / c


def _densec_body(h, w2r, q_ref):
  q_ref[...] = lax.dot_general(h[...], w2r[...], (((1,), (0,)), ((), ())),
                               preferred_element_type=jnp.float32)


def _final_body(g, ic, q, b2l, out_ref):
  out_ref[...] = (g[0] + g[1]) * ic[...] + q[...] + b2l[...]


def _row_blk(d):
  return pl.BlockSpec((BR, d), lambda i: (i, 0))


def _pair_blk(d):
  return pl.BlockSpec((NC, BR, d), lambda i: (0, i, 0))


def _full_blk(r, d):
  return pl.BlockSpec((r, d), lambda i: (0, 0))


_densea_call = pl.pallas_call(
    _densea_body,
    grid=(N_NODES // BR,),
    in_specs=[_row_blk(D_IN), _full_blk(D_IN, D_HID)],
    out_specs=_row_blk(D_HID),
    out_shape=jax.ShapeDtypeStruct((N_NODES, D_HID), jnp.float32),
)

_denseb_call = pl.pallas_call(
    _denseb_body,
    grid=(N_NODES // BR,),
    in_specs=[
        _pair_blk(DA),
        _pair_blk(DA),
        _pair_blk(1),
        _row_blk(D_HID),
        _full_blk(D_IN, D_HID),
        _full_blk(1, D_HID),
        _full_blk(D_HID, D_OUT),
    ],
    out_specs=[
        _row_blk(D_HID),
        _row_blk(D_OUT),
        _row_blk(1),
    ],
    out_shape=[
        jax.ShapeDtypeStruct((N_NODES, D_HID), jnp.float32),
        jax.ShapeDtypeStruct((N_NODES, D_OUT), jnp.float32),
        jax.ShapeDtypeStruct((N_NODES, 1), jnp.float32),
    ],
)

_densec_call = pl.pallas_call(
    _densec_body,
    grid=(N_NODES // BR,),
    in_specs=[_row_blk(D_HID), _full_blk(D_HID, D_OUT)],
    out_specs=_row_blk(D_OUT),
    out_shape=jax.ShapeDtypeStruct((N_NODES, D_OUT), jnp.float32),
)

_final_call = pl.pallas_call(
    _final_body,
    grid=(N_NODES // BR,),
    in_specs=[
        _pair_blk(DA),
        _row_blk(1),
        _row_blk(D_OUT),
        _full_blk(1, D_OUT),
    ],
    out_specs=_row_blk(D_OUT),
    out_shape=jax.ShapeDtypeStruct((N_NODES, D_OUT), jnp.float32),
)


@jax.jit
def _run(x, edge_index, W1l, b1l, W1r, W2l, b2l, W2r):
  src = edge_index[0].astype(jnp.int32)
  dst = edge_index[1].astype(jnp.int32)
  pad = E_PAD - N_EDGES
  src = jnp.concatenate([src, jnp.zeros((pad,), jnp.int32)])
  dst = jnp.concatenate([dst, jnp.full((pad,), N_NODES, jnp.int32)])
  src_r = src.reshape(NT, 1, NCH, CH)
  dst_r = dst.reshape(NT, 1, NCH, CH)
  idx = jnp.concatenate([src_r, dst_r], axis=1)

  al, cnt = _sc_agg_lo(x, idx)
  (ah,) = _sc_agg_hi(x, idx)
  r = _densea_call(x, W1r.T)
  h, p, ic = _denseb_call(al, ah, cnt[:, :, None], r, W1l.T, b1l[None, :],
                          W2l.T)
  (g,) = _sc_agg_p(p, idx)
  q = _densec_call(h, W2r.T)
  return _final_call(g, ic, q, b2l[None, :])


def kernel(x, edge_index, W1l, b1l, W1r, W2l, b2l, W2r):
  return _run(x, edge_index, W1l, b1l, W1r, W2l, b2l, W2r)

# --- scband reference (transcript-rebuilt; emitter-appended) ---
"""Pipeline reference for scband-graph-sage-80934363726183 (READ-ONLY COPY).

The authoritative reference and input builder live on the scoring server;
editing this copy changes nothing except your own understanding.
"""

import jax, jax.numpy as jnp
import numpy as np

N_NODES = 10000
N_EDGES = 320000
D_IN = 128
D_HID = 256
D_OUT = 64


def setup_inputs(seed: int = 0) -> dict:
    key = jax.random.key(seed)
    ks = jax.random.split(key, 8)
    x = jax.random.normal(ks[0], (N_NODES, D_IN), dtype=jnp.float32)
    edge_index = jax.random.randint(ks[1], (2, N_EDGES), 0, N_NODES, dtype=jnp.int64)
    # SAGEConv params: lin_l (aggregated neighbors, with bias), lin_r (root, no bias)
    s1 = 1.0 / np.sqrt(D_IN)
    W1l = jax.random.uniform(ks[2], (D_HID, D_IN), dtype=jnp.float32, minval=-s1, maxval=s1)
    b1l = jnp.zeros((D_HID,), dtype=jnp.float32)
    W1r = jax.random.uniform(ks[3], (D_HID, D_IN), dtype=jnp.float32, minval=-s1, maxval=s1)
    s2 = 1.0 / np.sqrt(D_HID)
    W2l = jax.random.uniform(ks[4], (D_OUT, D_HID), dtype=jnp.float32, minval=-s2, maxval=s2)
    b2l = jnp.zeros((D_OUT,), dtype=jnp.float32)
    W2r = jax.random.uniform(ks[5], (D_OUT, D_HID), dtype=jnp.float32, minval=-s2, maxval=s2)
    return {"x": x, "edge_index": edge_index, "W1l": W1l, "b1l": b1l, "W1r": W1r,
            "W2l": W2l, "b2l": b2l, "W2r": W2r}


def _sage_conv(x, edge_index, Wl, bl, Wr, num_nodes):
    src = edge_index[0]
    dst = edge_index[1]
    msg = jnp.take(x, src, axis=0)                       # gather x_j
    agg = jax.ops.segment_sum(msg, dst, num_segments=num_nodes)
    cnt = jax.ops.segment_sum(jnp.ones((msg.shape[0],), dtype=x.dtype), dst,
                              num_segments=num_nodes)
    mean = agg / jnp.maximum(cnt, 1.0)[:, None]          # mean aggregation
    return mean @ Wl.T + bl + x @ Wr.T


def reference(x, edge_index, W1l, b1l, W1r, W2l, b2l, W2r):
    h = _sage_conv(x, edge_index, W1l, b1l, W1r, N_NODES)
    h = jax.nn.relu(h)
    # dropout is identity in eval mode (training=False)
    out = _sage_conv(h, edge_index, W2l, b2l, W2r, N_NODES)
    return out

if __name__ == "__main__":
    import jax
    _d = setup_inputs()
    print(jax.jit(kernel)(*tuple(_d.values())))

</pallas_src>

<mosaic_0001>
#map = affine_map<(d0, d1) -> (0, 0)>
#map1 = affine_map<(d0, d1) -> (0, 0, 0, 0)>
#map2 = affine_map<(d0, d1) -> (0, 0, 0)>
module attributes {stable_mosaic.version = 14 : i64} {
  func.func @body(%arg0: i32, %arg1: i32, %arg2: memref<10000x64xf32, #tpu.memory_space<hbm>>, %arg3: memref<32x2x80x128xi32, #tpu.memory_space<hbm>>, %arg4: memref<2x10240x64xf32, #tpu.memory_space<hbm>>, %arg5: memref<80x128xi32, #tpu.memory_space<vmem>>, %arg6: memref<80x128xi32, #tpu.memory_space<vmem>>, %arg7: memref<128x64xf32, #tpu.memory_space<vmem>>, %arg8: memref<128x64xf32, #tpu.memory_space<vmem>>, %arg9: memref<10000x64xf32, #tpu.memory_space<vmem_shared>>, %arg10: memref<10240x64xf32, #tpu.memory_space<vmem_shared>>, %arg11: memref<!tpu.dma_semaphore, #tpu.memory_space<semaphore_mem>>, %arg12: memref<!tpu.dma_semaphore, #tpu.memory_space<semaphore_mem>>) attributes {dimension_semantics = [#tpu.dimension_semantics<core_parallel>, #tpu.dimension_semantics<subcore_parallel>], iteration_bounds = array<i64: 2, 16>, scalar_prefetch = 0 : i64, scratch_operands = 8 : i64, tpu.core_type = #tpu.core_type<sc_vector_subcore>, window_params = [{transform_indices = #map}, {transform_indices = #map1}, {transform_indices = #map2}]} {
    %broadcast_in_dim3A = arith.constant 0.000000e+00 : f32
    %broadcast_in_dim3A_0 = vector.broadcast %broadcast_in_dim3A : f32 to vector<16xf32>
    %broadcast_in_dim3A_1 = arith.constant 1.000000e+00 : f32
    %broadcast_in_dim3A_2 = vector.broadcast %broadcast_in_dim3A_1 : f32 to vector<16xf32>
    %mul3A = arith.constant 16 : i32
    %mul3A_3 = arith.muli %arg0, %mul3A : i32
    %add3A = arith.addi %mul3A_3, %arg1 : i32
    %mul3A_4 = arith.constant 640 : i32
    %mul3A_5 = arith.muli %arg1, %mul3A_4 : i32
    %dma_start3A = arith.constant 0 : i32
    %dma_start3A_6 = arith.constant 0 : i32
    %dma_start3A_7 = arith.constant 0 : i32
    %dma_start3A_8 = tpu.memref_slice %arg3[%add3A, %dma_start3A, %dma_start3A_6, %dma_start3A_7] : memref<32x2x80x128xi32, #tpu.memory_space<hbm>> -> memref<1x1x80x128xi32, #tpu.memory_space<hbm>>
    %dma_start3A_9 = tpu.memref_squeeze %dma_start3A_8 : memref<1x1x80x128xi32, #tpu.memory_space<hbm>> -> memref<80x128xi32, #tpu.memory_space<hbm>>
    %dma_start3A_10 = arith.constant 0 : i32
    %dma_start3A_11 = arith.constant 0 : i32
    %dma_start3A_12 = tpu.memref_slice %arg3[%add3A, %dma_start3A, %dma_start3A_10, %dma_start3A_11] : memref<32x2x80x128xi32, #tpu.memory_space<hbm>> -> memref<1x1x80x128xi32, #tpu.memory_space<hbm>>
    %dma_start3A_13 = tpu.memref_squeeze %dma_start3A_12 : memref<1x1x80x128xi32, #tpu.memory_space<hbm>> -> memref<80x128xi32, #tpu.memory_space<hbm>>
    tpu.enqueue_dma source(%dma_start3A_13 : memref<80x128xi32, #tpu.memory_space<hbm>>) target(%arg5 : memref<80x128xi32, #tpu.memory_space<vmem>>) target_semaphore(%arg11 : memref<!tpu.dma_semaphore, #tpu.memory_space<semaphore_mem>>)
    %dma_start3A_14 = arith.constant 1 : i32
    %dma_start3A_15 = arith.constant 0 : i32
    %dma_start3A_16 = arith.constant 0 : i32
    %dma_start3A_17 = tpu.memref_slice %arg3[%add3A, %dma_start3A_14, %dma_start3A_15, %dma_start3A_16] : memref<32x2x80x128xi32, #tpu.memory_space<hbm>> -> memref<1x1x80x128xi32, #tpu.memory_space<hbm>>
    %dma_start3A_18 = tpu.memref_squeeze %dma_start3A_17 : memref<1x1x80x128xi32, #tpu.memory_space<hbm>> -> memref<80x128xi32, #tpu.memory_space<hbm>>
    %dma_start3A_19 = arith.constant 0 : i32
    %dma_start3A_20 = arith.constant 0 : i32
    %dma_start3A_21 = tpu.memref_slice %arg3[%add3A, %dma_start3A_14, %dma_start3A_19, %dma_start3A_20] : memref<32x2x80x128xi32, #tpu.memory_space<hbm>> -> memref<1x1x80x128xi32, #tpu.memory_space<hbm>>
    %dma_start3A_22 = tpu.memref_squeeze %dma_start3A_21 : memref<1x1x80x128xi32, #tpu.memory_space<hbm>> -> memref<80x128xi32, #tpu.memory_space<hbm>>
    tpu.enqueue_dma source(%dma_start3A_22 : memref<80x128xi32, #tpu.memory_space<hbm>>) target(%arg6 : memref<80x128xi32, #tpu.memory_space<vmem>>) target_semaphore(%arg12 : memref<!tpu.dma_semaphore, #tpu.memory_space<semaphore_mem>>)
    %mul3A_23 = arith.constant 624 : i32
    %mul3A_24 = arith.muli %arg1, %mul3A_23 : i32
    %mul3A_25 = arith.constant 624 : i32
    %mul3A_26 = arith.muli %arg1, %mul3A_25 : i32
    "tpu.region"() ({
      %run_scoped3A = tpu.sem_alloc : memref<!tpu.dma_semaphore, #tpu.memory_space<semaphore_mem>>
      %dma_start3A_77 = arith.constant 0 : i32
      %dma_start3A_78 = tpu.memref_slice %arg9[%mul3A_26, %dma_start3A_77] : memref<10000x64xf32, #tpu.memory_space<vmem_shared>> -> memref<624x64xf32, #tpu.memory_space<vmem_shared>>
      %dma_start3A_79 = arith.constant 0 : i32
      %dma_start3A_80 = tpu.memref_slice %arg2[%mul3A_24, %dma_start3A_79] : memref<10000x64xf32, #tpu.memory_space<hbm>> -> memref<624x64xf32, #tpu.memory_space<hbm>>
      tpu.enqueue_dma source(%dma_start3A_80 : memref<624x64xf32, #tpu.memory_space<hbm>>) target(%dma_start3A_78 : memref<624x64xf32, #tpu.memory_space<vmem_shared>>) target_semaphore(%run_scoped3A : memref<!tpu.dma_semaphore, #tpu.memory_space<semaphore_mem>>)
      %dma_wait3A_81 = arith.constant 0 : i32
      %dma_wait3A_82 = tpu.memref_slice %arg9[%mul3A_26, %dma_wait3A_81] : memref<10000x64xf32, #tpu.memory_space<vmem_shared>> -> memref<624x64xf32, #tpu.memory_space<vmem_shared>>
      %dma_wait3A_83 = arith.constant 0 : i32
      %dma_wait3A_84 = tpu.memref_slice %arg2[%mul3A_24, %dma_wait3A_83] : memref<10000x64xf32, #tpu.memory_space<hbm>> -> memref<624x64xf32, #tpu.memory_space<hbm>>
      tpu.wait_dma2 semaphore(%run_scoped3A : memref<!tpu.dma_semaphore, #tpu.memory_space<semaphore_mem>>) src(%dma_wait3A_84 : memref<624x64xf32, #tpu.memory_space<hbm>>) dst(%dma_wait3A_82 : memref<624x64xf32, #tpu.memory_space<vmem_shared>>)
      tpu.yield
    }) : () -> ()
    %eq3A = arith.constant 0 : i32
    %eq3A_27 = arith.cmpi eq, %arg1, %eq3A : i32
    %convert_element_type3A = arith.extui %eq3A_27 : i1 to i32
    %cond3A = arith.constant 0 : i32
    %cond3A_28 = arith.cmpi ne, %convert_element_type3A, %cond3A : i32
    scf.if %cond3A_28 {
      "tpu.region"() ({
        %run_scoped3A = tpu.sem_alloc : memref<!tpu.dma_semaphore, #tpu.memory_space<semaphore_mem>>
        %dma_start3A_77 = arith.constant 9984 : i32
        %dma_start3A_78 = arith.constant 0 : i32
        %dma_start3A_79 = tpu.memref_slice %arg9[%dma_start3A_77, %dma_start3A_78] : memref<10000x64xf32, #tpu.memory_space<vmem_shared>> -> memref<16x64xf32, #tpu.memory_space<vmem_shared>>
        %dma_start3A_80 = arith.constant 9984 : i32
        %dma_start3A_81 = arith.constant 0 : i32
        %dma_start3A_82 = tpu.memref_slice %arg2[%dma_start3A_80, %dma_start3A_81] : memref<10000x64xf32, #tpu.memory_space<hbm>> -> memref<16x64xf32, #tpu.memory_space<hbm>>
        tpu.enqueue_dma source(%dma_start3A_82 : memref<16x64xf32, #tpu.memory_space<hbm>>) target(%dma_start3A_79 : memref<16x64xf32, #tpu.memory_space<vmem_shared>>) target_semaphore(%run_scoped3A : memref<!tpu.dma_semaphore, #tpu.memory_space<semaphore_mem>>)
        %dma_wait3A_83 = arith.constant 9984 : i32
        %dma_wait3A_84 = arith.constant 0 : i32
        %dma_wait3A_85 = tpu.memref_slice %arg9[%dma_wait3A_83, %dma_wait3A_84] : memref<10000x64xf32, #tpu.memory_space<vmem_shared>> -> memref<16x64xf32, #tpu.memory_space<vmem_shared>>
        %dma_wait3A_86 = arith.constant 9984 : i32
        %dma_wait3A_87 = arith.constant 0 : i32
        %dma_wait3A_88 = tpu.memref_slice %arg2[%dma_wait3A_86, %dma_wait3A_87] : memref<10000x64xf32, #tpu.memory_space<hbm>> -> memref<16x64xf32, #tpu.memory_space<hbm>>
        tpu.wait_dma2 semaphore(%run_scoped3A : memref<!tpu.dma_semaphore, #tpu.memory_space<semaphore_mem>>) src(%dma_wait3A_88 : memref<16x64xf32, #tpu.memory_space<hbm>>) dst(%dma_wait3A_85 : memref<16x64xf32, #tpu.memory_space<vmem_shared>>)
        tpu.yield
      }) : () -> ()
    } else {
    }
    %scan3A = arith.constant 0 : i32
    %scan3A_29 = arith.constant 0 : i32
    %scan3A_30 = arith.constant 128 : i32
    %scan3A_31 = arith.addi %scan3A_29, %scan3A_30 : i32
    %scan3A_32 = arith.constant 1 : i32
    %scan3A_33 = scf.for %scan3A_77 = %scan3A_29 to %scan3A_31 step %scan3A_32 iter_args(%scan3A_78 = %scan3A) -> (i32)  : i32 {
      %swap3A = arith.index_cast %scan3A_77 : i32 to index
      %swap3A_79 = arith.constant 0 : index
      %swap3A_80 = tpu.vector_load %arg7[%swap3A, %swap3A_79] {strides = array<i32>} : memref<128x64xf32, #tpu.memory_space<vmem>>, vector<1x16xf32>,
      %swap3A_81 = vector.shape_cast %swap3A_80 : vector<1x16xf32> to vector<16xf32>
      %swap3A_82 = vector.shape_cast %broadcast_in_dim3A_0 : vector<16xf32> to vector<1x16xf32>
      tpu.vector_store %arg7[%swap3A, %swap3A_79], %swap3A_82 {strides = array<i32>} : memref<128x64xf32, #tpu.memory_space<vmem>>, vector<1x16xf32>,
      %swap3A_83 = arith.index_cast %scan3A_77 : i32 to index
      %swap3A_84 = arith.constant 16 : index
      %swap3A_85 = tpu.vector_load %arg7[%swap3A_83, %swap3A_84] {strides = array<i32>} : memref<128x64xf32, #tpu.memory_space<vmem>>, vector<1x16xf32>,
      %swap3A_86 = vector.shape_cast %swap3A_85 : vector<1x16xf32> to vector<16xf32>
      %swap3A_87 = vector.shape_cast %broadcast_in_dim3A_0 : vector<16xf32> to vector<1x16xf32>
      tpu.vector_store %arg7[%swap3A_83, %swap3A_84], %swap3A_87 {strides = array<i32>} : memref<128x64xf32, #tpu.memory_space<vmem>>, vector<1x16xf32>,
      %swap3A_88 = arith.index_cast %scan3A_77 : i32 to index
      %swap3A_89 = arith.constant 32 : index
      %swap3A_90 = tpu.vector_load %arg7[%swap3A_88, %swap3A_89] {strides = array<i32>} : memref<128x64xf32, #tpu.memory_space<vmem>>, vector<1x16xf32>,
      %swap3A_91 = vector.shape_cast %swap3A_90 : vector<1x16xf32> to vector<16xf32>
      %swap3A_92 = vector.shape_cast %broadcast_in_dim3A_0 : vector<16xf32> to vector<1x16xf32>
      tpu.vector_store %arg7[%swap3A_88, %swap3A_89], %swap3A_92 {strides = array<i32>} : memref<128x64xf32, #tpu.memory_space<vmem>>, vector<1x16xf32>,
      %swap3A_93 = arith.index_cast %scan3A_77 : i32 to index
      %swap3A_94 = arith.constant 48 : index
      %swap3A_95 = tpu.vector_load %arg7[%swap3A_93, %swap3A_94] {strides = array<i32>} : memref<128x64xf32, #tpu.memory_space<vmem>>, vector<1x16xf32>,
      %swap3A_96 = vector.shape_cast %swap3A_95 : vector<1x16xf32> to vector<16xf32>
      %swap3A_97 = vector.shape_cast %broadcast_in_dim3A_0 : vector<16xf32> to vector<1x16xf32>
      tpu.vector_store %arg7[%swap3A_93, %swap3A_94], %swap3A_97 {strides = array<i32>} : memref<128x64xf32, #tpu.memory_space<vmem>>, vector<1x16xf32>,
      %scan3A_98 = arith.constant 0 : i32
      scf.yield %scan3A_98 : i32
    }
    %scan3A_34 = arith.constant 128 : i32
    %add3A_35 = arith.constant 0 : i32
    %add3A_36 = arith.addi %mul3A_5, %add3A_35 : i32
    "tpu.region"() ({
      %run_scoped3A = tpu.sem_alloc : memref<!tpu.dma_semaphore, #tpu.memory_space<semaphore_mem>>
      %dma_start3A_77 = arith.constant 0 : i32
      %dma_start3A_78 = tpu.memref_slice %arg10[%add3A_36, %dma_start3A_77] : memref<10240x64xf32, #tpu.memory_space<vmem_shared>> -> memref<128x64xf32, #tpu.memory_space<vmem_shared>>
      %dma_start3A_79 = arith.constant 0 : i32
      %dma_start3A_80 = tpu.memref_slice %arg10[%add3A_36, %dma_start3A_79] : memref<10240x64xf32, #tpu.memory_space<vmem_shared>> -> memref<128x64xf32, #tpu.memory_space<vmem_shared>>
      tpu.enqueue_dma source(%arg7 : memref<128x64xf32, #tpu.memory_space<vmem>>) target(%dma_start3A_80 : memref<128x64xf32, #tpu.memory_space<vmem_shared>>) target_semaphore(%run_scoped3A : memref<!tpu.dma_semaphore, #tpu.memory_space<semaphore_mem>>)
      %dma_wait3A_81 = arith.constant 0 : i32
      %dma_wait3A_82 = tpu.memref_slice %arg10[%add3A_36, %dma_wait3A_81] : memref<10240x64xf32, #tpu.memory_space<vmem_shared>> -> memref<128x64xf32, #tpu.memory_space<vmem_shared>>
      %dma_wait3A_83 = arith.constant 0 : i32
      %dma_wait3A_84 = tpu.memref_slice %arg10[%add3A_36, %dma_wait3A_83] : memref<10240x64xf32, #tpu.memory_space<vmem_shared>> -> memref<128x64xf32, #tpu.memory_space<vmem_shared>>
      tpu.wait_dma2 semaphore(%run_scoped3A : memref<!tpu.dma_semaphore, #tpu.memory_space<semaphore_mem>>) src(%arg7 : memref<128x64xf32, #tpu.memory_space<vmem>>) dst(%dma_wait3A_84 : memref<128x64xf32, #tpu.memory_space<vmem_shared>>)
      tpu.yield
    }) : () -> ()
    %add3A_37 = arith.constant 128 : i32
    %add3A_38 = arith.addi %mul3A_5, %add3A_37 : i32
    "tpu.region"() ({
      %run_scoped3A = tpu.sem_alloc : memref<!tpu.dma_semaphore, #tpu.memory_space<semaphore_mem>>
      %dma_start3A_77 = arith.constant 0 : i32
      %dma_start3A_78 = tpu.memref_slice %arg10[%add3A_38, %dma_start3A_77] : memref<10240x64xf32, #tpu.memory_space<vmem_shared>> -> memref<128x64xf32, #tpu.memory_space<vmem_shared>>
      %dma_start3A_79 = arith.constant 0 : i32
      %dma_start3A_80 = tpu.memref_slice %arg10[%add3A_38, %dma_start3A_79] : memref<10240x64xf32, #tpu.memory_space<vmem_shared>> -> memref<128x64xf32, #tpu.memory_space<vmem_shared>>
      tpu.enqueue_dma source(%arg7 : memref<128x64xf32, #tpu.memory_space<vmem>>) target(%dma_start3A_80 : memref<128x64xf32, #tpu.memory_space<vmem_shared>>) target_semaphore(%run_scoped3A : memref<!tpu.dma_semaphore, #tpu.memory_space<semaphore_mem>>)
      %dma_wait3A_81 = arith.constant 0 : i32
      %dma_wait3A_82 = tpu.memref_slice %arg10[%add3A_38, %dma_wait3A_81] : memref<10240x64xf32, #tpu.memory_space<vmem_shared>> -> memref<128x64xf32, #tpu.memory_space<vmem_shared>>
      %dma_wait3A_83 = arith.constant 0 : i32
      %dma_wait3A_84 = tpu.memref_slice %arg10[%add3A_38, %dma_wait3A_83] : memref<10240x64xf32, #tpu.memory_space<vmem_shared>> -> memref<128x64xf32, #tpu.memory_space<vmem_shared>>
      tpu.wait_dma2 semaphore(%run_scoped3A : memref<!tpu.dma_semaphore, #tpu.memory_space<semaphore_mem>>) src(%arg7 : memref<128x64xf32, #tpu.memory_space<vmem>>) dst(%dma_wait3A_84 : memref<128x64xf32, #tpu.memory_space<vmem_shared>>)
      tpu.yield
    }) : () -> ()
    %add3A_39 = arith.constant 256 : i32
    %add3A_40 = arith.addi %mul3A_5, %add3A_39 : i32
    "tpu.region"() ({
      %run_scoped3A = tpu.sem_alloc : memref<!tpu.dma_semaphore, #tpu.memory_space<semaphore_mem>>
      %dma_start3A_77 = arith.constant 0 : i32
      %dma_start3A_78 = tpu.memref_slice %arg10[%add3A_40, %dma_start3A_77] : memref<10240x64xf32, #tpu.memory_space<vmem_shared>> -> memref<128x64xf32, #tpu.memory_space<vmem_shared>>
      %dma_start3A_79 = arith.constant 0 : i32
      %dma_start3A_80 = tpu.memref_slice %arg10[%add3A_40, %dma_start3A_79] : memref<10240x64xf32, #tpu.memory_space<vmem_shared>> -> memref<128x64xf32, #tpu.memory_space<vmem_shared>>
      tpu.enqueue_dma source(%arg7 : memref<128x64xf32, #tpu.memory_space<vmem>>) target(%dma_start3A_80 : memref<128x64xf32, #tpu.memory_space<vmem_shared>>) target_semaphore(%run_scoped3A : memref<!tpu.dma_semaphore, #tpu.memory_space<semaphore_mem>>)
      %dma_wait3A_81 = arith.constant 0 : i32
      %dma_wait3A_82 = tpu.memref_slice %arg10[%add3A_40, %dma_wait3A_81] : memref<10240x64xf32, #tpu.memory_space<vmem_shared>> -> memref<128x64xf32, #tpu.memory_space<vmem_shared>>
      %dma_wait3A_83 = arith.constant 0 : i32
      %dma_wait3A_84 = tpu.memref_slice %arg10[%add3A_40, %dma_wait3A_83] : memref<10240x64xf32, #tpu.memory_space<vmem_shared>> -> memref<128x64xf32, #tpu.memory_space<vmem_shared>>
      tpu.wait_dma2 semaphore(%run_scoped3A : memref<!tpu.dma_semaphore, #tpu.memory_space<semaphore_mem>>) src(%arg7 : memref<128x64xf32, #tpu.memory_space<vmem>>) dst(%dma_wait3A_84 : memref<128x64xf32, #tpu.memory_space<vmem_shared>>)
      tpu.yield
    }) : () -> ()
    %add3A_41 = arith.constant 384 : i32
    %add3A_42 = arith.addi %mul3A_5, %add3A_41 : i32
    "tpu.region"() ({
      %run_scoped3A = tpu.sem_alloc : memref<!tpu.dma_semaphore, #tpu.memory_space<semaphore_mem>>
      %dma_start3A_77 = arith.constant 0 : i32
      %dma_start3A_78 = tpu.memref_slice %arg10[%add3A_42, %dma_start3A_77] : memref<10240x64xf32, #tpu.memory_space<vmem_shared>> -> memref<128x64xf32, #tpu.memory_space<vmem_shared>>
      %dma_start3A_79 = arith.constant 0 : i32
      %dma_start3A_80 = tpu.memref_slice %arg10[%add3A_42, %dma_start3A_79] : memref<10240x64xf32, #tpu.memory_space<vmem_shared>> -> memref<128x64xf32, #tpu.memory_space<vmem_shared>>
      tpu.enqueue_dma source(%arg7 : memref<128x64xf32, #tpu.memory_space<vmem>>) target(%dma_start3A_80 : memref<128x64xf32, #tpu.memory_space<vmem_shared>>) target_semaphore(%run_scoped3A : memref<!tpu.dma_semaphore, #tpu.memory_space<semaphore_mem>>)
      %dma_wait3A_81 = arith.constant 0 : i32
      %dma_wait3A_82 = tpu.memref_slice %arg10[%add3A_42, %dma_wait3A_81] : memref<10240x64xf32, #tpu.memory_space<vmem_shared>> -> memref<128x64xf32, #tpu.memory_space<vmem_shared>>
      %dma_wait3A_83 = arith.constant 0 : i32
      %dma_wait3A_84 = tpu.memref_slice %arg10[%add3A_42, %dma_wait3A_83] : memref<10240x64xf32, #tpu.memory_space<vmem_shared>> -> memref<128x64xf32, #tpu.memory_space<vmem_shared>>
      tpu.wait_dma2 semaphore(%run_scoped3A : memref<!tpu.dma_semaphore, #tpu.memory_space<semaphore_mem>>) src(%arg7 : memref<128x64xf32, #tpu.memory_space<vmem>>) dst(%dma_wait3A_84 : memref<128x64xf32, #tpu.memory_space<vmem_shared>>)
      tpu.yield
    }) : () -> ()
    %add3A_43 = arith.constant 512 : i32
    %add3A_44 = arith.addi %mul3A_5, %add3A_43 : i32
    "tpu.region"() ({
      %run_scoped3A = tpu.sem_alloc : memref<!tpu.dma_semaphore, #tpu.memory_space<semaphore_mem>>
      %dma_start3A_77 = arith.constant 0 : i32
      %dma_start3A_78 = tpu.memref_slice %arg10[%add3A_44, %dma_start3A_77] : memref<10240x64xf32, #tpu.memory_space<vmem_shared>> -> memref<128x64xf32, #tpu.memory_space<vmem_shared>>
      %dma_start3A_79 = arith.constant 0 : i32
      %dma_start3A_80 = tpu.memref_slice %arg10[%add3A_44, %dma_start3A_79] : memref<10240x64xf32, #tpu.memory_space<vmem_shared>> -> memref<128x64xf32, #tpu.memory_space<vmem_shared>>
      tpu.enqueue_dma source(%arg7 : memref<128x64xf32, #tpu.memory_space<vmem>>) target(%dma_start3A_80 : memref<128x64xf32, #tpu.memory_space<vmem_shared>>) target_semaphore(%run_scoped3A : memref<!tpu.dma_semaphore, #tpu.memory_space<semaphore_mem>>)
      %dma_wait3A_81 = arith.constant 0 : i32
      %dma_wait3A_82 = tpu.memref_slice %arg10[%add3A_44, %dma_wait3A_81] : memref<10240x64xf32, #tpu.memory_space<vmem_shared>> -> memref<128x64xf32, #tpu.memory_space<vmem_shared>>
      %dma_wait3A_83 = arith.constant 0 : i32
      %dma_wait3A_84 = tpu.memref_slice %arg10[%add3A_44, %dma_wait3A_83] : memref<10240x64xf32, #tpu.memory_space<vmem_shared>> -> memref<128x64xf32, #tpu.memory_space<vmem_shared>>
      tpu.wait_dma2 semaphore(%run_scoped3A : memref<!tpu.dma_semaphore, #tpu.memory_space<semaphore_mem>>) src(%arg7 : memref<128x64xf32, #tpu.memory_space<vmem>>) dst(%dma_wait3A_84 : memref<128x64xf32, #tpu.memory_space<vmem_shared>>)
      tpu.yield
    }) : () -> ()
    %dma_wait3A = arith.constant 0 : i32
    %dma_wait3A_45 = arith.constant 0 : i32
    %dma_wait3A_46 = arith.constant 0 : i32
    %dma_wait3A_47 = tpu.memref_slice %arg3[%add3A, %dma_wait3A, %dma_wait3A_45, %dma_wait3A_46] : memref<32x2x80x128xi32, #tpu.memory_space<hbm>> -> memref<1x1x80x128xi32, #tpu.memory_space<hbm>>
    %dma_wait3A_48 = tpu.memref_squeeze %dma_wait3A_47 : memref<1x1x80x128xi32, #tpu.memory_space<hbm>> -> memref<80x128xi32, #tpu.memory_space<hbm>>
    %dma_wait3A_49 = arith.constant 0 : i32
    %dma_wait3A_50 = arith.constant 0 : i32
    %dma_wait3A_51 = tpu.memref_slice %arg3[%add3A, %dma_wait3A, %dma_wait3A_49, %dma_wait3A_50] : memref<32x2x80x128xi32, #tpu.memory_space<hbm>> -> memref<1x1x80x128xi32, #tpu.memory_space<hbm>>
    %dma_wait3A_52 = tpu.memref_squeeze %dma_wait3A_51 : memref<1x1x80x128xi32, #tpu.memory_space<hbm>> -> memref<80x128xi32, #tpu.memory_space<hbm>>
    tpu.wait_dma2 semaphore(%arg11 : memref<!tpu.dma_semaphore, #tpu.memory_space<semaphore_mem>>) src(%dma_wait3A_52 : memref<80x128xi32, #tpu.memory_space<hbm>>) dst(%arg5 : memref<80x128xi32, #tpu.memory_space<vmem>>)
    %dma_wait3A_53 = arith.constant 1 : i32
    %dma_wait3A_54 = arith.constant 0 : i32
    %dma_wait3A_55 = arith.constant 0 : i32
    %dma_wait3A_56 = tpu.memref_slice %arg3[%add3A, %dma_wait3A_53, %dma_wait3A_54, %dma_wait3A_55] : memref<32x2x80x128xi32, #tpu.memory_space<hbm>> -> memref<1x1x80x128xi32, #tpu.memory_space<hbm>>
    %dma_wait3A_57 = tpu.memref_squeeze %dma_wait3A_56 : memref<1x1x80x128xi32, #tpu.memory_space<hbm>> -> memref<80x128xi32, #tpu.memory_space<hbm>>
    %dma_wait3A_58 = arith.constant 0 : i32
    %dma_wait3A_59 = arith.constant 0 : i32
    %dma_wait3A_60 = tpu.memref_slice %arg3[%add3A, %dma_wait3A_53, %dma_wait3A_58, %dma_wait3A_59] : memref<32x2x80x128xi32, #tpu.memory_space<hbm>> -> memref<1x1x80x128xi32, #tpu.memory_space<hbm>>
    %dma_wait3A_61 = tpu.memref_squeeze %dma_wait3A_60 : memref<1x1x80x128xi32, #tpu.memory_space<hbm>> -> memref<80x128xi32, #tpu.memory_space<hbm>>
    tpu.wait_dma2 semaphore(%arg12 : memref<!tpu.dma_semaphore, #tpu.memory_space<semaphore_mem>>) src(%dma_wait3A_61 : memref<80x128xi32, #tpu.memory_space<hbm>>) dst(%arg6 : memref<80x128xi32, #tpu.memory_space<vmem>>)
    %barrier3A = arith.constant 0 : index
    tpu.barrier barrier_id(%barrier3A)
    %dma_start3A_62 = arith.constant 0 : i32
    %dma_start3A_63 = arith.constant 0 : i32
    %dma_start3A_64 = tpu.memref_slice %arg5[%dma_start3A_62, %dma_start3A_63] : memref<80x128xi32, #tpu.memory_space<vmem>> -> memref<1x128xi32, #tpu.memory_space<vmem>>
    %dma_start3A_65 = tpu.memref_squeeze %dma_start3A_64 : memref<1x128xi32, #tpu.memory_space<vmem>> -> memref<128xi32, #tpu.memory_space<vmem>>
    %dma_start3A_66 = arith.constant 0 : i32
    %dma_start3A_67 = arith.constant 0 : i32
    %dma_start3A_68 = tpu.memref_slice %arg9[%dma_start3A_66, %dma_start3A_67] : memref<10000x64xf32, #tpu.memory_space<vmem_shared>> -> memref<10000x64xf32, #tpu.memory_space<vmem_shared>>
    tpu.enqueue_indirect_dma source(%dma_start3A_68 : memref<10000x64xf32, #tpu.memory_space<vmem_shared>>) target(%arg7 : memref<128x64xf32, #tpu.memory_space<vmem>>) offsets(%dma_start3A_65 : memref<128xi32, #tpu.memory_space<vmem>>) semaphore(%arg11 : memref<!tpu.dma_semaphore, #tpu.memory_space<semaphore_mem>>)
    %scan3A_69 = arith.constant 0 : i32
    %scan3A_70 = arith.constant 0 : i32
    %scan3A_71 = arith.constant 40 : i32
    %scan3A_72 = arith.addi %scan3A_70, %scan3A_71 : i32
    %scan3A_73 = arith.constant 1 : i32
    %scan3A_74 = scf.for %scan3A_77 = %scan3A_70 to %scan3A_72 step %scan3A_73 iter_args(%scan3A_78 = %scan3A_69) -> (i32)  : i32 {
      %mul3A_79 = arith.constant 2 : i32
      %mul3A_80 = arith.muli %mul3A_79, %scan3A_77 : i32
      %add3A_81 = arith.constant 1 : i32
      %add3A_82 = arith.addi %mul3A_80, %add3A_81 : i32
      %dma_start3A_83 = arith.constant 0 : i32
      %dma_start3A_84 = tpu.memref_slice %arg5[%add3A_82, %dma_start3A_83] : memref<80x128xi32, #tpu.memory_space<vmem>> -> memref<1x128xi32, #tpu.memory_space<vmem>>
      %dma_start3A_85 = tpu.memref_squeeze %dma_start3A_84 : memref<1x128xi32, #tpu.memory_space<vmem>> -> memref<128xi32, #tpu.memory_space<vmem>>
      %dma_start3A_86 = arith.constant 0 : i32
      %dma_start3A_87 = arith.constant 0 : i32
      %dma_start3A_88 = tpu.memref_slice %arg9[%dma_start3A_86, %dma_start3A_87] : memref<10000x64xf32, #tpu.memory_space<vmem_shared>> -> memref<10000x64xf32, #tpu.memory_space<vmem_shared>>
      tpu.enqueue_indirect_dma source(%dma_start3A_88 : memref<10000x64xf32, #tpu.memory_space<vmem_shared>>) target(%arg8 : memref<128x64xf32, #tpu.memory_space<vmem>>) offsets(%dma_start3A_85 : memref<128xi32, #tpu.memory_space<vmem>>) semaphore(%arg12 : memref<!tpu.dma_semaphore, #tpu.memory_space<semaphore_mem>>)
      %dma_wait3A_89 = arith.constant 0 : i32
      %dma_wait3A_90 = tpu.memref_slice %arg5[%mul3A_80, %dma_wait3A_89] : memref<80x128xi32, #tpu.memory_space<vmem>> -> memref<1x128xi32, #tpu.memory_space<vmem>>
      %dma_wait3A_91 = tpu.memref_squeeze %dma_wait3A_90 : memref<1x128xi32, #tpu.memory_space<vmem>> -> memref<128xi32, #tpu.memory_space<vmem>>
      %dma_wait3A_92 = arith.constant 0 : i32
      %dma_wait3A_93 = arith.constant 0 : i32
      %dma_wait3A_94 = tpu.memref_slice %arg9[%dma_wait3A_92, %dma_wait3A_93] : memref<10000x64xf32, #tpu.memory_space<vmem_shared>> -> memref<10000x64xf32, #tpu.memory_space<vmem_shared>>
      tpu.wait_indirect_dma semaphore(%arg11 : memref<!tpu.dma_semaphore, #tpu.memory_space<semaphore_mem>>) src(%dma_wait3A_94 : memref<10000x64xf32, #tpu.memory_space<vmem_shared>>) dst(%arg7 : memref<128x64xf32, #tpu.memory_space<vmem>>)
      "tpu.region"() ({
        %run_scoped3A = tpu.sem_alloc : memref<!tpu.dma_semaphore, #tpu.memory_space<semaphore_mem>>
        %dma_start3A_110 = arith.constant 0 : i32
        %dma_start3A_111 = tpu.memref_slice %arg6[%mul3A_80, %dma_start3A_110] : memref<80x128xi32, #tpu.memory_space<vmem>> -> memref<1x128xi32, #tpu.memory_space<vmem>>
        %dma_start3A_112 = tpu.memref_squeeze %dma_start3A_111 : memref<1x128xi32, #tpu.memory_space<vmem>> -> memref<128xi32, #tpu.memory_space<vmem>>
        %dma_start3A_113 = arith.constant 0 : i32
        %dma_start3A_114 = arith.constant 0 : i32
        %dma_start3A_115 = tpu.memref_slice %arg10[%dma_start3A_113, %dma_start3A_114] : memref<10240x64xf32, #tpu.memory_space<vmem_shared>> -> memref<10240x64xf32, #tpu.memory_space<vmem_shared>>
        tpu.enqueue_indirect_dma source(%arg7 : memref<128x64xf32, #tpu.memory_space<vmem>>) target(%dma_start3A_115 : memref<10240x64xf32, #tpu.memory_space<vmem_shared>>) offsets(%dma_start3A_112 : memref<128xi32, #tpu.memory_space<vmem>>) semaphore(%run_scoped3A : memref<!tpu.dma_semaphore, #tpu.memory_space<semaphore_mem>>) {add = true}
        %dma_wait3A_116 = arith.constant 0 : i32
        %dma_wait3A_117 = tpu.memref_slice %arg6[%mul3A_80, %dma_wait3A_116] : memref<80x128xi32, #tpu.memory_space<vmem>> -> memref<1x128xi32, #tpu.memory_space<vmem>>
        %dma_wait3A_118 = tpu.memref_squeeze %dma_wait3A_117 : memref<1x128xi32, #tpu.memory_space<vmem>> -> memref<128xi32, #tpu.memory_space<vmem>>
        %dma_wait3A_119 = arith.constant 0 : i32
        %dma_wait3A_120 = arith.constant 0 : i32
        %dma_wait3A_121 = tpu.memref_slice %arg10[%dma_wait3A_119, %dma_wait3A_120] : memref<10240x64xf32, #tpu.memory_space<vmem_shared>> -> memref<10240x64xf32, #tpu.memory_space<vmem_shared>>
        tpu.wait_indirect_dma semaphore(%run_scoped3A : memref<!tpu.dma_semaphore, #tpu.memory_space<semaphore_mem>>) src(%arg7 : memref<128x64xf32, #tpu.memory_space<vmem>>) dst(%dma_wait3A_121 : memref<10240x64xf32, #tpu.memory_space<vmem_shared>>)
        tpu.yield
      }) : () -> ()
      %lt3A = arith.constant 39 : i32
      %lt3A_95 = arith.cmpi slt, %scan3A_77, %lt3A : i32
      %convert_element_type3A_96 = arith.extui %lt3A_95 : i1 to i32
      %cond3A_97 = arith.constant 0 : i32
      %cond3A_98 = arith.cmpi ne, %convert_element_type3A_96, %cond3A_97 : i32
      scf.if %cond3A_98 {
        %add3A_110 = arith.constant 2 : i32
        %add3A_111 = arith.addi %mul3A_80, %add3A_110 : i32
        %dma_start3A_112 = arith.constant 0 : i32
        %dma_start3A_113 = tpu.memref_slice %arg5[%add3A_111, %dma_start3A_112] : memref<80x128xi32, #tpu.memory_space<vmem>> -> memref<1x128xi32, #tpu.memory_space<vmem>>
        %dma_start3A_114 = tpu.memref_squeeze %dma_start3A_113 : memref<1x128xi32, #tpu.memory_space<vmem>> -> memref<128xi32, #tpu.memory_space<vmem>>
        %dma_start3A_115 = arith.constant 0 : i32
        %dma_start3A_116 = arith.constant 0 : i32
        %dma_start3A_117 = tpu.memref_slice %arg9[%dma_start3A_115, %dma_start3A_116] : memref<10000x64xf32, #tpu.memory_space<vmem_shared>> -> memref<10000x64xf32, #tpu.memory_space<vmem_shared>>
        tpu.enqueue_indirect_dma source(%dma_start3A_117 : memref<10000x64xf32, #tpu.memory_space<vmem_shared>>) target(%arg7 : memref<128x64xf32, #tpu.memory_space<vmem>>) offsets(%dma_start3A_114 : memref<128xi32, #tpu.memory_space<vmem>>) semaphore(%arg11 : memref<!tpu.dma_semaphore, #tpu.memory_space<semaphore_mem>>)
      } else {
      }
      %add3A_99 = arith.constant 1 : i32
      %add3A_100 = arith.addi %mul3A_80, %add3A_99 : i32
      %dma_wait3A_101 = arith.constant 0 : i32
      %dma_wait3A_102 = tpu.memref_slice %arg5[%add3A_100, %dma_wait3A_101] : memref<80x128xi32, #tpu.memory_space<vmem>> -> memref<1x128xi32, #tpu.memory_space<vmem>>
      %dma_wait3A_103 = tpu.memref_squeeze %dma_wait3A_102 : memref<1x128xi32, #tpu.memory_space<vmem>> -> memref<128xi32, #tpu.memory_space<vmem>>
      %dma_wait3A_104 = arith.constant 0 : i32
      %dma_wait3A_105 = arith.constant 0 : i32
      %dma_wait3A_106 = tpu.memref_slice %arg9[%dma_wait3A_104, %dma_wait3A_105] : memref<10000x64xf32, #tpu.memory_space<vmem_shared>> -> memref<10000x64xf32, #tpu.memory_space<vmem_shared>>
      tpu.wait_indirect_dma semaphore(%arg12 : memref<!tpu.dma_semaphore, #tpu.memory_space<semaphore_mem>>) src(%dma_wait3A_106 : memref<10000x64xf32, #tpu.memory_space<vmem_shared>>) dst(%arg8 : memref<128x64xf32, #tpu.memory_space<vmem>>)
      %add3A_107 = arith.constant 1 : i32
      %add3A_108 = arith.addi %mul3A_80, %add3A_107 : i32
      "tpu.region"() ({
        %run_scoped3A = tpu.sem_alloc : memref<!tpu.dma_semaphore, #tpu.memory_space<semaphore_mem>>
        %dma_start3A_110 = arith.constant 0 : i32
        %dma_start3A_111 = tpu.memref_slice %arg6[%add3A_108, %dma_start3A_110] : memref<80x128xi32, #tpu.memory_space<vmem>> -> memref<1x128xi32, #tpu.memory_space<vmem>>
        %dma_start3A_112 = tpu.memref_squeeze %dma_start3A_111 : memref<1x128xi32, #tpu.memory_space<vmem>> -> memref<128xi32, #tpu.memory_space<vmem>>
        %dma_start3A_113 = arith.constant 0 : i32
        %dma_start3A_114 = arith.constant 0 : i32
        %dma_start3A_115 = tpu.memref_slice %arg10[%dma_start3A_113, %dma_start3A_114] : memref<10240x64xf32, #tpu.memory_space<vmem_shared>> -> memref<10240x64xf32, #tpu.memory_space<vmem_shared>>
        tpu.enqueue_indirect_dma source(%arg8 : memref<128x64xf32, #tpu.memory_space<vmem>>) target(%dma_start3A_115 : memref<10240x64xf32, #tpu.memory_space<vmem_shared>>) offsets(%dma_start3A_112 : memref<128xi32, #tpu.memory_space<vmem>>) semaphore(%run_scoped3A : memref<!tpu.dma_semaphore, #tpu.memory_space<semaphore_mem>>) {add = true}
        %dma_wait3A_116 = arith.constant 0 : i32
        %dma_wait3A_117 = tpu.memref_slice %arg6[%add3A_108, %dma_wait3A_116] : memref<80x128xi32, #tpu.memory_space<vmem>> -> memref<1x128xi32, #tpu.memory_space<vmem>>
        %dma_wait3A_118 = tpu.memref_squeeze %dma_wait3A_117 : memref<1x128xi32, #tpu.memory_space<vmem>> -> memref<128xi32, #tpu.memory_space<vmem>>
        %dma_wait3A_119 = arith.constant 0 : i32
        %dma_wait3A_120 = arith.constant 0 : i32
        %dma_wait3A_121 = tpu.memref_slice %arg10[%dma_wait3A_119, %dma_wait3A_120] : memref<10240x64xf32, #tpu.memory_space<vmem_shared>> -> memref<10240x64xf32, #tpu.memory_space<vmem_shared>>
        tpu.wait_indirect_dma semaphore(%run_scoped3A : memref<!tpu.dma_semaphore, #tpu.memory_space<semaphore_mem>>) src(%arg8 : memref<128x64xf32, #tpu.memory_space<vmem>>) dst(%dma_wait3A_121 : memref<10240x64xf32, #tpu.memory_space<vmem_shared>>)
        tpu.yield
      }) : () -> ()
      %scan3A_109 = arith.constant 0 : i32
      scf.yield %scan3A_109 : i32
    }
    %scan3A_75 = arith.constant 40 : i32
    %barrier3A_76 = arith.constant 0 : index
    tpu.barrier barrier_id(%barrier3A_76)
    "tpu.region"() ({
      %run_scoped3A = tpu.sem_alloc : memref<!tpu.dma_semaphore, #tpu.memory_space<semaphore_mem>>
      %dma_start3A_77 = arith.constant 0 : i32
      %dma_start3A_78 = tpu.memref_slice %arg4[%arg0, %mul3A_5, %dma_start3A_77] : memref<2x10240x64xf32, #tpu.memory_space<hbm>> -> memref<1x640x64xf32, #tpu.memory_space<hbm>>
      %dma_start3A_79 = tpu.memref_squeeze %dma_start3A_78 : memref<1x640x64xf32, #tpu.memory_space<hbm>> -> memref<640x64xf32, #tpu.memory_space<hbm>>
      %dma_start3A_80 = arith.constant 0 : i32
      %dma_start3A_81 = tpu.memref_slice %arg10[%mul3A_5, %dma_start3A_80] : memref<10240x64xf32, #tpu.memory_space<vmem_shared>> -> memref<640x64xf32, #tpu.memory_space<vmem_shared>>
      tpu.enqueue_dma source(%dma_start3A_81 : memref<640x64xf32, #tpu.memory_space<vmem_shared>>) target(%dma_start3A_79 : memref<640x64xf32, #tpu.memory_space<hbm>>) target_semaphore(%run_scoped3A : memref<!tpu.dma_semaphore, #tpu.memory_space<semaphore_mem>>)
      %dma_wait3A_82 = arith.constant 0 : i32
      %dma_wait3A_83 = tpu.memref_slice %arg4[%arg0, %mul3A_5, %dma_wait3A_82] : memref<2x10240x64xf32, #tpu.memory_space<hbm>> -> memref<1x640x64xf32, #tpu.memory_space<hbm>>
      %dma_wait3A_84 = tpu.memref_squeeze %dma_wait3A_83 : memref<1x640x64xf32, #tpu.memory_space<hbm>> -> memref<640x64xf32, #tpu.memory_space<hbm>>
      %dma_wait3A_85 = arith.constant 0 : i32
      %dma_wait3A_86 = tpu.memref_slice %arg10[%mul3A_5, %dma_wait3A_85] : memref<10240x64xf32, #tpu.memory_space<vmem_shared>> -> memref<640x64xf32, #tpu.memory_space<vmem_shared>>
      tpu.wait_dma2 semaphore(%run_scoped3A : memref<!tpu.dma_semaphore, #tpu.memory_space<semaphore_mem>>) src(%dma_wait3A_86 : memref<640x64xf32, #tpu.memory_space<vmem_shared>>) dst(%dma_wait3A_84 : memref<640x64xf32, #tpu.memory_space<hbm>>)
      tpu.yield
    }) : () -> ()
    return
  }
}

#map = affine_map<(d0, d1) -> (0, 0)>
#map1 = affine_map<(d0, d1) -> (0, 0, 0, 0)>
#map2 = affine_map<(d0, d1) -> (0, 0, 0)>
module attributes {stable_mosaic.version = 14 : i64} {
  func.func @body(%arg0: i32, %arg1: i32, %arg2: memref<10000x128xf32, #tpu.memory_space<hbm>>, %arg3: memref<32x2x80x128xi32, #tpu.memory_space<hbm>>, %arg4: memref<2x10240x64xf32, #tpu.memory_space<hbm>>, %arg5: memref<80x128xi32, #tpu.memory_space<vmem>>, %arg6: memref<80x128xi32, #tpu.memory_space<vmem>>, %arg7: memref<128x64xf32, #tpu.memory_space<vmem>>, %arg8: memref<128x64xf32, #tpu.memory_space<vmem>>, %arg9: memref<10000x64xf32, #tpu.memory_space<vmem_shared>>, %arg10: memref<10240x64xf32, #tpu.memory_space<vmem_shared>>, %arg11: memref<!tpu.dma_semaphore, #tpu.memory_space<semaphore_mem>>, %arg12: memref<!tpu.dma_semaphore, #tpu.memory_space<semaphore_mem>>) attributes {dimension_semantics = [#tpu.dimension_semantics<core_parallel>, #tpu.dimension_semantics<subcore_parallel>], iteration_bounds = array<i64: 2, 16>, scalar_prefetch = 0 : i64, scratch_operands = 8 : i64, tpu.core_type = #tpu.core_type<sc_vector_subcore>, window_params = [{transform_indices = #map}, {transform_indices = #map1}, {transform_indices = #map2}]} {
    %broadcast_in_dim3A = arith.constant 0.000000e+00 : f32
    %broadcast_in_dim3A_0 = vector.broadcast %broadcast_in_dim3A : f32 to vector<16xf32>
    %broadcast_in_dim3A_1 = arith.constant 1.000000e+00 : f32
    %broadcast_in_dim3A_2 = vector.broadcast %broadcast_in_dim3A_1 : f32 to vector<16xf32>
    %mul3A = arith.constant 16 : i32
    %mul3A_3 = arith.muli %arg0, %mul3A : i32
    %add3A = arith.addi %mul3A_3, %arg1 : i32
    %mul3A_4 = arith.constant 640 : i32
    %mul3A_5 = arith.muli %arg1, %mul3A_4 : i32
    %dma_start3A = arith.constant 0 : i32
    %dma_start3A_6 = arith.constant 0 : i32
    %dma_start3A_7 = arith.constant 0 : i32
    %dma_start3A_8 = tpu.memref_slice %arg3[%add3A, %dma_start3A, %dma_start3A_6, %dma_start3A_7] : memref<32x2x80x128xi32, #tpu.memory_space<hbm>> -> memref<1x1x80x128xi32, #tpu.memory_space<hbm>>
    %dma_start3A_9 = tpu.memref_squeeze %dma_start3A_8 : memref<1x1x80x128xi32, #tpu.memory_space<hbm>> -> memref<80x128xi32, #tpu.memory_space<hbm>>
    %dma_start3A_10 = arith.constant 0 : i32
    %dma_start3A_11 = arith.constant 0 : i32
    %dma_start3A_12 = tpu.memref_slice %arg3[%add3A, %dma_start3A, %dma_start3A_10, %dma_start3A_11] : memref<32x2x80x128xi32, #tpu.memory_space<hbm>> -> memref<1x1x80x128xi32, #tpu.memory_space<hbm>>
    %dma_start3A_13 = tpu.memref_squeeze %dma_start3A_12 : memref<1x1x80x128xi32, #tpu.memory_space<hbm>> -> memref<80x128xi32, #tpu.memory_space<hbm>>
    tpu.enqueue_dma source(%dma_start3A_13 : memref<80x128xi32, #tpu.memory_space<hbm>>) target(%arg5 : memref<80x128xi32, #tpu.memory_space<vmem>>) target_semaphore(%arg11 : memref<!tpu.dma_semaphore, #tpu.memory_space<semaphore_mem>>)
    %dma_start3A_14 = arith.constant 1 : i32
    %dma_start3A_15 = arith.constant 0 : i32
    %dma_start3A_16 = arith.constant 0 : i32
    %dma_start3A_17 = tpu.memref_slice %arg3[%add3A, %dma_start3A_14, %dma_start3A_15, %dma_start3A_16] : memref<32x2x80x128xi32, #tpu.memory_space<hbm>> -> memref<1x1x80x128xi32, #tpu.memory_space<hbm>>
    %dma_start3A_18 = tpu.memref_squeeze %dma_start3A_17 : memref<1x1x80x128xi32, #tpu.memory_space<hbm>> -> memref<80x128xi32, #tpu.memory_space<hbm>>
    %dma_start3A_19 = arith.constant 0 : i32
    %dma_start3A_20 = arith.constant 0 : i32
    %dma_start3A_21 = tpu.memref_slice %arg3[%add3A, %dma_start3A_14, %dma_start3A_19, %dma_start3A_20] : memref<32x2x80x128xi32, #tpu.memory_space<hbm>> -> memref<1x1x80x128xi32, #tpu.memory_space<hbm>>
    %dma_start3A_22 = tpu.memref_squeeze %dma_start3A_21 : memref<1x1x80x128xi32, #tpu.memory_space<hbm>> -> memref<80x128xi32, #tpu.memory_space<hbm>>
    tpu.enqueue_dma source(%dma_start3A_22 : memref<80x128xi32, #tpu.memory_space<hbm>>) target(%arg6 : memref<80x128xi32, #tpu.memory_space<vmem>>) target_semaphore(%arg12 : memref<!tpu.dma_semaphore, #tpu.memory_space<semaphore_mem>>)
    %mul3A_23 = arith.constant 624 : i32
    %mul3A_24 = arith.muli %arg1, %mul3A_23 : i32
    %mul3A_25 = arith.constant 624 : i32
    %mul3A_26 = arith.muli %arg1, %mul3A_25 : i32
    "tpu.region"() ({
      %run_scoped3A = tpu.sem_alloc : memref<!tpu.dma_semaphore, #tpu.memory_space<semaphore_mem>>
      %dma_start3A_77 = arith.constant 0 : i32
      %dma_start3A_78 = tpu.memref_slice %arg9[%mul3A_26, %dma_start3A_77] : memref<10000x64xf32, #tpu.memory_space<vmem_shared>> -> memref<624x64xf32, #tpu.memory_space<vmem_shared>>
      %dma_start3A_79 = arith.constant 64 : i32
      %dma_start3A_80 = tpu.memref_slice %arg2[%mul3A_24, %dma_start3A_79] : memref<10000x128xf32, #tpu.memory_space<hbm>> -> memref<624x64xf32, #tpu.memory_space<hbm>>
      tpu.enqueue_dma source(%dma_start3A_80 : memref<624x64xf32, #tpu.memory_space<hbm>>) target(%dma_start3A_78 : memref<624x64xf32, #tpu.memory_space<vmem_shared>>) target_semaphore(%run_scoped3A : memref<!tpu.dma_semaphore, #tpu.memory_space<semaphore_mem>>)
      %dma_wait3A_81 = arith.constant 0 : i32
      %dma_wait3A_82 = tpu.memref_slice %arg9[%mul3A_26, %dma_wait3A_81] : memref<10000x64xf32, #tpu.memory_space<vmem_shared>> -> memref<624x64xf32, #tpu.memory_space<vmem_shared>>
      %dma_wait3A_83 = arith.constant 64 : i32
      %dma_wait3A_84 = tpu.memref_slice %arg2[%mul3A_24, %dma_wait3A_83] : memref<10000x128xf32, #tpu.memory_space<hbm>> -> memref<624x64xf32, #tpu.memory_space<hbm>>
      tpu.wait_dma2 semaphore(%run_scoped3A : memref<!tpu.dma_semaphore, #tpu.memory_space<semaphore_mem>>) src(%dma_wait3A_84 : memref<624x64xf32, #tpu.memory_space<hbm>>) dst(%dma_wait3A_82 : memref<624x64xf32, #tpu.memory_space<vmem_shared>>)
      tpu.yield
    }) : () -> ()
    %eq3A = arith.constant 0 : i32
    %eq3A_27 = arith.cmpi eq, %arg1, %eq3A : i32
    %convert_element_type3A = arith.extui %eq3A_27 : i1 to i32
    %cond3A = arith.constant 0 : i32
    %cond3A_28 = arith.cmpi ne, %convert_element_type3A, %cond3A : i32
    scf.if %cond3A_28 {
      "tpu.region"() ({
        %run_scoped3A = tpu.sem_alloc : memref<!tpu.dma_semaphore, #tpu.memory_space<semaphore_mem>>
        %dma_start3A_77 = arith.constant 9984 : i32
        %dma_start3A_78 = arith.constant 0 : i32
        %dma_start3A_79 = tpu.memref_slice %arg9[%dma_start3A_77, %dma_start3A_78] : memref<10000x64xf32, #tpu.memory_space<vmem_shared>> -> memref<16x64xf32, #tpu.memory_space<vmem_shared>>
        %dma_start3A_80 = arith.constant 9984 : i32
        %dma_start3A_81 = arith.constant 64 : i32
        %dma_start3A_82 = tpu.memref_slice %arg2[%dma_start3A_80, %dma_start3A_81] : memref<10000x128xf32, #tpu.memory_space<hbm>> -> memref<16x64xf32, #tpu.memory_space<hbm>>
        tpu.enqueue_dma source(%dma_start3A_82 : memref<16x64xf32, #tpu.memory_space<hbm>>) target(%dma_start3A_79 : memref<16x64xf32, #tpu.memory_space<vmem_shared>>) target_semaphore(%run_scoped3A : memref<!tpu.dma_semaphore, #tpu.memory_space<semaphore_mem>>)
        %dma_wait3A_83 = arith.constant 9984 : i32
        %dma_wait3A_84 = arith.constant 0 : i32
        %dma_wait3A_85 = tpu.memref_slice %arg9[%dma_wait3A_83, %dma_wait3A_84] : memref<10000x64xf32, #tpu.memory_space<vmem_shared>> -> memref<16x64xf32, #tpu.memory_space<vmem_shared>>
        %dma_wait3A_86 = arith.constant 9984 : i32
        %dma_wait3A_87 = arith.constant 64 : i32
        %dma_wait3A_88 = tpu.memref_slice %arg2[%dma_wait3A_86, %dma_wait3A_87] : memref<10000x128xf32, #tpu.memory_space<hbm>> -> memref<16x64xf32, #tpu.memory_space<hbm>>
        tpu.wait_dma2 semaphore(%run_scoped3A : memref<!tpu.dma_semaphore, #tpu.memory_space<semaphore_mem>>) src(%dma_wait3A_88 : memref<16x64xf32, #tpu.memory_space<hbm>>) dst(%dma_wait3A_85 : memref<16x64xf32, #tpu.memory_space<vmem_shared>>)
        tpu.yield
      }) : () -> ()
    } else {
    }
    %scan3A = arith.constant 0 : i32
    %scan3A_29 = arith.constant 0 : i32
    %scan3A_30 = arith.constant 128 : i32
    %scan3A_31 = arith.addi %scan3A_29, %scan3A_30 : i32
    %scan3A_32 = arith.constant 1 : i32
    %scan3A_33 = scf.for %scan3A_77 = %scan3A_29 to %scan3A_31 step %scan3A_32 iter_args(%scan3A_78 = %scan3A) -> (i32)  : i32 {
      %swap3A = arith.index_cast %scan3A_77 : i32 to index
      %swap3A_79 = arith.constant 0 : index
      %swap3A_80 = tpu.vector_load %arg7[%swap3A, %swap3A_79] {strides = array<i32>} : memref<128x64xf32, #tpu.memory_space<vmem>>, vector<1x16xf32>,
      %swap3A_81 = vector.shape_cast %swap3A_80 : vector<1x16xf32> to vector<16xf32>
      %swap3A_82 = vector.shape_cast %broadcast_in_dim3A_0 : vector<16xf32> to vector<1x16xf32>
      tpu.vector_store %arg7[%swap3A, %swap3A_79], %swap3A_82 {strides = array<i32>} : memref<128x64xf32, #tpu.memory_space<vmem>>, vector<1x16xf32>,
      %swap3A_83 = arith.index_cast %scan3A_77 : i32 to index
      %swap3A_84 = arith.constant 16 : index
      %swap3A_85 = tpu.vector_load %arg7[%swap3A_83, %swap3A_84] {strides = array<i32>} : memref<128x64xf32, #tpu.memory_space<vmem>>, vector<1x16xf32>,
      %swap3A_86 = vector.shape_cast %swap3A_85 : vector<1x16xf32> to vector<16xf32>
      %swap3A_87 = vector.shape_cast %broadcast_in_dim3A_0 : vector<16xf32> to vector<1x16xf32>
      tpu.vector_store %arg7[%swap3A_83, %swap3A_84], %swap3A_87 {strides = array<i32>} : memref<128x64xf32, #tpu.memory_space<vmem>>, vector<1x16xf32>,
      %swap3A_88 = arith.index_cast %scan3A_77 : i32 to index
      %swap3A_89 = arith.constant 32 : index
      %swap3A_90 = tpu.vector_load %arg7[%swap3A_88, %swap3A_89] {strides = array<i32>} : memref<128x64xf32, #tpu.memory_space<vmem>>, vector<1x16xf32>,
      %swap3A_91 = vector.shape_cast %swap3A_90 : vector<1x16xf32> to vector<16xf32>
      %swap3A_92 = vector.shape_cast %broadcast_in_dim3A_0 : vector<16xf32> to vector<1x16xf32>
      tpu.vector_store %arg7[%swap3A_88, %swap3A_89], %swap3A_92 {strides = array<i32>} : memref<128x64xf32, #tpu.memory_space<vmem>>, vector<1x16xf32>,
      %swap3A_93 = arith.index_cast %scan3A_77 : i32 to index
      %swap3A_94 = arith.constant 48 : index
      %swap3A_95 = tpu.vector_load %arg7[%swap3A_93, %swap3A_94] {strides = array<i32>} : memref<128x64xf32, #tpu.memory_space<vmem>>, vector<1x16xf32>,
      %swap3A_96 = vector.shape_cast %swap3A_95 : vector<1x16xf32> to vector<16xf32>
      %swap3A_97 = vector.shape_cast %broadcast_in_dim3A_0 : vector<16xf32> to vector<1x16xf32>
      tpu.vector_store %arg7[%swap3A_93, %swap3A_94], %swap3A_97 {strides = array<i32>} : memref<128x64xf32, #tpu.memory_space<vmem>>, vector<1x16xf32>,
      %scan3A_98 = arith.constant 0 : i32
      scf.yield %scan3A_98 : i32
    }
    %scan3A_34 = arith.constant 128 : i32
    %add3A_35 = arith.constant 0 : i32
    %add3A_36 = arith.addi %mul3A_5, %add3A_35 : i32
    "tpu.region"() ({
      %run_scoped3A = tpu.sem_alloc : memref<!tpu.dma_semaphore, #tpu.memory_space<semaphore_mem>>
      %dma_start3A_77 = arith.constant 0 : i32
      %dma_start3A_78 = tpu.memref_slice %arg10[%add3A_36, %dma_start3A_77] : memref<10240x64xf32, #tpu.memory_space<vmem_shared>> -> memref<128x64xf32, #tpu.memory_space<vmem_shared>>
      %dma_start3A_79 = arith.constant 0 : i32
      %dma_start3A_80 = tpu.memref_slice %arg10[%add3A_36, %dma_start3A_79] : memref<10240x64xf32, #tpu.memory_space<vmem_shared>> -> memref<128x64xf32, #tpu.memory_space<vmem_shared>>
      tpu.enqueue_dma source(%arg7 : memref<128x64xf32, #tpu.memory_space<vmem>>) target(%dma_start3A_80 : memref<128x64xf32, #tpu.memory_space<vmem_shared>>) target_semaphore(%run_scoped3A : memref<!tpu.dma_semaphore, #tpu.memory_space<semaphore_mem>>)
      %dma_wait3A_81 = arith.constant 0 : i32
      %dma_wait3A_82 = tpu.memref_slice %arg10[%add3A_36, %dma_wait3A_81] : memref<10240x64xf32, #tpu.memory_space<vmem_shared>> -> memref<128x64xf32, #tpu.memory_space<vmem_shared>>
      %dma_wait3A_83 = arith.constant 0 : i32
      %dma_wait3A_84 = tpu.memref_slice %arg10[%add3A_36, %dma_wait3A_83] : memref<10240x64xf32, #tpu.memory_space<vmem_shared>> -> memref<128x64xf32, #tpu.memory_space<vmem_shared>>
      tpu.wait_dma2 semaphore(%run_scoped3A : memref<!tpu.dma_semaphore, #tpu.memory_space<semaphore_mem>>) src(%arg7 : memref<128x64xf32, #tpu.memory_space<vmem>>) dst(%dma_wait3A_84 : memref<128x64xf32, #tpu.memory_space<vmem_shared>>)
      tpu.yield
    }) : () -> ()
    %add3A_37 = arith.constant 128 : i32
    %add3A_38 = arith.addi %mul3A_5, %add3A_37 : i32
    "tpu.region"() ({
      %run_scoped3A = tpu.sem_alloc : memref<!tpu.dma_semaphore, #tpu.memory_space<semaphore_mem>>
      %dma_start3A_77 = arith.constant 0 : i32
      %dma_start3A_78 = tpu.memref_slice %arg10[%add3A_38, %dma_start3A_77] : memref<10240x64xf32, #tpu.memory_space<vmem_shared>> -> memref<128x64xf32, #tpu.memory_space<vmem_shared>>
      %dma_start3A_79 = arith.constant 0 : i32
      %dma_start3A_80 = tpu.memref_slice %arg10[%add3A_38, %dma_start3A_79] : memref<10240x64xf32, #tpu.memory_space<vmem_shared>> -> memref<128x64xf32, #tpu.memory_space<vmem_shared>>
      tpu.enqueue_dma source(%arg7 : memref<128x64xf32, #tpu.memory_space<vmem>>) target(%dma_start3A_80 : memref<128x64xf32, #tpu.memory_space<vmem_shared>>) target_semaphore(%run_scoped3A : memref<!tpu.dma_semaphore, #tpu.memory_space<semaphore_mem>>)
      %dma_wait3A_81 = arith.constant 0 : i32
      %dma_wait3A_82 = tpu.memref_slice %arg10[%add3A_38, %dma_wait3A_81] : memref<10240x64xf32, #tpu.memory_space<vmem_shared>> -> memref<128x64xf32, #tpu.memory_space<vmem_shared>>
      %dma_wait3A_83 = arith.constant 0 : i32
      %dma_wait3A_84 = tpu.memref_slice %arg10[%add3A_38, %dma_wait3A_83] : memref<10240x64xf32, #tpu.memory_space<vmem_shared>> -> memref<128x64xf32, #tpu.memory_space<vmem_shared>>
      tpu.wait_dma2 semaphore(%run_scoped3A : memref<!tpu.dma_semaphore, #tpu.memory_space<semaphore_mem>>) src(%arg7 : memref<128x64xf32, #tpu.memory_space<vmem>>) dst(%dma_wait3A_84 : memref<128x64xf32, #tpu.memory_space<vmem_shared>>)
      tpu.yield
    }) : () -> ()
    %add3A_39 = arith.constant 256 : i32
    %add3A_40 = arith.addi %mul3A_5, %add3A_39 : i32
    "tpu.region"() ({
      %run_scoped3A = tpu.sem_alloc : memref<!tpu.dma_semaphore, #tpu.memory_space<semaphore_mem>>
      %dma_start3A_77 = arith.constant 0 : i32
      %dma_start3A_78 = tpu.memref_slice %arg10[%add3A_40, %dma_start3A_77] : memref<10240x64xf32, #tpu.memory_space<vmem_shared>> -> memref<128x64xf32, #tpu.memory_space<vmem_shared>>
      %dma_start3A_79 = arith.constant 0 : i32
      %dma_start3A_80 = tpu.memref_slice %arg10[%add3A_40, %dma_start3A_79] : memref<10240x64xf32, #tpu.memory_space<vmem_shared>> -> memref<128x64xf32, #tpu.memory_space<vmem_shared>>
      tpu.enqueue_dma source(%arg7 : memref<128x64xf32, #tpu.memory_space<vmem>>) target(%dma_start3A_80 : memref<128x64xf32, #tpu.memory_space<vmem_shared>>) target_semaphore(%run_scoped3A : memref<!tpu.dma_semaphore, #tpu.memory_space<semaphore_mem>>)
      %dma_wait3A_81 = arith.constant 0 : i32
      %dma_wait3A_82 = tpu.memref_slice %arg10[%add3A_40, %dma_wait3A_81] : memref<10240x64xf32, #tpu.memory_space<vmem_shared>> -> memref<128x64xf32, #tpu.memory_space<vmem_shared>>
      %dma_wait3A_83 = arith.constant 0 : i32
      %dma_wait3A_84 = tpu.memref_slice %arg10[%add3A_40, %dma_wait3A_83] : memref<10240x64xf32, #tpu.memory_space<vmem_shared>> -> memref<128x64xf32, #tpu.memory_space<vmem_shared>>
      tpu.wait_dma2 semaphore(%run_scoped3A : memref<!tpu.dma_semaphore, #tpu.memory_space<semaphore_mem>>) src(%arg7 : memref<128x64xf32, #tpu.memory_space<vmem>>) dst(%dma_wait3A_84 : memref<128x64xf32, #tpu.memory_space<vmem_shared>>)
      tpu.yield
    }) : () -> ()
    %add3A_41 = arith.constant 384 : i32
    %add3A_42 = arith.addi %mul3A_5, %add3A_41 : i32
    "tpu.region"() ({
      %run_scoped3A = tpu.sem_alloc : memref<!tpu.dma_semaphore, #tpu.memory_space<semaphore_mem>>
      %dma_start3A_77 = arith.constant 0 : i32
      %dma_start3A_78 = tpu.memref_slice %arg10[%add3A_42, %dma_start3A_77] : memref<10240x64xf32, #tpu.memory_space<vmem_shared>> -> memref<128x64xf32, #tpu.memory_space<vmem_shared>>
      %dma_start3A_79 = arith.constant 0 : i32
      %dma_start3A_80 = tpu.memref_slice %arg10[%add3A_42, %dma_start3A_79] : memref<10240x64xf32, #tpu.memory_space<vmem_shared>> -> memref<128x64xf32, #tpu.memory_space<vmem_shared>>
      tpu.enqueue_dma source(%arg7 : memref<128x64xf32, #tpu.memory_space<vmem>>) target(%dma_start3A_80 : memref<128x64xf32, #tpu.memory_space<vmem_shared>>) target_semaphore(%run_scoped3A : memref<!tpu.dma_semaphore, #tpu.memory_space<semaphore_mem>>)
      %dma_wait3A_81 = arith.constant 0 : i32
      %dma_wait3A_82 = tpu.memref_slice %arg10[%add3A_42, %dma_wait3A_81] : memref<10240x64xf32, #tpu.memory_space<vmem_shared>> -> memref<128x64xf32, #tpu.memory_space<vmem_shared>>
      %dma_wait3A_83 = arith.constant 0 : i32
      %dma_wait3A_84 = tpu.memref_slice %arg10[%add3A_42, %dma_wait3A_83] : memref<10240x64xf32, #tpu.memory_space<vmem_shared>> -> memref<128x64xf32, #tpu.memory_space<vmem_shared>>
      tpu.wait_dma2 semaphore(%run_scoped3A : memref<!tpu.dma_semaphore, #tpu.memory_space<semaphore_mem>>) src(%arg7 : memref<128x64xf32, #tpu.memory_space<vmem>>) dst(%dma_wait3A_84 : memref<128x64xf32, #tpu.memory_space<vmem_shared>>)
      tpu.yield
    }) : () -> ()
    %add3A_43 = arith.constant 512 : i32
    %add3A_44 = arith.addi %mul3A_5, %add3A_43 : i32
    "tpu.region"() ({
      %run_scoped3A = tpu.sem_alloc : memref<!tpu.dma_semaphore, #tpu.memory_space<semaphore_mem>>
      %dma_start3A_77 = arith.constant 0 : i32
      %dma_start3A_78 = tpu.memref_slice %arg10[%add3A_44, %dma_start3A_77] : memref<10240x64xf32, #tpu.memory_space<vmem_shared>> -> memref<128x64xf32, #tpu.memory_space<vmem_shared>>
      %dma_start3A_79 = arith.constant 0 : i32
      %dma_start3A_80 = tpu.memref_slice %arg10[%add3A_44, %dma_start3A_79] : memref<10240x64xf32, #tpu.memory_space<vmem_shared>> -> memref<128x64xf32, #tpu.memory_space<vmem_shared>>
      tpu.enqueue_dma source(%arg7 : memref<128x64xf32, #tpu.memory_space<vmem>>) target(%dma_start3A_80 : memref<128x64xf32, #tpu.memory_space<vmem_shared>>) target_semaphore(%run_scoped3A : memref<!tpu.dma_semaphore, #tpu.memory_space<semaphore_mem>>)
      %dma_wait3A_81 = arith.constant 0 : i32
      %dma_wait3A_82 = tpu.memref_slice %arg10[%add3A_44, %dma_wait3A_81] : memref<10240x64xf32, #tpu.memory_space<vmem_shared>> -> memref<128x64xf32, #tpu.memory_space<vmem_shared>>
      %dma_wait3A_83 = arith.constant 0 : i32
      %dma_wait3A_84 = tpu.memref_slice %arg10[%add3A_44, %dma_wait3A_83] : memref<10240x64xf32, #tpu.memory_space<vmem_shared>> -> memref<128x64xf32, #tpu.memory_space<vmem_shared>>
      tpu.wait_dma2 semaphore(%run_scoped3A : memref<!tpu.dma_semaphore, #tpu.memory_space<semaphore_mem>>) src(%arg7 : memref<128x64xf32, #tpu.memory_space<vmem>>) dst(%dma_wait3A_84 : memref<128x64xf32, #tpu.memory_space<vmem_shared>>)
      tpu.yield
    }) : () -> ()
    %dma_wait3A = arith.constant 0 : i32
    %dma_wait3A_45 = arith.constant 0 : i32
    %dma_wait3A_46 = arith.constant 0 : i32
    %dma_wait3A_47 = tpu.memref_slice %arg3[%add3A, %dma_wait3A, %dma_wait3A_45, %dma_wait3A_46] : memref<32x2x80x128xi32, #tpu.memory_space<hbm>> -> memref<1x1x80x128xi32, #tpu.memory_space<hbm>>
    %dma_wait3A_48 = tpu.memref_squeeze %dma_wait3A_47 : memref<1x1x80x128xi32, #tpu.memory_space<hbm>> -> memref<80x128xi32, #tpu.memory_space<hbm>>
    %dma_wait3A_49 = arith.constant 0 : i32
    %dma_wait3A_50 = arith.constant 0 : i32
    %dma_wait3A_51 = tpu.memref_slice %arg3[%add3A, %dma_wait3A, %dma_wait3A_49, %dma_wait3A_50] : memref<32x2x80x128xi32, #tpu.memory_space<hbm>> -> memref<1x1x80x128xi32, #tpu.memory_space<hbm>>
    %dma_wait3A_52 = tpu.memref_squeeze %dma_wait3A_51 : memref<1x1x80x128xi32, #tpu.memory_space<hbm>> -> memref<80x128xi32, #tpu.memory_space<hbm>>
    tpu.wait_dma2 semaphore(%arg11 : memref<!tpu.dma_semaphore, #tpu.memory_space<semaphore_mem>>) src(%dma_wait3A_52 : memref<80x128xi32, #tpu.memory_space<hbm>>) dst(%arg5 : memref<80x128xi32, #tpu.memory_space<vmem>>)
    %dma_wait3A_53 = arith.constant 1 : i32
    %dma_wait3A_54 = arith.constant 0 : i32
    %dma_wait3A_55 = arith.constant 0 : i32
    %dma_wait3A_56 = tpu.memref_slice %arg3[%add3A, %dma_wait3A_53, %dma_wait3A_54, %dma_wait3A_55] : memref<32x2x80x128xi32, #tpu.memory_space<hbm>> -> memref<1x1x80x128xi32, #tpu.memory_space<hbm>>
    %dma_wait3A_57 = tpu.memref_squeeze %dma_wait3A_56 : memref<1x1x80x128xi32, #tpu.memory_space<hbm>> -> memref<80x128xi32, #tpu.memory_space<hbm>>
    %dma_wait3A_58 = arith.constant 0 : i32
    %dma_wait3A_59 = arith.constant 0 : i32
    %dma_wait3A_60 = tpu.memref_slice %arg3[%add3A, %dma_wait3A_53, %dma_wait3A_58, %dma_wait3A_59] : memref<32x2x80x128xi32, #tpu.memory_space<hbm>> -> memref<1x1x80x128xi32, #tpu.memory_space<hbm>>
    %dma_wait3A_61 = tpu.memref_squeeze %dma_wait3A_60 : memref<1x1x80x128xi32, #tpu.memory_space<hbm>> -> memref<80x128xi32, #tpu.memory_space<hbm>>
    tpu.wait_dma2 semaphore(%arg12 : memref<!tpu.dma_semaphore, #tpu.memory_space<semaphore_mem>>) src(%dma_wait3A_61 : memref<80x128xi32, #tpu.memory_space<hbm>>) dst(%arg6 : memref<80x128xi32, #tpu.memory_space<vmem>>)
    %barrier3A = arith.constant 0 : index
    tpu.barrier barrier_id(%barrier3A)
    %dma_start3A_62 = arith.constant 0 : i32
    %dma_start3A_63 = arith.constant 0 : i32
    %dma_start3A_64 = tpu.memref_slice %arg5[%dma_start3A_62, %dma_start3A_63] : memref<80x128xi32, #tpu.memory_space<vmem>> -> memref<1x128xi32, #tpu.memory_space<vmem>>
    %dma_start3A_65 = tpu.memref_squeeze %dma_start3A_64 : memref<1x128xi32, #tpu.memory_space<vmem>> -> memref<128xi32, #tpu.memory_space<vmem>>
    %dma_start3A_66 = arith.constant 0 : i32
    %dma_start3A_67 = arith.constant 0 : i32
    %dma_start3A_68 = tpu.memref_slice %arg9[%dma_start3A_66, %dma_start3A_67] : memref<10000x64xf32, #tpu.memory_space<vmem_shared>> -> memref<10000x64xf32, #tpu.memory_space<vmem_shared>>
    tpu.enqueue_indirect_dma source(%dma_start3A_68 : memref<10000x64xf32, #tpu.memory_space<vmem_shared>>) target(%arg7 : memref<128x64xf32, #tpu.memory_space<vmem>>) offsets(%dma_start3A_65 : memref<128xi32, #tpu.memory_space<vmem>>) semaphore(%arg11 : memref<!tpu.dma_semaphore, #tpu.memory_space<semaphore_mem>>)
    %scan3A_69 = arith.constant 0 : i32
    %scan3A_70 = arith.constant 0 : i32
    %scan3A_71 = arith.constant 40 : i32
    %scan3A_72 = arith.addi %scan3A_70, %scan3A_71 : i32
    %scan3A_73 = arith.constant 1 : i32
    %scan3A_74 = scf.for %scan3A_77 = %scan3A_70 to %scan3A_72 step %scan3A_73 iter_args(%scan3A_78 = %scan3A_69) -> (i32)  : i32 {
      %mul3A_79 = arith.constant 2 : i32
      %mul3A_80 = arith.muli %mul3A_79, %scan3A_77 : i32
      %add3A_81 = arith.constant 1 : i32
      %add3A_82 = arith.addi %mul3A_80, %add3A_81 : i32
      %dma_start3A_83 = arith.constant 0 : i32
      %dma_start3A_84 = tpu.memref_slice %arg5[%add3A_82, %dma_start3A_83] : memref<80x128xi32, #tpu.memory_space<vmem>> -> memref<1x128xi32, #tpu.memory_space<vmem>>
      %dma_start3A_85 = tpu.memref_squeeze %dma_start3A_84 : memref<1x128xi32, #tpu.memory_space<vmem>> -> memref<128xi32, #tpu.memory_space<vmem>>
      %dma_start3A_86 = arith.constant 0 : i32
      %dma_start3A_87 = arith.constant 0 : i32
      %dma_start3A_88 = tpu.memref_slice %arg9[%dma_start3A_86, %dma_start3A_87] : memref<10000x64xf32, #tpu.memory_space<vmem_shared>> -> memref<10000x64xf32, #tpu.memory_space<vmem_shared>>
      tpu.enqueue_indirect_dma source(%dma_start3A_88 : memref<10000x64xf32, #tpu.memory_space<vmem_shared>>) target(%arg8 : memref<128x64xf32, #tpu.memory_space<vmem>>) offsets(%dma_start3A_85 : memref<128xi32, #tpu.memory_space<vmem>>) semaphore(%arg12 : memref<!tpu.dma_semaphore, #tpu.memory_space<semaphore_mem>>)
      %dma_wait3A_89 = arith.constant 0 : i32
      %dma_wait3A_90 = tpu.memref_slice %arg5[%mul3A_80, %dma_wait3A_89] : memref<80x128xi32, #tpu.memory_space<vmem>> -> memref<1x128xi32, #tpu.memory_space<vmem>>
      %dma_wait3A_91 = tpu.memref_squeeze %dma_wait3A_90 : memref<1x128xi32, #tpu.memory_space<vmem>> -> memref<128xi32, #tpu.memory_space<vmem>>
      %dma_wait3A_92 = arith.constant 0 : i32
      %dma_wait3A_93 = arith.constant 0 : i32
      %dma_wait3A_94 = tpu.memref_slice %arg9[%dma_wait3A_92, %dma_wait3A_93] : memref<10000x64xf32, #tpu.memory_space<vmem_shared>> -> memref<10000x64xf32, #tpu.memory_space<vmem_shared>>
      tpu.wait_indirect_dma semaphore(%arg11 : memref<!tpu.dma_semaphore, #tpu.memory_space<semaphore_mem>>) src(%dma_wait3A_94 : memref<10000x64xf32, #tpu.memory_space<vmem_shared>>) dst(%arg7 : memref<128x64xf32, #tpu.memory_space<vmem>>)
      "tpu.region"() ({
        %run_scoped3A = tpu.sem_alloc : memref<!tpu.dma_semaphore, #tpu.memory_space<semaphore_mem>>
        %dma_start3A_110 = arith.constant 0 : i32
        %dma_start3A_111 = tpu.memref_slice %arg6[%mul3A_80, %dma_start3A_110] : memref<80x128xi32, #tpu.memory_space<vmem>> -> memref<1x128xi32, #tpu.memory_space<vmem>>
        %dma_start3A_112 = tpu.memref_squeeze %dma_start3A_111 : memref<1x128xi32, #tpu.memory_space<vmem>> -> memref<128xi32, #tpu.memory_space<vmem>>
        %dma_start3A_113 = arith.constant 0 : i32
        %dma_start3A_114 = arith.constant 0 : i32
        %dma_start3A_115 = tpu.memref_slice %arg10[%dma_start3A_113, %dma_start3A_114] : memref<10240x64xf32, #tpu.memory_space<vmem_shared>> -> memref<10240x64xf32, #tpu.memory_space<vmem_shared>>
        tpu.enqueue_indirect_dma source(%arg7 : memref<128x64xf32, #tpu.memory_space<vmem>>) target(%dma_start3A_115 : memref<10240x64xf32, #tpu.memory_space<vmem_shared>>) offsets(%dma_start3A_112 : memref<128xi32, #tpu.memory_space<vmem>>) semaphore(%run_scoped3A : memref<!tpu.dma_semaphore, #tpu.memory_space<semaphore_mem>>) {add = true}
        %dma_wait3A_116 = arith.constant 0 : i32
        %dma_wait3A_117 = tpu.memref_slice %arg6[%mul3A_80, %dma_wait3A_116] : memref<80x128xi32, #tpu.memory_space<vmem>> -> memref<1x128xi32, #tpu.memory_space<vmem>>
        %dma_wait3A_118 = tpu.memref_squeeze %dma_wait3A_117 : memref<1x128xi32, #tpu.memory_space<vmem>> -> memref<128xi32, #tpu.memory_space<vmem>>
        %dma_wait3A_119 = arith.constant 0 : i32
        %dma_wait3A_120 = arith.constant 0 : i32
        %dma_wait3A_121 = tpu.memref_slice %arg10[%dma_wait3A_119, %dma_wait3A_120] : memref<10240x64xf32, #tpu.memory_space<vmem_shared>> -> memref<10240x64xf32, #tpu.memory_space<vmem_shared>>
        tpu.wait_indirect_dma semaphore(%run_scoped3A : memref<!tpu.dma_semaphore, #tpu.memory_space<semaphore_mem>>) src(%arg7 : memref<128x64xf32, #tpu.memory_space<vmem>>) dst(%dma_wait3A_121 : memref<10240x64xf32, #tpu.memory_space<vmem_shared>>)
        tpu.yield
      }) : () -> ()
      %lt3A = arith.constant 39 : i32
      %lt3A_95 = arith.cmpi slt, %scan3A_77, %lt3A : i32
      %convert_element_type3A_96 = arith.extui %lt3A_95 : i1 to i32
      %cond3A_97 = arith.constant 0 : i32
      %cond3A_98 = arith.cmpi ne, %convert_element_type3A_96, %cond3A_97 : i32
      scf.if %cond3A_98 {
        %add3A_110 = arith.constant 2 : i32
        %add3A_111 = arith.addi %mul3A_80, %add3A_110 : i32
        %dma_start3A_112 = arith.constant 0 : i32
        %dma_start3A_113 = tpu.memref_slice %arg5[%add3A_111, %dma_start3A_112] : memref<80x128xi32, #tpu.memory_space<vmem>> -> memref<1x128xi32, #tpu.memory_space<vmem>>
        %dma_start3A_114 = tpu.memref_squeeze %dma_start3A_113 : memref<1x128xi32, #tpu.memory_space<vmem>> -> memref<128xi32, #tpu.memory_space<vmem>>
        %dma_start3A_115 = arith.constant 0 : i32
        %dma_start3A_116 = arith.constant 0 : i32
        %dma_start3A_117 = tpu.memref_slice %arg9[%dma_start3A_115, %dma_start3A_116] : memref<10000x64xf32, #tpu.memory_space<vmem_shared>> -> memref<10000x64xf32, #tpu.memory_space<vmem_shared>>
        tpu.enqueue_indirect_dma source(%dma_start3A_117 : memref<10000x64xf32, #tpu.memory_space<vmem_shared>>) target(%arg7 : memref<128x64xf32, #tpu.memory_space<vmem>>) offsets(%dma_start3A_114 : memref<128xi32, #tpu.memory_space<vmem>>) semaphore(%arg11 : memref<!tpu.dma_semaphore, #tpu.memory_space<semaphore_mem>>)
      } else {
      }
      %add3A_99 = arith.constant 1 : i32
      %add3A_100 = arith.addi %mul3A_80, %add3A_99 : i32
      %dma_wait3A_101 = arith.constant 0 : i32
      %dma_wait3A_102 = tpu.memref_slice %arg5[%add3A_100, %dma_wait3A_101] : memref<80x128xi32, #tpu.memory_space<vmem>> -> memref<1x128xi32, #tpu.memory_space<vmem>>
      %dma_wait3A_103 = tpu.memref_squeeze %dma_wait3A_102 : memref<1x128xi32, #tpu.memory_space<vmem>> -> memref<128xi32, #tpu.memory_space<vmem>>
      %dma_wait3A_104 = arith.constant 0 : i32
      %dma_wait3A_105 = arith.constant 0 : i32
      %dma_wait3A_106 = tpu.memref_slice %arg9[%dma_wait3A_104, %dma_wait3A_105] : memref<10000x64xf32, #tpu.memory_space<vmem_shared>> -> memref<10000x64xf32, #tpu.memory_space<vmem_shared>>
      tpu.wait_indirect_dma semaphore(%arg12 : memref<!tpu.dma_semaphore, #tpu.memory_space<semaphore_mem>>) src(%dma_wait3A_106 : memref<10000x64xf32, #tpu.memory_space<vmem_shared>>) dst(%arg8 : memref<128x64xf32, #tpu.memory_space<vmem>>)
      %add3A_107 = arith.constant 1 : i32
      %add3A_108 = arith.addi %mul3A_80, %add3A_107 : i32
      "tpu.region"() ({
        %run_scoped3A = tpu.sem_alloc : memref<!tpu.dma_semaphore, #tpu.memory_space<semaphore_mem>>
        %dma_start3A_110 = arith.constant 0 : i32
        %dma_start3A_111 = tpu.memref_slice %arg6[%add3A_108, %dma_start3A_110] : memref<80x128xi32, #tpu.memory_space<vmem>> -> memref<1x128xi32, #tpu.memory_space<vmem>>
        %dma_start3A_112 = tpu.memref_squeeze %dma_start3A_111 : memref<1x128xi32, #tpu.memory_space<vmem>> -> memref<128xi32, #tpu.memory_space<vmem>>
        %dma_start3A_113 = arith.constant 0 : i32
        %dma_start3A_114 = arith.constant 0 : i32
        %dma_start3A_115 = tpu.memref_slice %arg10[%dma_start3A_113, %dma_start3A_114] : memref<10240x64xf32, #tpu.memory_space<vmem_shared>> -> memref<10240x64xf32, #tpu.memory_space<vmem_shared>>
        tpu.enqueue_indirect_dma source(%arg8 : memref<128x64xf32, #tpu.memory_space<vmem>>) target(%dma_start3A_115 : memref<10240x64xf32, #tpu.memory_space<vmem_shared>>) offsets(%dma_start3A_112 : memref<128xi32, #tpu.memory_space<vmem>>) semaphore(%run_scoped3A : memref<!tpu.dma_semaphore, #tpu.memory_space<semaphore_mem>>) {add = true}
        %dma_wait3A_116 = arith.constant 0 : i32
        %dma_wait3A_117 = tpu.memref_slice %arg6[%add3A_108, %dma_wait3A_116] : memref<80x128xi32, #tpu.memory_space<vmem>> -> memref<1x128xi32, #tpu.memory_space<vmem>>
        %dma_wait3A_118 = tpu.memref_squeeze %dma_wait3A_117 : memref<1x128xi32, #tpu.memory_space<vmem>> -> memref<128xi32, #tpu.memory_space<vmem>>
        %dma_wait3A_119 = arith.constant 0 : i32
        %dma_wait3A_120 = arith.constant 0 : i32
        %dma_wait3A_121 = tpu.memref_slice %arg10[%dma_wait3A_119, %dma_wait3A_120] : memref<10240x64xf32, #tpu.memory_space<vmem_shared>> -> memref<10240x64xf32, #tpu.memory_space<vmem_shared>>
        tpu.wait_indirect_dma semaphore(%run_scoped3A : memref<!tpu.dma_semaphore, #tpu.memory_space<semaphore_mem>>) src(%arg8 : memref<128x64xf32, #tpu.memory_space<vmem>>) dst(%dma_wait3A_121 : memref<10240x64xf32, #tpu.memory_space<vmem_shared>>)
        tpu.yield
      }) : () -> ()
      %scan3A_109 = arith.constant 0 : i32
      scf.yield %scan3A_109 : i32
    }
    %scan3A_75 = arith.constant 40 : i32
    %barrier3A_76 = arith.constant 0 : index
    tpu.barrier barrier_id(%barrier3A_76)
    "tpu.region"() ({
      %run_scoped3A = tpu.sem_alloc : memref<!tpu.dma_semaphore, #tpu.memory_space<semaphore_mem>>
      %dma_start3A_77 = arith.constant 0 : i32
      %dma_start3A_78 = tpu.memref_slice %arg4[%arg0, %mul3A_5, %dma_start3A_77] : memref<2x10240x64xf32, #tpu.memory_space<hbm>> -> memref<1x640x64xf32, #tpu.memory_space<hbm>>
      %dma_start3A_79 = tpu.memref_squeeze %dma_start3A_78 : memref<1x640x64xf32, #tpu.memory_space<hbm>> -> memref<640x64xf32, #tpu.memory_space<hbm>>
      %dma_start3A_80 = arith.constant 0 : i32
      %dma_start3A_81 = tpu.memref_slice %arg10[%mul3A_5, %dma_start3A_80] : memref<10240x64xf32, #tpu.memory_space<vmem_shared>> -> memref<640x64xf32, #tpu.memory_space<vmem_shared>>
      tpu.enqueue_dma source(%dma_start3A_81 : memref<640x64xf32, #tpu.memory_space<vmem_shared>>) target(%dma_start3A_79 : memref<640x64xf32, #tpu.memory_space<hbm>>) target_semaphore(%run_scoped3A : memref<!tpu.dma_semaphore, #tpu.memory_space<semaphore_mem>>)
      %dma_wait3A_82 = arith.constant 0 : i32
      %dma_wait3A_83 = tpu.memref_slice %arg4[%arg0, %mul3A_5, %dma_wait3A_82] : memref<2x10240x64xf32, #tpu.memory_space<hbm>> -> memref<1x640x64xf32, #tpu.memory_space<hbm>>
      %dma_wait3A_84 = tpu.memref_squeeze %dma_wait3A_83 : memref<1x640x64xf32, #tpu.memory_space<hbm>> -> memref<640x64xf32, #tpu.memory_space<hbm>>
      %dma_wait3A_85 = arith.constant 0 : i32
      %dma_wait3A_86 = tpu.memref_slice %arg10[%mul3A_5, %dma_wait3A_85] : memref<10240x64xf32, #tpu.memory_space<vmem_shared>> -> memref<640x64xf32, #tpu.memory_space<vmem_shared>>
      tpu.wait_dma2 semaphore(%run_scoped3A : memref<!tpu.dma_semaphore, #tpu.memory_space<semaphore_mem>>) src(%dma_wait3A_86 : memref<640x64xf32, #tpu.memory_space<vmem_shared>>) dst(%dma_wait3A_84 : memref<640x64xf32, #tpu.memory_space<hbm>>)
      tpu.yield
    }) : () -> ()
    return
  }
}

#map = affine_map<(d0, d1) -> (0, 0)>
#map1 = affine_map<(d0, d1) -> (0, 0, 0, 0)>
#map2 = affine_map<(d0, d1) -> (0, 0, 0)>
module attributes {stable_mosaic.version = 14 : i64} {
  func.func @body(%arg0: i32, %arg1: i32, %arg2: memref<10000x128xf32, #tpu.memory_space<hbm>>, %arg3: memref<32x2x80x128xi32, #tpu.memory_space<hbm>>, %arg4: memref<2x10240x64xf32, #tpu.memory_space<hbm>>, %arg5: memref<2x10240xf32, #tpu.memory_space<hbm>>, %arg6: memref<80x128xi32, #tpu.memory_space<vmem>>, %arg7: memref<80x128xi32, #tpu.memory_space<vmem>>, %arg8: memref<128x64xf32, #tpu.memory_space<vmem>>, %arg9: memref<128x64xf32, #tpu.memory_space<vmem>>, %arg10: memref<10000x64xf32, #tpu.memory_space<vmem_shared>>, %arg11: memref<10240x64xf32, #tpu.memory_space<vmem_shared>>, %arg12: memref<!tpu.dma_semaphore, #tpu.memory_space<semaphore_mem>>, %arg13: memref<!tpu.dma_semaphore, #tpu.memory_space<semaphore_mem>>, %arg14: memref<128xf32, #tpu.memory_space<vmem>>, %arg15: memref<640xf32, #tpu.memory_space<vmem>>, %arg16: memref<10240xf32, #tpu.memory_space<vmem_shared>>) attributes {dimension_semantics = [#tpu.dimension_semantics<core_parallel>, #tpu.dimension_semantics<subcore_parallel>], iteration_bounds = array<i64: 2, 16>, scalar_prefetch = 0 : i64, scratch_operands = 11 : i64, tpu.core_type = #tpu.core_type<sc_vector_subcore>, window_params = [{transform_indices = #map}, {transform_indices = #map1}, {transform_indices = #map2}, {transform_indices = #map}]} {
    %broadcast_in_dim3A = arith.constant 0.000000e+00 : f32
    %broadcast_in_dim3A_0 = vector.broadcast %broadcast_in_dim3A : f32 to vector<16xf32>
    %broadcast_in_dim3A_1 = arith.constant 1.000000e+00 : f32
    %broadcast_in_dim3A_2 = vector.broadcast %broadcast_in_dim3A_1 : f32 to vector<16xf32>
    %mul3A = arith.constant 16 : i32
    %mul3A_3 = arith.muli %arg0, %mul3A : i32
    %add3A = arith.addi %mul3A_3, %arg1 : i32
    %mul3A_4 = arith.constant 640 : i32
    %mul3A_5 = arith.muli %arg1, %mul3A_4 : i32
    %dma_start3A = arith.constant 0 : i32
    %dma_start3A_6 = arith.constant 0 : i32
    %dma_start3A_7 = arith.constant 0 : i32
    %dma_start3A_8 = tpu.memref_slice %arg3[%add3A, %dma_start3A, %dma_start3A_6, %dma_start3A_7] : memref<32x2x80x128xi32, #tpu.memory_space<hbm>> -> memref<1x1x80x128xi32, #tpu.memory_space<hbm>>
    %dma_start3A_9 = tpu.memref_squeeze %dma_start3A_8 : memref<1x1x80x128xi32, #tpu.memory_space<hbm>> -> memref<80x128xi32, #tpu.memory_space<hbm>>
    %dma_start3A_10 = arith.constant 0 : i32
    %dma_start3A_11 = arith.constant 0 : i32
    %dma_start3A_12 = tpu.memref_slice %arg3[%add3A, %dma_start3A, %dma_start3A_10, %dma_start3A_11] : memref<32x2x80x128xi32, #tpu.memory_space<hbm>> -> memref<1x1x80x128xi32, #tpu.memory_space<hbm>>
    %dma_start3A_13 = tpu.memref_squeeze %dma_start3A_12 : memref<1x1x80x128xi32, #tpu.memory_space<hbm>> -> memref<80x128xi32, #tpu.memory_space<hbm>>
    tpu.enqueue_dma source(%dma_start3A_13 : memref<80x128xi32, #tpu.memory_space<hbm>>) target(%arg6 : memref<80x128xi32, #tpu.memory_space<vmem>>) target_semaphore(%arg12 : memref<!tpu.dma_semaphore, #tpu.memory_space<semaphore_mem>>)
    %dma_start3A_14 = arith.constant 1 : i32
    %dma_start3A_15 = arith.constant 0 : i32
    %dma_start3A_16 = arith.constant 0 : i32
    %dma_start3A_17 = tpu.memref_slice %arg3[%add3A, %dma_start3A_14, %dma_start3A_15, %dma_start3A_16] : memref<32x2x80x128xi32, #tpu.memory_space<hbm>> -> memref<1x1x80x128xi32, #tpu.memory_space<hbm>>
    %dma_start3A_18 = tpu.memref_squeeze %dma_start3A_17 : memref<1x1x80x128xi32, #tpu.memory_space<hbm>> -> memref<80x128xi32, #tpu.memory_space<hbm>>
    %dma_start3A_19 = arith.constant 0 : i32
    %dma_start3A_20 = arith.constant 0 : i32
    %dma_start3A_21 = tpu.memref_slice %arg3[%add3A, %dma_start3A_14, %dma_start3A_19, %dma_start3A_20] : memref<32x2x80x128xi32, #tpu.memory_space<hbm>> -> memref<1x1x80x128xi32, #tpu.memory_space<hbm>>
    %dma_start3A_22 = tpu.memref_squeeze %dma_start3A_21 : memref<1x1x80x128xi32, #tpu.memory_space<hbm>> -> memref<80x128xi32, #tpu.memory_space<hbm>>
    tpu.enqueue_dma source(%dma_start3A_22 : memref<80x128xi32, #tpu.memory_space<hbm>>) target(%arg7 : memref<80x128xi32, #tpu.memory_space<vmem>>) target_semaphore(%arg13 : memref<!tpu.dma_semaphore, #tpu.memory_space<semaphore_mem>>)
    %mul3A_23 = arith.constant 624 : i32
    %mul3A_24 = arith.muli %arg1, %mul3A_23 : i32
    %mul3A_25 = arith.constant 624 : i32
    %mul3A_26 = arith.muli %arg1, %mul3A_25 : i32
    "tpu.region"() ({
      %run_scoped3A = tpu.sem_alloc : memref<!tpu.dma_semaphore, #tpu.memory_space<semaphore_mem>>
      %dma_start3A_91 = arith.constant 0 : i32
      %dma_start3A_92 = tpu.memref_slice %arg10[%mul3A_26, %dma_start3A_91] : memref<10000x64xf32, #tpu.memory_space<vmem_shared>> -> memref<624x64xf32, #tpu.memory_space<vmem_shared>>
      %dma_start3A_93 = arith.constant 0 : i32
      %dma_start3A_94 = tpu.memref_slice %arg2[%mul3A_24, %dma_start3A_93] : memref<10000x128xf32, #tpu.memory_space<hbm>> -> memref<624x64xf32, #tpu.memory_space<hbm>>
      tpu.enqueue_dma source(%dma_start3A_94 : memref<624x64xf32, #tpu.memory_space<hbm>>) target(%dma_start3A_92 : memref<624x64xf32, #tpu.memory_space<vmem_shared>>) target_semaphore(%run_scoped3A : memref<!tpu.dma_semaphore, #tpu.memory_space<semaphore_mem>>)
      %dma_wait3A_95 = arith.constant 0 : i32
      %dma_wait3A_96 = tpu.memref_slice %arg10[%mul3A_26, %dma_wait3A_95] : memref<10000x64xf32, #tpu.memory_space<vmem_shared>> -> memref<624x64xf32, #tpu.memory_space<vmem_shared>>
      %dma_wait3A_97 = arith.constant 0 : i32
      %dma_wait3A_98 = tpu.memref_slice %arg2[%mul3A_24, %dma_wait3A_97] : memref<10000x128xf32, #tpu.memory_space<hbm>> -> memref<624x64xf32, #tpu.memory_space<hbm>>
      tpu.wait_dma2 semaphore(%run_scoped3A : memref<!tpu.dma_semaphore, #tpu.memory_space<semaphore_mem>>) src(%dma_wait3A_98 : memref<624x64xf32, #tpu.memory_space<hbm>>) dst(%dma_wait3A_96 : memref<624x64xf32, #tpu.memory_space<vmem_shared>>)
      tpu.yield
    }) : () -> ()
    %eq3A = arith.constant 0 : i32
    %eq3A_27 = arith.cmpi eq, %arg1, %eq3A : i32
    %convert_element_type3A = arith.extui %eq3A_27 : i1 to i32
    %cond3A = arith.constant 0 : i32
    %cond3A_28 = arith.cmpi ne, %convert_element_type3A, %cond3A : i32
    scf.if %cond3A_28 {
      "tpu.region"() ({
        %run_scoped3A = tpu.sem_alloc : memref<!tpu.dma_semaphore, #tpu.memory_space<semaphore_mem>>
        %dma_start3A_91 = arith.constant 9984 : i32
        %dma_start3A_92 = arith.constant 0 : i32
        %dma_start3A_93 = tpu.memref_slice %arg10[%dma_start3A_91, %dma_start3A_92] : memref<10000x64xf32, #tpu.memory_space<vmem_shared>> -> memref<16x64xf32, #tpu.memory_space<vmem_shared>>
        %dma_start3A_94 = arith.constant 9984 : i32
        %dma_start3A_95 = arith.constant 0 : i32
        %dma_start3A_96 = tpu.memref_slice %arg2[%dma_start3A_94, %dma_start3A_95] : memref<10000x128xf32, #tpu.memory_space<hbm>> -> memref<16x64xf32, #tpu.memory_space<hbm>>
        tpu.enqueue_dma source(%dma_start3A_96 : memref<16x64xf32, #tpu.memory_space<hbm>>) target(%dma_start3A_93 : memref<16x64xf32, #tpu.memory_space<vmem_shared>>) target_semaphore(%run_scoped3A : memref<!tpu.dma_semaphore, #tpu.memory_space<semaphore_mem>>)
        %dma_wait3A_97 = arith.constant 9984 : i32
        %dma_wait3A_98 = arith.constant 0 : i32
        %dma_wait3A_99 = tpu.memref_slice %arg10[%dma_wait3A_97, %dma_wait3A_98] : memref<10000x64xf32, #tpu.memory_space<vmem_shared>> -> memref<16x64xf32, #tpu.memory_space<vmem_shared>>
        %dma_wait3A_100 = arith.constant 9984 : i32
        %dma_wait3A_101 = arith.constant 0 : i32
        %dma_wait3A_102 = tpu.memref_slice %arg2[%dma_wait3A_100, %dma_wait3A_101] : memref<10000x128xf32, #tpu.memory_space<hbm>> -> memref<16x64xf32, #tpu.memory_space<hbm>>
        tpu.wait_dma2 semaphore(%run_scoped3A : memref<!tpu.dma_semaphore, #tpu.memory_space<semaphore_mem>>) src(%dma_wait3A_102 : memref<16x64xf32, #tpu.memory_space<hbm>>) dst(%dma_wait3A_99 : memref<16x64xf32, #tpu.memory_space<vmem_shared>>)
        tpu.yield
      }) : () -> ()
    } else {
    }
    %scan3A = arith.constant 0 : i32
    %scan3A_29 = arith.constant 0 : i32
    %scan3A_30 = arith.constant 128 : i32
    %scan3A_31 = arith.addi %scan3A_29, %scan3A_30 : i32
    %scan3A_32 = arith.constant 1 : i32
    %scan3A_33 = scf.for %scan3A_91 = %scan3A_29 to %scan3A_31 step %scan3A_32 iter_args(%scan3A_92 = %scan3A) -> (i32)  : i32 {
      %swap3A = arith.index_cast %scan3A_91 : i32 to index
      %swap3A_93 = arith.constant 0 : index
      %swap3A_94 = tpu.vector_load %arg8[%swap3A, %swap3A_93] {strides = array<i32>} : memref<128x64xf32, #tpu.memory_space<vmem>>, vector<1x16xf32>,
      %swap3A_95 = vector.shape_cast %swap3A_94 : vector<1x16xf32> to vector<16xf32>
      %swap3A_96 = vector.shape_cast %broadcast_in_dim3A_0 : vector<16xf32> to vector<1x16xf32>
      tpu.vector_store %arg8[%swap3A, %swap3A_93], %swap3A_96 {strides = array<i32>} : memref<128x64xf32, #tpu.memory_space<vmem>>, vector<1x16xf32>,
      %swap3A_97 = arith.index_cast %scan3A_91 : i32 to index
      %swap3A_98 = arith.constant 16 : index
      %swap3A_99 = tpu.vector_load %arg8[%swap3A_97, %swap3A_98] {strides = array<i32>} : memref<128x64xf32, #tpu.memory_space<vmem>>, vector<1x16xf32>,
      %swap3A_100 = vector.shape_cast %swap3A_99 : vector<1x16xf32> to vector<16xf32>
      %swap3A_101 = vector.shape_cast %broadcast_in_dim3A_0 : vector<16xf32> to vector<1x16xf32>
      tpu.vector_store %arg8[%swap3A_97, %swap3A_98], %swap3A_101 {strides = array<i32>} : memref<128x64xf32, #tpu.memory_space<vmem>>, vector<1x16xf32>,
      %swap3A_102 = arith.index_cast %scan3A_91 : i32 to index
      %swap3A_103 = arith.constant 32 : index
      %swap3A_104 = tpu.vector_load %arg8[%swap3A_102, %swap3A_103] {strides = array<i32>} : memref<128x64xf32, #tpu.memory_space<vmem>>, vector<1x16xf32>,
      %swap3A_105 = vector.shape_cast %swap3A_104 : vector<1x16xf32> to vector<16xf32>
      %swap3A_106 = vector.shape_cast %broadcast_in_dim3A_0 : vector<16xf32> to vector<1x16xf32>
      tpu.vector_store %arg8[%swap3A_102, %swap3A_103], %swap3A_106 {strides = array<i32>} : memref<128x64xf32, #tpu.memory_space<vmem>>, vector<1x16xf32>,
      %swap3A_107 = arith.index_cast %scan3A_91 : i32 to index
      %swap3A_108 = arith.constant 48 : index
      %swap3A_109 = tpu.vector_load %arg8[%swap3A_107, %swap3A_108] {strides = array<i32>} : memref<128x64xf32, #tpu.memory_space<vmem>>, vector<1x16xf32>,
      %swap3A_110 = vector.shape_cast %swap3A_109 : vector<1x16xf32> to vector<16xf32>
      %swap3A_111 = vector.shape_cast %broadcast_in_dim3A_0 : vector<16xf32> to vector<1x16xf32>
      tpu.vector_store %arg8[%swap3A_107, %swap3A_108], %swap3A_111 {strides = array<i32>} : memref<128x64xf32, #tpu.memory_space<vmem>>, vector<1x16xf32>,
      %scan3A_112 = arith.constant 0 : i32
      scf.yield %scan3A_112 : i32
    }
    %scan3A_34 = arith.constant 128 : i32
    %add3A_35 = arith.constant 0 : i32
    %add3A_36 = arith.addi %mul3A_5, %add3A_35 : i32
    "tpu.region"() ({
      %run_scoped3A = tpu.sem_alloc : memref<!tpu.dma_semaphore, #tpu.memory_space<semaphore_mem>>
      %dma_start3A_91 = arith.constant 0 : i32
      %dma_start3A_92 = tpu.memref_slice %arg11[%add3A_36, %dma_start3A_91] : memref<10240x64xf32, #tpu.memory_space<vmem_shared>> -> memref<128x64xf32, #tpu.memory_space<vmem_shared>>
      %dma_start3A_93 = arith.constant 0 : i32
      %dma_start3A_94 = tpu.memref_slice %arg11[%add3A_36, %dma_start3A_93] : memref<10240x64xf32, #tpu.memory_space<vmem_shared>> -> memref<128x64xf32, #tpu.memory_space<vmem_shared>>
      tpu.enqueue_dma source(%arg8 : memref<128x64xf32, #tpu.memory_space<vmem>>) target(%dma_start3A_94 : memref<128x64xf32, #tpu.memory_space<vmem_shared>>) target_semaphore(%run_scoped3A : memref<!tpu.dma_semaphore, #tpu.memory_space<semaphore_mem>>)
      %dma_wait3A_95 = arith.constant 0 : i32
      %dma_wait3A_96 = tpu.memref_slice %arg11[%add3A_36, %dma_wait3A_95] : memref<10240x64xf32, #tpu.memory_space<vmem_shared>> -> memref<128x64xf32, #tpu.memory_space<vmem_shared>>
      %dma_wait3A_97 = arith.constant 0 : i32
      %dma_wait3A_98 = tpu.memref_slice %arg11[%add3A_36, %dma_wait3A_97] : memref<10240x64xf32, #tpu.memory_space<vmem_shared>> -> memref<128x64xf32, #tpu.memory_space<vmem_shared>>
      tpu.wait_dma2 semaphore(%run_scoped3A : memref<!tpu.dma_semaphore, #tpu.memory_space<semaphore_mem>>) src(%arg8 : memref<128x64xf32, #tpu.memory_space<vmem>>) dst(%dma_wait3A_98 : memref<128x64xf32, #tpu.memory_space<vmem_shared>>)
      tpu.yield
    }) : () -> ()
    %add3A_37 = arith.constant 128 : i32
    %add3A_38 = arith.addi %mul3A_5, %add3A_37 : i32
    "tpu.region"() ({
      %run_scoped3A = tpu.sem_alloc : memref<!tpu.dma_semaphore, #tpu.memory_space<semaphore_mem>>
      %dma_start3A_91 = arith.constant 0 : i32
      %dma_start3A_92 = tpu.memref_slice %arg11[%add3A_38, %dma_start3A_91] : memref<10240x64xf32, #tpu.memory_space<vmem_shared>> -> memref<128x64xf32, #tpu.memory_space<vmem_shared>>
      %dma_start3A_93 = arith.constant 0 : i32
      %dma_start3A_94 = tpu.memref_slice %arg11[%add3A_38, %dma_start3A_93] : memref<10240x64xf32, #tpu.memory_space<vmem_shared>> -> memref<128x64xf32, #tpu.memory_space<vmem_shared>>
      tpu.enqueue_dma source(%arg8 : memref<128x64xf32, #tpu.memory_space<vmem>>) target(%dma_start3A_94 : memref<128x64xf32, #tpu.memory_space<vmem_shared>>) target_semaphore(%run_scoped3A : memref<!tpu.dma_semaphore, #tpu.memory_space<semaphore_mem>>)
      %dma_wait3A_95 = arith.constant 0 : i32
      %dma_wait3A_96 = tpu.memref_slice %arg11[%add3A_38, %dma_wait3A_95] : memref<10240x64xf32, #tpu.memory_space<vmem_shared>> -> memref<128x64xf32, #tpu.memory_space<vmem_shared>>
      %dma_wait3A_97 = arith.constant 0 : i32
      %dma_wait3A_98 = tpu.memref_slice %arg11[%add3A_38, %dma_wait3A_97] : memref<10240x64xf32, #tpu.memory_space<vmem_shared>> -> memref<128x64xf32, #tpu.memory_space<vmem_shared>>
      tpu.wait_dma2 semaphore(%run_scoped3A : memref<!tpu.dma_semaphore, #tpu.memory_space<semaphore_mem>>) src(%arg8 : memref<128x64xf32, #tpu.memory_space<vmem>>) dst(%dma_wait3A_98 : memref<128x64xf32, #tpu.memory_space<vmem_shared>>)
      tpu.yield
    }) : () -> ()
    %add3A_39 = arith.constant 256 : i32
    %add3A_40 = arith.addi %mul3A_5, %add3A_39 : i32
    "tpu.region"() ({
      %run_scoped3A = tpu.sem_alloc : memref<!tpu.dma_semaphore, #tpu.memory_space<semaphore_mem>>
      %dma_start3A_91 = arith.constant 0 : i32
      %dma_start3A_92 = tpu.memref_slice %arg11[%add3A_40, %dma_start3A_91] : memref<10240x64xf32, #tpu.memory_space<vmem_shared>> -> memref<128x64xf32, #tpu.memory_space<vmem_shared>>
      %dma_start3A_93 = arith.constant 0 : i32
      %dma_start3A_94 = tpu.memref_slice %arg11[%add3A_40, %dma_start3A_93] : memref<10240x64xf32, #tpu.memory_space<vmem_shared>> -> memref<128x64xf32, #tpu.memory_space<vmem_shared>>
      tpu.enqueue_dma source(%arg8 : memref<128x64xf32, #tpu.memory_space<vmem>>) target(%dma_start3A_94 : memref<128x64xf32, #tpu.memory_space<vmem_shared>>) target_semaphore(%run_scoped3A : memref<!tpu.dma_semaphore, #tpu.memory_space<semaphore_mem>>)
      %dma_wait3A_95 = arith.constant 0 : i32
      %dma_wait3A_96 = tpu.memref_slice %arg11[%add3A_40, %dma_wait3A_95] : memref<10240x64xf32, #tpu.memory_space<vmem_shared>> -> memref<128x64xf32, #tpu.memory_space<vmem_shared>>
      %dma_wait3A_97 = arith.constant 0 : i32
      %dma_wait3A_98 = tpu.memref_slice %arg11[%add3A_40, %dma_wait3A_97] : memref<10240x64xf32, #tpu.memory_space<vmem_shared>> -> memref<128x64xf32, #tpu.memory_space<vmem_shared>>
      tpu.wait_dma2 semaphore(%run_scoped3A : memref<!tpu.dma_semaphore, #tpu.memory_space<semaphore_mem>>) src(%arg8 : memref<128x64xf32, #tpu.memory_space<vmem>>) dst(%dma_wait3A_98 : memref<128x64xf32, #tpu.memory_space<vmem_shared>>)
      tpu.yield
    }) : () -> ()
    %add3A_41 = arith.constant 384 : i32
    %add3A_42 = arith.addi %mul3A_5, %add3A_41 : i32
    "tpu.region"() ({
      %run_scoped3A = tpu.sem_alloc : memref<!tpu.dma_semaphore, #tpu.memory_space<semaphore_mem>>
      %dma_start3A_91 = arith.constant 0 : i32
      %dma_start3A_92 = tpu.memref_slice %arg11[%add3A_42, %dma_start3A_91] : memref<10240x64xf32, #tpu.memory_space<vmem_shared>> -> memref<128x64xf32, #tpu.memory_space<vmem_shared>>
      %dma_start3A_93 = arith.constant 0 : i32
      %dma_start3A_94 = tpu.memref_slice %arg11[%add3A_42, %dma_start3A_93] : memref<10240x64xf32, #tpu.memory_space<vmem_shared>> -> memref<128x64xf32, #tpu.memory_space<vmem_shared>>
      tpu.enqueue_dma source(%arg8 : memref<128x64xf32, #tpu.memory_space<vmem>>) target(%dma_start3A_94 : memref<128x64xf32, #tpu.memory_space<vmem_shared>>) target_semaphore(%run_scoped3A : memref<!tpu.dma_semaphore, #tpu.memory_space<semaphore_mem>>)
      %dma_wait3A_95 = arith.constant 0 : i32
      %dma_wait3A_96 = tpu.memref_slice %arg11[%add3A_42, %dma_wait3A_95] : memref<10240x64xf32, #tpu.memory_space<vmem_shared>> -> memref<128x64xf32, #tpu.memory_space<vmem_shared>>
      %dma_wait3A_97 = arith.constant 0 : i32
      %dma_wait3A_98 = tpu.memref_slice %arg11[%add3A_42, %dma_wait3A_97] : memref<10240x64xf32, #tpu.memory_space<vmem_shared>> -> memref<128x64xf32, #tpu.memory_space<vmem_shared>>
      tpu.wait_dma2 semaphore(%run_scoped3A : memref<!tpu.dma_semaphore, #tpu.memory_space<semaphore_mem>>) src(%arg8 : memref<128x64xf32, #tpu.memory_space<vmem>>) dst(%dma_wait3A_98 : memref<128x64xf32, #tpu.memory_space<vmem_shared>>)
      tpu.yield
    }) : () -> ()
    %add3A_43 = arith.constant 512 : i32
    %add3A_44 = arith.addi %mul3A_5, %add3A_43 : i32
    "tpu.region"() ({
      %run_scoped3A = tpu.sem_alloc : memref<!tpu.dma_semaphore, #tpu.memory_space<semaphore_mem>>
      %dma_start3A_91 = arith.constant 0 : i32
      %dma_start3A_92 = tpu.memref_slice %arg11[%add3A_44, %dma_start3A_91] : memref<10240x64xf32, #tpu.memory_space<vmem_shared>> -> memref<128x64xf32, #tpu.memory_space<vmem_shared>>
      %dma_start3A_93 = arith.constant 0 : i32
      %dma_start3A_94 = tpu.memref_slice %arg11[%add3A_44, %dma_start3A_93] : memref<10240x64xf32, #tpu.memory_space<vmem_shared>> -> memref<128x64xf32, #tpu.memory_space<vmem_shared>>
      tpu.enqueue_dma source(%arg8 : memref<128x64xf32, #tpu.memory_space<vmem>>) target(%dma_start3A_94 : memref<128x64xf32, #tpu.memory_space<vmem_shared>>) target_semaphore(%run_scoped3A : memref<!tpu.dma_semaphore, #tpu.memory_space<semaphore_mem>>)
      %dma_wait3A_95 = arith.constant 0 : i32
      %dma_wait3A_96 = tpu.memref_slice %arg11[%add3A_44, %dma_wait3A_95] : memref<10240x64xf32, #tpu.memory_space<vmem_shared>> -> memref<128x64xf32, #tpu.memory_space<vmem_shared>>
      %dma_wait3A_97 = arith.constant 0 : i32
      %dma_wait3A_98 = tpu.memref_slice %arg11[%add3A_44, %dma_wait3A_97] : memref<10240x64xf32, #tpu.memory_space<vmem_shared>> -> memref<128x64xf32, #tpu.memory_space<vmem_shared>>
      tpu.wait_dma2 semaphore(%run_scoped3A : memref<!tpu.dma_semaphore, #tpu.memory_space<semaphore_mem>>) src(%arg8 : memref<128x64xf32, #tpu.memory_space<vmem>>) dst(%dma_wait3A_98 : memref<128x64xf32, #tpu.memory_space<vmem_shared>>)
      tpu.yield
    }) : () -> ()
    %scan3A_45 = arith.constant 0 : i32
    %scan3A_46 = arith.constant 0 : i32
    %scan3A_47 = arith.constant 8 : i32
    %scan3A_48 = arith.addi %scan3A_46, %scan3A_47 : i32
    %scan3A_49 = arith.constant 1 : i32
    %scan3A_50 = scf.for %scan3A_91 = %scan3A_46 to %scan3A_48 step %scan3A_49 iter_args(%scan3A_92 = %scan3A_45) -> (i32)  : i32 {
      %mul3A_93 = arith.constant 16 : i32
      %mul3A_94 = arith.muli %scan3A_91, %mul3A_93 : i32
      %swap3A = arith.index_cast %mul3A_94 : i32 to index
      %swap3A_95 = tpu.vector_load %arg14[%swap3A] {strides = array<i32>} : memref<128xf32, #tpu.memory_space<vmem>>, vector<16xf32>,
      %swap3A_96 = vector.shape_cast %swap3A_95 : vector<16xf32> to vector<16xf32>
      %swap3A_97 = vector.shape_cast %broadcast_in_dim3A_2 : vector<16xf32> to vector<16xf32>
      tpu.vector_store %arg14[%swap3A], %swap3A_97 {strides = array<i32>} : memref<128xf32, #tpu.memory_space<vmem>>, vector<16xf32>,
      %scan3A_98 = arith.constant 0 : i32
      scf.yield %scan3A_98 : i32
    }
    %scan3A_51 = arith.constant 8 : i32
    %scan3A_52 = arith.constant 0 : i32
    %scan3A_53 = arith.constant 0 : i32
    %scan3A_54 = arith.constant 40 : i32
    %scan3A_55 = arith.addi %scan3A_53, %scan3A_54 : i32
    %scan3A_56 = arith.constant 1 : i32
    %scan3A_57 = scf.for %scan3A_91 = %scan3A_53 to %scan3A_55 step %scan3A_56 iter_args(%scan3A_92 = %scan3A_52) -> (i32)  : i32 {
      %mul3A_93 = arith.constant 16 : i32
      %mul3A_94 = arith.muli %scan3A_91, %mul3A_93 : i32
      %swap3A = arith.index_cast %mul3A_94 : i32 to index
      %swap3A_95 = tpu.vector_load %arg15[%swap3A] {strides = array<i32>} : memref<640xf32, #tpu.memory_space<vmem>>, vector<16xf32>,
      %swap3A_96 = vector.shape_cast %swap3A_95 : vector<16xf32> to vector<16xf32>
      %swap3A_97 = vector.shape_cast %broadcast_in_dim3A_0 : vector<16xf32> to vector<16xf32>
      tpu.vector_store %arg15[%swap3A], %swap3A_97 {strides = array<i32>} : memref<640xf32, #tpu.memory_space<vmem>>, vector<16xf32>,
      %scan3A_98 = arith.constant 0 : i32
      scf.yield %scan3A_98 : i32
    }
    %scan3A_58 = arith.constant 40 : i32
    "tpu.region"() ({
      %run_scoped3A = tpu.sem_alloc : memref<!tpu.dma_semaphore, #tpu.memory_space<semaphore_mem>>
      %dma_start3A_91 = tpu.memref_slice %arg16[%mul3A_5] : memref<10240xf32, #tpu.memory_space<vmem_shared>> -> memref<640xf32, #tpu.memory_space<vmem_shared>>
      %dma_start3A_92 = tpu.memref_slice %arg16[%mul3A_5] : memref<10240xf32, #tpu.memory_space<vmem_shared>> -> memref<640xf32, #tpu.memory_space<vmem_shared>>
      tpu.enqueue_dma source(%arg15 : memref<640xf32, #tpu.memory_space<vmem>>) target(%dma_start3A_92 : memref<640xf32, #tpu.memory_space<vmem_shared>>) target_semaphore(%run_scoped3A : memref<!tpu.dma_semaphore, #tpu.memory_space<semaphore_mem>>)
      %dma_wait3A_93 = tpu.memref_slice %arg16[%mul3A_5] : memref<10240xf32, #tpu.memory_space<vmem_shared>> -> memref<640xf32, #tpu.memory_space<vmem_shared>>
      %dma_wait3A_94 = tpu.memref_slice %arg16[%mul3A_5] : memref<10240xf32, #tpu.memory_space<vmem_shared>> -> memref<640xf32, #tpu.memory_space<vmem_shared>>
      tpu.wait_dma2 semaphore(%run_scoped3A : memref<!tpu.dma_semaphore, #tpu.memory_space<semaphore_mem>>) src(%arg15 : memref<640xf32, #tpu.memory_space<vmem>>) dst(%dma_wait3A_94 : memref<640xf32, #tpu.memory_space<vmem_shared>>)
      tpu.yield
    }) : () -> ()
    %dma_wait3A = arith.constant 0 : i32
    %dma_wait3A_59 = arith.constant 0 : i32
    %dma_wait3A_60 = arith.constant 0 : i32
    %dma_wait3A_61 = tpu.memref_slice %arg3[%add3A, %dma_wait3A, %dma_wait3A_59, %dma_wait3A_60] : memref<32x2x80x128xi32, #tpu.memory_space<hbm>> -> memref<1x1x80x128xi32, #tpu.memory_space<hbm>>
    %dma_wait3A_62 = tpu.memref_squeeze %dma_wait3A_61 : memref<1x1x80x128xi32, #tpu.memory_space<hbm>> -> memref<80x128xi32, #tpu.memory_space<hbm>>
    %dma_wait3A_63 = arith.constant 0 : i32
    %dma_wait3A_64 = arith.constant 0 : i32
    %dma_wait3A_65 = tpu.memref_slice %arg3[%add3A, %dma_wait3A, %dma_wait3A_63, %dma_wait3A_64] : memref<32x2x80x128xi32, #tpu.memory_space<hbm>> -> memref<1x1x80x128xi32, #tpu.memory_space<hbm>>
    %dma_wait3A_66 = tpu.memref_squeeze %dma_wait3A_65 : memref<1x1x80x128xi32, #tpu.memory_space<hbm>> -> memref<80x128xi32, #tpu.memory_space<hbm>>
    tpu.wait_dma2 semaphore(%arg12 : memref<!tpu.dma_semaphore, #tpu.memory_space<semaphore_mem>>) src(%dma_wait3A_66 : memref<80x128xi32, #tpu.memory_space<hbm>>) dst(%arg6 : memref<80x128xi32, #tpu.memory_space<vmem>>)
    %dma_wait3A_67 = arith.constant 1 : i32
    %dma_wait3A_68 = arith.constant 0 : i32
    %dma_wait3A_69 = arith.constant 0 : i32
    %dma_wait3A_70 = tpu.memref_slice %arg3[%add3A, %dma_wait3A_67, %dma_wait3A_68, %dma_wait3A_69] : memref<32x2x80x128xi32, #tpu.memory_space<hbm>> -> memref<1x1x80x128xi32, #tpu.memory_space<hbm>>
    %dma_wait3A_71 = tpu.memref_squeeze %dma_wait3A_70 : memref<1x1x80x128xi32, #tpu.memory_space<hbm>> -> memref<80x128xi32, #tpu.memory_space<hbm>>
    %dma_wait3A_72 = arith.constant 0 : i32
    %dma_wait3A_73 = arith.constant 0 : i32
    %dma_wait3A_74 = tpu.memref_slice %arg3[%add3A, %dma_wait3A_67, %dma_wait3A_72, %dma_wait3A_73] : memref<32x2x80x128xi32, #tpu.memory_space<hbm>> -> memref<1x1x80x128xi32, #tpu.memory_space<hbm>>
    %dma_wait3A_75 = tpu.memref_squeeze %dma_wait3A_74 : memref<1x1x80x128xi32, #tpu.memory_space<hbm>> -> memref<80x128xi32, #tpu.memory_space<hbm>>
    tpu.wait_dma2 semaphore(%arg13 : memref<!tpu.dma_semaphore, #tpu.memory_space<semaphore_mem>>) src(%dma_wait3A_75 : memref<80x128xi32, #tpu.memory_space<hbm>>) dst(%arg7 : memref<80x128xi32, #tpu.memory_space<vmem>>)
    %barrier3A = arith.constant 0 : index
    tpu.barrier barrier_id(%barrier3A)
    %dma_start3A_76 = arith.constant 0 : i32
    %dma_start3A_77 = arith.constant 0 : i32
    %dma_start3A_78 = tpu.memref_slice %arg6[%dma_start3A_76, %dma_start3A_77] : memref<80x128xi32, #tpu.memory_space<vmem>> -> memref<1x128xi32, #tpu.memory_space<vmem>>
    %dma_start3A_79 = tpu.memref_squeeze %dma_start3A_78 : memref<1x128xi32, #tpu.memory_space<vmem>> -> memref<128xi32, #tpu.memory_space<vmem>>
    %dma_start3A_80 = arith.constant 0 : i32
    %dma_start3A_81 = arith.constant 0 : i32
    %dma_start3A_82 = tpu.memref_slice %arg10[%dma_start3A_80, %dma_start3A_81] : memref<10000x64xf32, #tpu.memory_space<vmem_shared>> -> memref<10000x64xf32, #tpu.memory_space<vmem_shared>>
    tpu.enqueue_indirect_dma source(%dma_start3A_82 : memref<10000x64xf32, #tpu.memory_space<vmem_shared>>) target(%arg8 : memref<128x64xf32, #tpu.memory_space<vmem>>) offsets(%dma_start3A_79 : memref<128xi32, #tpu.memory_space<vmem>>) semaphore(%arg12 : memref<!tpu.dma_semaphore, #tpu.memory_space<semaphore_mem>>)
    %scan3A_83 = arith.constant 0 : i32
    %scan3A_84 = arith.constant 0 : i32
    %scan3A_85 = arith.constant 40 : i32
    %scan3A_86 = arith.addi %scan3A_84, %scan3A_85 : i32
    %scan3A_87 = arith.constant 1 : i32
    %scan3A_88 = scf.for %scan3A_91 = %scan3A_84 to %scan3A_86 step %scan3A_87 iter_args(%scan3A_92 = %scan3A_83) -> (i32)  : i32 {
      %mul3A_93 = arith.constant 2 : i32
      %mul3A_94 = arith.muli %mul3A_93, %scan3A_91 : i32
      %add3A_95 = arith.constant 1 : i32
      %add3A_96 = arith.addi %mul3A_94, %add3A_95 : i32
      %dma_start3A_97 = arith.constant 0 : i32
      %dma_start3A_98 = tpu.memref_slice %arg6[%add3A_96, %dma_start3A_97] : memref<80x128xi32, #tpu.memory_space<vmem>> -> memref<1x128xi32, #tpu.memory_space<vmem>>
      %dma_start3A_99 = tpu.memref_squeeze %dma_start3A_98 : memref<1x128xi32, #tpu.memory_space<vmem>> -> memref<128xi32, #tpu.memory_space<vmem>>
      %dma_start3A_100 = arith.constant 0 : i32
      %dma_start3A_101 = arith.constant 0 : i32
      %dma_start3A_102 = tpu.memref_slice %arg10[%dma_start3A_100, %dma_start3A_101] : memref<10000x64xf32, #tpu.memory_space<vmem_shared>> -> memref<10000x64xf32, #tpu.memory_space<vmem_shared>>
      tpu.enqueue_indirect_dma source(%dma_start3A_102 : memref<10000x64xf32, #tpu.memory_space<vmem_shared>>) target(%arg9 : memref<128x64xf32, #tpu.memory_space<vmem>>) offsets(%dma_start3A_99 : memref<128xi32, #tpu.memory_space<vmem>>) semaphore(%arg13 : memref<!tpu.dma_semaphore, #tpu.memory_space<semaphore_mem>>)
      %dma_wait3A_103 = arith.constant 0 : i32
      %dma_wait3A_104 = tpu.memref_slice %arg6[%mul3A_94, %dma_wait3A_103] : memref<80x128xi32, #tpu.memory_space<vmem>> -> memref<1x128xi32, #tpu.memory_space<vmem>>
      %dma_wait3A_105 = tpu.memref_squeeze %dma_wait3A_104 : memref<1x128xi32, #tpu.memory_space<vmem>> -> memref<128xi32, #tpu.memory_space<vmem>>
      %dma_wait3A_106 = arith.constant 0 : i32
      %dma_wait3A_107 = arith.constant 0 : i32
      %dma_wait3A_108 = tpu.memref_slice %arg10[%dma_wait3A_106, %dma_wait3A_107] : memref<10000x64xf32, #tpu.memory_space<vmem_shared>> -> memref<10000x64xf32, #tpu.memory_space<vmem_shared>>
      tpu.wait_indirect_dma semaphore(%arg12 : memref<!tpu.dma_semaphore, #tpu.memory_space<semaphore_mem>>) src(%dma_wait3A_108 : memref<10000x64xf32, #tpu.memory_space<vmem_shared>>) dst(%arg8 : memref<128x64xf32, #tpu.memory_space<vmem>>)
      "tpu.region"() ({
        %run_scoped3A = tpu.sem_alloc : memref<!tpu.dma_semaphore, #tpu.memory_space<semaphore_mem>>
        %dma_start3A_126 = arith.constant 0 : i32
        %dma_start3A_127 = tpu.memref_slice %arg7[%mul3A_94, %dma_start3A_126] : memref<80x128xi32, #tpu.memory_space<vmem>> -> memref<1x128xi32, #tpu.memory_space<vmem>>
        %dma_start3A_128 = tpu.memref_squeeze %dma_start3A_127 : memref<1x128xi32, #tpu.memory_space<vmem>> -> memref<128xi32, #tpu.memory_space<vmem>>
        %dma_start3A_129 = arith.constant 0 : i32
        %dma_start3A_130 = tpu.memref_slice %arg16[%dma_start3A_129] : memref<10240xf32, #tpu.memory_space<vmem_shared>> -> memref<10240xf32, #tpu.memory_space<vmem_shared>>
        tpu.enqueue_indirect_dma source(%arg14 : memref<128xf32, #tpu.memory_space<vmem>>) target(%dma_start3A_130 : memref<10240xf32, #tpu.memory_space<vmem_shared>>) offsets(%dma_start3A_128 : memref<128xi32, #tpu.memory_space<vmem>>) semaphore(%run_scoped3A : memref<!tpu.dma_semaphore, #tpu.memory_space<semaphore_mem>>) {add = true}
        %dma_wait3A_131 = arith.constant 0 : i32
        %dma_wait3A_132 = tpu.memref_slice %arg7[%mul3A_94, %dma_wait3A_131] : memref<80x128xi32, #tpu.memory_space<vmem>> -> memref<1x128xi32, #tpu.memory_space<vmem>>
        %dma_wait3A_133 = tpu.memref_squeeze %dma_wait3A_132 : memref<1x128xi32, #tpu.memory_space<vmem>> -> memref<128xi32, #tpu.memory_space<vmem>>
        %dma_wait3A_134 = arith.constant 0 : i32
        %dma_wait3A_135 = tpu.memref_slice %arg16[%dma_wait3A_134] : memref<10240xf32, #tpu.memory_space<vmem_shared>> -> memref<10240xf32, #tpu.memory_space<vmem_shared>>
        tpu.wait_indirect_dma semaphore(%run_scoped3A : memref<!tpu.dma_semaphore, #tpu.memory_space<semaphore_mem>>) src(%arg14 : memref<128xf32, #tpu.memory_space<vmem>>) dst(%dma_wait3A_135 : memref<10240xf32, #tpu.memory_space<vmem_shared>>)
        tpu.yield
      }) : () -> ()
      "tpu.region"() ({
        %run_scoped3A = tpu.sem_alloc : memref<!tpu.dma_semaphore, #tpu.memory_space<semaphore_mem>>
        %dma_start3A_126 = arith.constant 0 : i32
        %dma_start3A_127 = tpu.memref_slice %arg7[%mul3A_94, %dma_start3A_126] : memref<80x128xi32, #tpu.memory_space<vmem>> -> memref<1x128xi32, #tpu.memory_space<vmem>>
        %dma_start3A_128 = tpu.memref_squeeze %dma_start3A_127 : memref<1x128xi32, #tpu.memory_space<vmem>> -> memref<128xi32, #tpu.memory_space<vmem>>
        %dma_start3A_129 = arith.constant 0 : i32
        %dma_start3A_130 = arith.constant 0 : i32
        %dma_start3A_131 = tpu.memref_slice %arg11[%dma_start3A_129, %dma_start3A_130] : memref<10240x64xf32, #tpu.memory_space<vmem_shared>> -> memref<10240x64xf32, #tpu.memory_space<vmem_shared>>
        tpu.enqueue_indirect_dma source(%arg8 : memref<128x64xf32, #tpu.memory_space<vmem>>) target(%dma_start3A_131 : memref<10240x64xf32, #tpu.memory_space<vmem_shared>>) offsets(%dma_start3A_128 : memref<128xi32, #tpu.memory_space<vmem>>) semaphore(%run_scoped3A : memref<!tpu.dma_semaphore, #tpu.memory_space<semaphore_mem>>) {add = true}
        %dma_wait3A_132 = arith.constant 0 : i32
        %dma_wait3A_133 = tpu.memref_slice %arg7[%mul3A_94, %dma_wait3A_132] : memref<80x128xi32, #tpu.memory_space<vmem>> -> memref<1x128xi32, #tpu.memory_space<vmem>>
        %dma_wait3A_134 = tpu.memref_squeeze %dma_wait3A_133 : memref<1x128xi32, #tpu.memory_space<vmem>> -> memref<128xi32, #tpu.memory_space<vmem>>
        %dma_wait3A_135 = arith.constant 0 : i32
        %dma_wait3A_136 = arith.constant 0 : i32
        %dma_wait3A_137 = tpu.memref_slice %arg11[%dma_wait3A_135, %dma_wait3A_136] : memref<10240x64xf32, #tpu.memory_space<vmem_shared>> -> memref<10240x64xf32, #tpu.memory_space<vmem_shared>>
        tpu.wait_indirect_dma semaphore(%run_scoped3A : memref<!tpu.dma_semaphore, #tpu.memory_space<semaphore_mem>>) src(%arg8 : memref<128x64xf32, #tpu.memory_space<vmem>>) dst(%dma_wait3A_137 : memref<10240x64xf32, #tpu.memory_space<vmem_shared>>)
        tpu.yield
      }) : () -> ()
      %lt3A = arith.constant 39 : i32
      %lt3A_109 = arith.cmpi slt, %scan3A_91, %lt3A : i32
      %convert_element_type3A_110 = arith.extui %lt3A_109 : i1 to i32
      %cond3A_111 = arith.constant 0 : i32
      %cond3A_112 = arith.cmpi ne, %convert_element_type3A_110, %cond3A_111 : i32
      scf.if %cond3A_112 {
        %add3A_126 = arith.constant 2 : i32
        %add3A_127 = arith.addi %mul3A_94, %add3A_126 : i32
        %dma_start3A_128 = arith.constant 0 : i32
        %dma_start3A_129 = tpu.memref_slice %arg6[%add3A_127, %dma_start3A_128] : memref<80x128xi32, #tpu.memory_space<vmem>> -> memref<1x128xi32, #tpu.memory_space<vmem>>
        %dma_start3A_130 = tpu.memref_squeeze %dma_start3A_129 : memref<1x128xi32, #tpu.memory_space<vmem>> -> memref<128xi32, #tpu.memory_space<vmem>>
        %dma_start3A_131 = arith.constant 0 : i32
        %dma_start3A_132 = arith.constant 0 : i32
        %dma_start3A_133 = tpu.memref_slice %arg10[%dma_start3A_131, %dma_start3A_132] : memref<10000x64xf32, #tpu.memory_space<vmem_shared>> -> memref<10000x64xf32, #tpu.memory_space<vmem_shared>>
        tpu.enqueue_indirect_dma source(%dma_start3A_133 : memref<10000x64xf32, #tpu.memory_space<vmem_shared>>) target(%arg8 : memref<128x64xf32, #tpu.memory_space<vmem>>) offsets(%dma_start3A_130 : memref<128xi32, #tpu.memory_space<vmem>>) semaphore(%arg12 : memref<!tpu.dma_semaphore, #tpu.memory_space<semaphore_mem>>)
      } else {
      }
      %add3A_113 = arith.constant 1 : i32
      %add3A_114 = arith.addi %mul3A_94, %add3A_113 : i32
      %dma_wait3A_115 = arith.constant 0 : i32
      %dma_wait3A_116 = tpu.memref_slice %arg6[%add3A_114, %dma_wait3A_115] : memref<80x128xi32, #tpu.memory_space<vmem>> -> memref<1x128xi32, #tpu.memory_space<vmem>>
      %dma_wait3A_117 = tpu.memref_squeeze %dma_wait3A_116 : memref<1x128xi32, #tpu.memory_space<vmem>> -> memref<128xi32, #tpu.memory_space<vmem>>
      %dma_wait3A_118 = arith.constant 0 : i32
      %dma_wait3A_119 = arith.constant 0 : i32
      %dma_wait3A_120 = tpu.memref_slice %arg10[%dma_wait3A_118, %dma_wait3A_119] : memref<10000x64xf32, #tpu.memory_space<vmem_shared>> -> memref<10000x64xf32, #tpu.memory_space<vmem_shared>>
      tpu.wait_indirect_dma semaphore(%arg13 : memref<!tpu.dma_semaphore, #tpu.memory_space<semaphore_mem>>) src(%dma_wait3A_120 : memref<10000x64xf32, #tpu.memory_space<vmem_shared>>) dst(%arg9 : memref<128x64xf32, #tpu.memory_space<vmem>>)
      %add3A_121 = arith.constant 1 : i32
      %add3A_122 = arith.addi %mul3A_94, %add3A_121 : i32
      "tpu.region"() ({
        %run_scoped3A = tpu.sem_alloc : memref<!tpu.dma_semaphore, #tpu.memory_space<semaphore_mem>>
        %dma_start3A_126 = arith.constant 0 : i32
        %dma_start3A_127 = tpu.memref_slice %arg7[%add3A_122, %dma_start3A_126] : memref<80x128xi32, #tpu.memory_space<vmem>> -> memref<1x128xi32, #tpu.memory_space<vmem>>
        %dma_start3A_128 = tpu.memref_squeeze %dma_start3A_127 : memref<1x128xi32, #tpu.memory_space<vmem>> -> memref<128xi32, #tpu.memory_space<vmem>>
        %dma_start3A_129 = arith.constant 0 : i32
        %dma_start3A_130 = tpu.memref_slice %arg16[%dma_start3A_129] : memref<10240xf32, #tpu.memory_space<vmem_shared>> -> memref<10240xf32, #tpu.memory_space<vmem_shared>>
        tpu.enqueue_indirect_dma source(%arg14 : memref<128xf32, #tpu.memory_space<vmem>>) target(%dma_start3A_130 : memref<10240xf32, #tpu.memory_space<vmem_shared>>) offsets(%dma_start3A_128 : memref<128xi32, #tpu.memory_space<vmem>>) semaphore(%run_scoped3A : memref<!tpu.dma_semaphore, #tpu.memory_space<semaphore_mem>>) {add = true}
        %dma_wait3A_131 = arith.constant 0 : i32
        %dma_wait3A_132 = tpu.memref_slice %arg7[%add3A_122, %dma_wait3A_131] : memref<80x128xi32, #tpu.memory_space<vmem>> -> memref<1x128xi32, #tpu.memory_space<vmem>>
        %dma_wait3A_133 = tpu.memref_squeeze %dma_wait3A_132 : memref<1x128xi32, #tpu.memory_space<vmem>> -> memref<128xi32, #tpu.memory_space<vmem>>
        %dma_wait3A_134 = arith.constant 0 : i32
        %dma_wait3A_135 = tpu.memref_slice %arg16[%dma_wait3A_134] : memref<10240xf32, #tpu.memory_space<vmem_shared>> -> memref<10240xf32, #tpu.memory_space<vmem_shared>>
        tpu.wait_indirect_dma semaphore(%run_scoped3A : memref<!tpu.dma_semaphore, #tpu.memory_space<semaphore_mem>>) src(%arg14 : memref<128xf32, #tpu.memory_space<vmem>>) dst(%dma_wait3A_135 : memref<10240xf32, #tpu.memory_space<vmem_shared>>)
        tpu.yield
      }) : () -> ()
      %add3A_123 = arith.constant 1 : i32
      %add3A_124 = arith.addi %mul3A_94, %add3A_123 : i32
      "tpu.region"() ({
        %run_scoped3A = tpu.sem_alloc : memref<!tpu.dma_semaphore, #tpu.memory_space<semaphore_mem>>
        %dma_start3A_126 = arith.constant 0 : i32
        %dma_start3A_127 = tpu.memref_slice %arg7[%add3A_124, %dma_start3A_126] : memref<80x128xi32, #tpu.memory_space<vmem>> -> memref<1x128xi32, #tpu.memory_space<vmem>>
        %dma_start3A_128 = tpu.memref_squeeze %dma_start3A_127 : memref<1x128xi32, #tpu.memory_space<vmem>> -> memref<128xi32, #tpu.memory_space<vmem>>
        %dma_start3A_129 = arith.constant 0 : i32
        %dma_start3A_130 = arith.constant 0 : i32
        %dma_start3A_131 = tpu.memref_slice %arg11[%dma_start3A_129, %dma_start3A_130] : memref<10240x64xf32, #tpu.memory_space<vmem_shared>> -> memref<10240x64xf32, #tpu.memory_space<vmem_shared>>
        tpu.enqueue_indirect_dma source(%arg9 : memref<128x64xf32, #tpu.memory_space<vmem>>) target(%dma_start3A_131 : memref<10240x64xf32, #tpu.memory_space<vmem_shared>>) offsets(%dma_start3A_128 : memref<128xi32, #tpu.memory_space<vmem>>) semaphore(%run_scoped3A : memref<!tpu.dma_semaphore, #tpu.memory_space<semaphore_mem>>) {add = true}
        %dma_wait3A_132 = arith.constant 0 : i32
        %dma_wait3A_133 = tpu.memref_slice %arg7[%add3A_124, %dma_wait3A_132] : memref<80x128xi32, #tpu.memory_space<vmem>> -> memref<1x128xi32, #tpu.memory_space<vmem>>
        %dma_wait3A_134 = tpu.memref_squeeze %dma_wait3A_133 : memref<1x128xi32, #tpu.memory_space<vmem>> -> memref<128xi32, #tpu.memory_space<vmem>>
        %dma_wait3A_135 = arith.constant 0 : i32
        %dma_wait3A_136 = arith.constant 0 : i32
        %dma_wait3A_137 = tpu.memref_slice %arg11[%dma_wait3A_135, %dma_wait3A_136] : memref<10240x64xf32, #tpu.memory_space<vmem_shared>> -> memref<10240x64xf32, #tpu.memory_space<vmem_shared>>
        tpu.wait_indirect_dma semaphore(%run_scoped3A : memref<!tpu.dma_semaphore, #tpu.memory_space<semaphore_mem>>) src(%arg9 : memref<128x64xf32, #tpu.memory_space<vmem>>) dst(%dma_wait3A_137 : memref<10240x64xf32, #tpu.memory_space<vmem_shared>>)
        tpu.yield
      }) : () -> ()
      %scan3A_125 = arith.constant 0 : i32
      scf.yield %scan3A_125 : i32
    }
    %scan3A_89 = arith.constant 40 : i32
    %barrier3A_90 = arith.constant 0 : index
    tpu.barrier barrier_id(%barrier3A_90)
    "tpu.region"() ({
      %run_scoped3A = tpu.sem_alloc : memref<!tpu.dma_semaphore, #tpu.memory_space<semaphore_mem>>
      %dma_start3A_91 = arith.constant 0 : i32
      %dma_start3A_92 = tpu.memref_slice %arg4[%arg0, %mul3A_5, %dma_start3A_91] : memref<2x10240x64xf32, #tpu.memory_space<hbm>> -> memref<1x640x64xf32, #tpu.memory_space<hbm>>
      %dma_start3A_93 = tpu.memref_squeeze %dma_start3A_92 : memref<1x640x64xf32, #tpu.memory_space<hbm>> -> memref<640x64xf32, #tpu.memory_space<hbm>>
      %dma_start3A_94 = arith.constant 0 : i32
      %dma_start3A_95 = tpu.memref_slice %arg11[%mul3A_5, %dma_start3A_94] : memref<10240x64xf32, #tpu.memory_space<vmem_shared>> -> memref<640x64xf32, #tpu.memory_space<vmem_shared>>
      tpu.enqueue_dma source(%dma_start3A_95 : memref<640x64xf32, #tpu.memory_space<vmem_shared>>) target(%dma_start3A_93 : memref<640x64xf32, #tpu.memory_space<hbm>>) target_semaphore(%run_scoped3A : memref<!tpu.dma_semaphore, #tpu.memory_space<semaphore_mem>>)
      %dma_wait3A_96 = arith.constant 0 : i32
      %dma_wait3A_97 = tpu.memref_slice %arg4[%arg0, %mul3A_5, %dma_wait3A_96] : memref<2x10240x64xf32, #tpu.memory_space<hbm>> -> memref<1x640x64xf32, #tpu.memory_space<hbm>>
      %dma_wait3A_98 = tpu.memref_squeeze %dma_wait3A_97 : memref<1x640x64xf32, #tpu.memory_space<hbm>> -> memref<640x64xf32, #tpu.memory_space<hbm>>
      %dma_wait3A_99 = arith.constant 0 : i32
      %dma_wait3A_100 = tpu.memref_slice %arg11[%mul3A_5, %dma_wait3A_99] : memref<10240x64xf32, #tpu.memory_space<vmem_shared>> -> memref<640x64xf32, #tpu.memory_space<vmem_shared>>
      tpu.wait_dma2 semaphore(%run_scoped3A : memref<!tpu.dma_semaphore, #tpu.memory_space<semaphore_mem>>) src(%dma_wait3A_100 : memref<640x64xf32, #tpu.memory_space<vmem_shared>>) dst(%dma_wait3A_98 : memref<640x64xf32, #tpu.memory_space<hbm>>)
      tpu.yield
    }) : () -> ()
    "tpu.region"() ({
      %run_scoped3A = tpu.sem_alloc : memref<!tpu.dma_semaphore, #tpu.memory_space<semaphore_mem>>
      %dma_start3A_91 = tpu.memref_slice %arg5[%arg0, %mul3A_5] : memref<2x10240xf32, #tpu.memory_space<hbm>> -> memref<1x640xf32, #tpu.memory_space<hbm>>
      %dma_start3A_92 = tpu.memref_squeeze %dma_start3A_91 : memref<1x640xf32, #tpu.memory_space<hbm>> -> memref<640xf32, #tpu.memory_space<hbm>>
      %dma_start3A_93 = tpu.memref_slice %arg16[%mul3A_5] : memref<10240xf32, #tpu.memory_space<vmem_shared>> -> memref<640xf32, #tpu.memory_space<vmem_shared>>
      tpu.enqueue_dma source(%dma_start3A_93 : memref<640xf32, #tpu.memory_space<vmem_shared>>) target(%dma_start3A_92 : memref<640xf32, #tpu.memory_space<hbm>>) target_semaphore(%run_scoped3A : memref<!tpu.dma_semaphore, #tpu.memory_space<semaphore_mem>>)
      %dma_wait3A_94 = tpu.memref_slice %arg5[%arg0, %mul3A_5] : memref<2x10240xf32, #tpu.memory_space<hbm>> -> memref<1x640xf32, #tpu.memory_space<hbm>>
      %dma_wait3A_95 = tpu.memref_squeeze %dma_wait3A_94 : memref<1x640xf32, #tpu.memory_space<hbm>> -> memref<640xf32, #tpu.memory_space<hbm>>
      %dma_wait3A_96 = tpu.memref_slice %arg16[%mul3A_5] : memref<10240xf32, #tpu.memory_space<vmem_shared>> -> memref<640xf32, #tpu.memory_space<vmem_shared>>
      tpu.wait_dma2 semaphore(%run_scoped3A : memref<!tpu.dma_semaphore, #tpu.memory_space<semaphore_mem>>) src(%dma_wait3A_96 : memref<640xf32, #tpu.memory_space<vmem_shared>>) dst(%dma_wait3A_95 : memref<640xf32, #tpu.memory_space<hbm>>)
      tpu.yield
    }) : () -> ()
    return
  }
}

module attributes {stable_mosaic.version = 14 : i64} {
  func.func @_densea_body(%arg0: i32, %arg1: memref<1000x128xf32, #tpu.memory_space<vmem>>, %arg2: memref<128x256xf32, #tpu.memory_space<vmem>>, %arg3: memref<1000x256xf32, #tpu.memory_space<vmem>>) attributes {dimension_semantics = [#tpu.dimension_semantics<arbitrary>], iteration_bounds = array<i64: 10>, scalar_prefetch = 0 : i64, scratch_operands = 0 : i64, tpu.core_type = #tpu.core_type<tc>, window_params = [{transform_indices = @transform_0, window_bounds = array<i64: 1000, 128>}, {pipeline_mode = #tpu.pipeline_mode<synchronous>, transform_indices = @transform_1, window_bounds = array<i64: 128, 256>}, {transform_indices = @transform_2, window_bounds = array<i64: 1000, 256>}]} {
    %get3A = arith.constant 0 : index
    %get3A_0 = arith.constant 0 : index
    %get3A_1 = vector.load %arg1[%get3A, %get3A_0] : memref<1000x128xf32, #tpu.memory_space<vmem>>, vector<1000x128xf32>
    %get3A_2 = arith.constant 0 : index
    %get3A_3 = arith.constant 0 : index
    %get3A_4 = vector.load %arg2[%get3A_2, %get3A_3] : memref<128x256xf32, #tpu.memory_space<vmem>>, vector<128x256xf32>
    %dot_general3A = arith.constant dense<0.000000e+00> : vector<1000x256xf32>
    %dot_general3A_5 = tpu.matmul %get3A_1, %get3A_4, %dot_general3A {dimension_numbers = #tpu.dot_dimension_numbers<[1], [0], [0], [1], [0, 0, 1, 1], [], []>, transpose_lhs_hint = false} : vector<1000x128xf32>, vector<128x256xf32>, vector<1000x256xf32> -> vector<1000x256xf32>
    %swap3A = arith.constant 0 : index
    %swap3A_6 = arith.constant 0 : index
    %swap3A_7 = vector.load %arg3[%swap3A, %swap3A_6] : memref<1000x256xf32, #tpu.memory_space<vmem>>, vector<1000x256xf32>
    tpu.vector_store %arg3[%swap3A, %swap3A_6], %dot_general3A_5 {strides = array<i32>} : memref<1000x256xf32, #tpu.memory_space<vmem>>, vector<1000x256xf32>,
    return
  }
  func.func @transform_0(%arg0: i32) -> (i32, i32) {
    %c0_i32 = arith.constant 0 : i32
    %c0_i32_0 = arith.constant 0 : i32
    return %arg0, %c0_i32 : i32, i32
  }
  func.func @transform_1(%arg0: i32) -> (i32, i32) {
    %c0_i32 = arith.constant 0 : i32
    %c0_i32_0 = arith.constant 0 : i32
    %c0_i32_1 = arith.constant 0 : i32
    return %c0_i32, %c0_i32_0 : i32, i32
  }
  func.func @transform_2(%arg0: i32) -> (i32, i32) {
    %c0_i32 = arith.constant 0 : i32
    %c0_i32_0 = arith.constant 0 : i32
    return %arg0, %c0_i32 : i32, i32
  }
}

module attributes {stable_mosaic.version = 14 : i64} {
  func.func @_denseb_body(%arg0: i32, %arg1: memref<2x1000x64xf32, #tpu.memory_space<vmem>>, %arg2: memref<2x1000x64xf32, #tpu.memory_space<vmem>>, %arg3: memref<2x1000x1xf32, #tpu.memory_space<vmem>>, %arg4: memref<1000x256xf32, #tpu.memory_space<vmem>>, %arg5: memref<128x256xf32, #tpu.memory_space<vmem>>, %arg6: memref<1x256xf32, #tpu.memory_space<vmem>>, %arg7: memref<256x64xf32, #tpu.memory_space<vmem>>, %arg8: memref<1000x256xf32, #tpu.memory_space<vmem>>, %arg9: memref<1000x64xf32, #tpu.memory_space<vmem>>, %arg10: memref<1000x1xf32, #tpu.memory_space<vmem>>) attributes {dimension_semantics = [#tpu.dimension_semantics<arbitrary>], iteration_bounds = array<i64: 10>, scalar_prefetch = 0 : i64, scratch_operands = 0 : i64, tpu.core_type = #tpu.core_type<tc>, window_params = [{transform_indices = @transform_0, window_bounds = array<i64: 2, 1000, 64>}, {transform_indices = @transform_1, window_bounds = array<i64: 2, 1000, 64>}, {transform_indices = @transform_2, window_bounds = array<i64: 2, 1000, 1>}, {transform_indices = @transform_3, window_bounds = array<i64: 1000, 256>}, {pipeline_mode = #tpu.pipeline_mode<synchronous>, transform_indices = @transform_4, window_bounds = array<i64: 128, 256>}, {pipeline_mode = #tpu.pipeline_mode<synchronous>, transform_indices = @transform_5, window_bounds = array<i64: 1, 256>}, {pipeline_mode = #tpu.pipeline_mode<synchronous>, transform_indices = @transform_6, window_bounds = array<i64: 256, 64>}, {transform_indices = @transform_7, window_bounds = array<i64: 1000, 256>}, {transform_indices = @transform_8, window_bounds = array<i64: 1000, 64>}, {transform_indices = @transform_9, window_bounds = array<i64: 1000, 1>}]} {
    %get3A = arith.constant 0 : index
    %get3A_0 = arith.constant 0 : index
    %get3A_1 = arith.constant 0 : index
    %get3A_2 = vector.load %arg3[%get3A, %get3A_0, %get3A_1] : memref<2x1000x1xf32, #tpu.memory_space<vmem>>, vector<1x1000x1xf32>
    %get3A_3 = vector.shape_cast %get3A_2 : vector<1x1000x1xf32> to vector<1000x1xf32>
    %get3A_4 = arith.constant 1 : index
    %get3A_5 = arith.constant 0 : index
    %get3A_6 = arith.constant 0 : index
    %get3A_7 = vector.load %arg3[%get3A_4, %get3A_5, %get3A_6] : memref<2x1000x1xf32, #tpu.memory_space<vmem>>, vector<1x1000x1xf32>
    %get3A_8 = vector.shape_cast %get3A_7 : vector<1x1000x1xf32> to vector<1000x1xf32>
    %add3A = arith.addf %get3A_3, %get3A_8 : vector<1000x1xf32>
    %max3A = arith.constant 1.000000e+00 : f32
    %max3A_9 = vector.broadcast %max3A : f32 to vector<1000x1xf32>
    %max3A_10 = arith.maximumf %add3A, %max3A_9 : vector<1000x1xf32>
    %get3A_11 = arith.constant 0 : index
    %get3A_12 = arith.constant 0 : index
    %get3A_13 = arith.constant 0 : index
    %get3A_14 = vector.load %arg1[%get3A_11, %get3A_12, %get3A_13] : memref<2x1000x64xf32, #tpu.memory_space<vmem>>, vector<1x1000x64xf32>
    %get3A_15 = vector.shape_cast %get3A_14 : vector<1x1000x64xf32> to vector<1000x64xf32>
    %get3A_16 = arith.constant 1 : index
    %get3A_17 = arith.constant 0 : index
    %get3A_18 = arith.constant 0 : index
    %get3A_19 = vector.load %arg1[%get3A_16, %get3A_17, %get3A_18] : memref<2x1000x64xf32, #tpu.memory_space<vmem>>, vector<1x1000x64xf32>
    %get3A_20 = vector.shape_cast %get3A_19 : vector<1x1000x64xf32> to vector<1000x64xf32>
    %add3A_21 = arith.addf %get3A_15, %get3A_20 : vector<1000x64xf32>
    %get3A_22 = arith.constant 0 : index
    %get3A_23 = arith.constant 0 : index
    %get3A_24 = arith.constant 0 : index
    %get3A_25 = vector.load %arg2[%get3A_22, %get3A_23, %get3A_24] : memref<2x1000x64xf32, #tpu.memory_space<vmem>>, vector<1x1000x64xf32>
    %get3A_26 = vector.shape_cast %get3A_25 : vector<1x1000x64xf32> to vector<1000x64xf32>
    %get3A_27 = arith.constant 1 : index
    %get3A_28 = arith.constant 0 : index
    %get3A_29 = arith.constant 0 : index
    %get3A_30 = vector.load %arg2[%get3A_27, %get3A_28, %get3A_29] : memref<2x1000x64xf32, #tpu.memory_space<vmem>>, vector<1x1000x64xf32>
    %get3A_31 = vector.shape_cast %get3A_30 : vector<1x1000x64xf32> to vector<1000x64xf32>
    %add3A_32 = arith.addf %get3A_26, %get3A_31 : vector<1000x64xf32>
    %concatenate3A = tpu.concatenate %add3A_21, %add3A_32 in 1 : vector<1000x64xf32>, vector<1000x64xf32> -> vector<1000x128xf32>
    %div3A = vector.broadcast %max3A_10 : vector<1000x1xf32> to vector<1000x128xf32>
    %div3A_33 = arith.divf %concatenate3A, %div3A : vector<1000x128xf32>
    %get3A_34 = arith.constant 0 : index
    %get3A_35 = arith.constant 0 : index
    %get3A_36 = vector.load %arg5[%get3A_34, %get3A_35] : memref<128x256xf32, #tpu.memory_space<vmem>>, vector<128x256xf32>
    %dot_general3A = arith.constant dense<0.000000e+00> : vector<1000x256xf32>
    %dot_general3A_37 = tpu.matmul %div3A_33, %get3A_36, %dot_general3A {dimension_numbers = #tpu.dot_dimension_numbers<[1], [0], [0], [1], [0, 0, 1, 1], [], []>, transpose_lhs_hint = false} : vector<1000x128xf32>, vector<128x256xf32>, vector<1000x256xf32> -> vector<1000x256xf32>
    %get3A_38 = arith.constant 0 : index
    %get3A_39 = arith.constant 0 : index
    %get3A_40 = vector.load %arg4[%get3A_38, %get3A_39] : memref<1000x256xf32, #tpu.memory_space<vmem>>, vector<1000x256xf32>
    %add3A_41 = arith.addf %dot_general3A_37, %get3A_40 : vector<1000x256xf32>
    %get3A_42 = arith.constant 0 : index
    %get3A_43 = arith.constant 0 : index
    %get3A_44 = vector.load %arg6[%get3A_42, %get3A_43] : memref<1x256xf32, #tpu.memory_space<vmem>>, vector<1x256xf32>
    %add3A_45 = vector.broadcast %get3A_44 : vector<1x256xf32> to vector<1000x256xf32>
    %add3A_46 = arith.addf %add3A_41, %add3A_45 : vector<1000x256xf32>
    %max3A_47 = arith.constant 0.000000e+00 : f32
    %max3A_48 = vector.broadcast %max3A_47 : f32 to vector<1000x256xf32>
    %max3A_49 = arith.maximumf %add3A_46, %max3A_48 : vector<1000x256xf32>
    %swap3A = arith.constant 0 : index
    %swap3A_50 = arith.constant 0 : index
    %swap3A_51 = vector.load %arg8[%swap3A, %swap3A_50] : memref<1000x256xf32, #tpu.memory_space<vmem>>, vector<1000x256xf32>
    tpu.vector_store %arg8[%swap3A, %swap3A_50], %max3A_49 {strides = array<i32>} : memref<1000x256xf32, #tpu.memory_space<vmem>>, vector<1000x256xf32>,
    %get3A_52 = arith.constant 0 : index
    %get3A_53 = arith.constant 0 : index
    %get3A_54 = vector.load %arg7[%get3A_52, %get3A_53] : memref<256x64xf32, #tpu.memory_space<vmem>>, vector<256x64xf32>
    %dot_general3A_55 = arith.constant dense<0.000000e+00> : vector<1000x64xf32>
    %dot_general3A_56 = tpu.matmul %max3A_49, %get3A_54, %dot_general3A_55 {dimension_numbers = #tpu.dot_dimension_numbers<[1], [0], [0], [1], [0, 0, 1, 1], [], []>, transpose_lhs_hint = false} : vector<1000x256xf32>, vector<256x64xf32>, vector<1000x64xf32> -> vector<1000x64xf32>
    %swap3A_57 = arith.constant 0 : index
    %swap3A_58 = arith.constant 0 : index
    %swap3A_59 = vector.load %arg9[%swap3A_57, %swap3A_58] : memref<1000x64xf32, #tpu.memory_space<vmem>>, vector<1000x64xf32>
    tpu.vector_store %arg9[%swap3A_57, %swap3A_58], %dot_general3A_56 {strides = array<i32>} : memref<1000x64xf32, #tpu.memory_space<vmem>>, vector<1000x64xf32>,
    %div3A_60 = arith.constant 1.000000e+00 : f32
    %div3A_61 = vector.broadcast %div3A_60 : f32 to vector<1000x1xf32>
    %div3A_62 = arith.divf %div3A_61, %max3A_10 : vector<1000x1xf32>
    %swap3A_63 = arith.constant 0 : index
    %swap3A_64 = arith.constant 0 : index
    %swap3A_65 = vector.load %arg10[%swap3A_63, %swap3A_64] : memref<1000x1xf32, #tpu.memory_space<vmem>>, vector<1000x1xf32>
    tpu.vector_store %arg10[%swap3A_63, %swap3A_64], %div3A_62 {strides = array<i32>} : memref<1000x1xf32, #tpu.memory_space<vmem>>, vector<1000x1xf32>,
    return
  }
  func.func @transform_0(%arg0: i32) -> (i32, i32, i32) {
    %c0_i32 = arith.constant 0 : i32
    %c0_i32_0 = arith.constant 0 : i32
    %c0_i32_1 = arith.constant 0 : i32
    return %c0_i32, %arg0, %c0_i32_0 : i32, i32, i32
  }
  func.func @transform_1(%arg0: i32) -> (i32, i32, i32) {
    %c0_i32 = arith.constant 0 : i32
    %c0_i32_0 = arith.constant 0 : i32
    %c0_i32_1 = arith.constant 0 : i32
    return %c0_i32, %arg0, %c0_i32_0 : i32, i32, i32
  }
  func.func @transform_2(%arg0: i32) -> (i32, i32, i32) {
    %c0_i32 = arith.constant 0 : i32
    %c0_i32_0 = arith.constant 0 : i32
    %c0_i32_1 = arith.constant 0 : i32
    return %c0_i32, %arg0, %c0_i32_0 : i32, i32, i32
  }
  func.func @transform_3(%arg0: i32) -> (i32, i32) {
    %c0_i32 = arith.constant 0 : i32
    %c0_i32_0 = arith.constant 0 : i32
    return %arg0, %c0_i32 : i32, i32
  }
  func.func @transform_4(%arg0: i32) -> (i32, i32) {
    %c0_i32 = arith.constant 0 : i32
    %c0_i32_0 = arith.constant 0 : i32
    %c0_i32_1 = arith.constant 0 : i32
    return %c0_i32, %c0_i32_0 : i32, i32
  }
  func.func @transform_5(%arg0: i32) -> (i32, i32) {
    %c0_i32 = arith.constant 0 : i32
    %c0_i32_0 = arith.constant 0 : i32
    %c0_i32_1 = arith.constant 0 : i32
    return %c0_i32, %c0_i32_0 : i32, i32
  }
  func.func @transform_6(%arg0: i32) -> (i32, i32) {
    %c0_i32 = arith.constant 0 : i32
    %c0_i32_0 = arith.constant 0 : i32
    %c0_i32_1 = arith.constant 0 : i32
    return %c0_i32, %c0_i32_0 : i32, i32
  }
  func.func @transform_7(%arg0: i32) -> (i32, i32) {
    %c0_i32 = arith.constant 0 : i32
    %c0_i32_0 = arith.constant 0 : i32
    return %arg0, %c0_i32 : i32, i32
  }
  func.func @transform_8(%arg0: i32) -> (i32, i32) {
    %c0_i32 = arith.constant 0 : i32
    %c0_i32_0 = arith.constant 0 : i32
    return %arg0, %c0_i32 : i32, i32
  }
  func.func @transform_9(%arg0: i32) -> (i32, i32) {
    %c0_i32 = arith.constant 0 : i32
    %c0_i32_0 = arith.constant 0 : i32
    return %arg0, %c0_i32 : i32, i32
  }
}

module attributes {stable_mosaic.version = 14 : i64} {
  func.func @_densec_body(%arg0: i32, %arg1: memref<1000x256xf32, #tpu.memory_space<vmem>>, %arg2: memref<256x64xf32, #tpu.memory_space<vmem>>, %arg3: memref<1000x64xf32, #tpu.memory_space<vmem>>) attributes {dimension_semantics = [#tpu.dimension_semantics<arbitrary>], iteration_bounds = array<i64: 10>, scalar_prefetch = 0 : i64, scratch_operands = 0 : i64, tpu.core_type = #tpu.core_type<tc>, window_params = [{transform_indices = @transform_0, window_bounds = array<i64: 1000, 256>}, {pipeline_mode = #tpu.pipeline_mode<synchronous>, transform_indices = @transform_1, window_bounds = array<i64: 256, 64>}, {transform_indices = @transform_2, window_bounds = array<i64: 1000, 64>}]} {
    %get3A = arith.constant 0 : index
    %get3A_0 = arith.constant 0 : index
    %get3A_1 = vector.load %arg1[%get3A, %get3A_0] : memref<1000x256xf32, #tpu.memory_space<vmem>>, vector<1000x256xf32>
    %get3A_2 = arith.constant 0 : index
    %get3A_3 = arith.constant 0 : index
    %get3A_4 = vector.load %arg2[%get3A_2, %get3A_3] : memref<256x64xf32, #tpu.memory_space<vmem>>, vector<256x64xf32>
    %dot_general3A = arith.constant dense<0.000000e+00> : vector<1000x64xf32>
    %dot_general3A_5 = tpu.matmul %get3A_1, %get3A_4, %dot_general3A {dimension_numbers = #tpu.dot_dimension_numbers<[1], [0], [0], [1], [0, 0, 1, 1], [], []>, transpose_lhs_hint = false} : vector<1000x256xf32>, vector<256x64xf32>, vector<1000x64xf32> -> vector<1000x64xf32>
    %swap3A = arith.constant 0 : index
    %swap3A_6 = arith.constant 0 : index
    %swap3A_7 = vector.load %arg3[%swap3A, %swap3A_6] : memref<1000x64xf32, #tpu.memory_space<vmem>>, vector<1000x64xf32>
    tpu.vector_store %arg3[%swap3A, %swap3A_6], %dot_general3A_5 {strides = array<i32>} : memref<1000x64xf32, #tpu.memory_space<vmem>>, vector<1000x64xf32>,
    return
  }
  func.func @transform_0(%arg0: i32) -> (i32, i32) {
    %c0_i32 = arith.constant 0 : i32
    %c0_i32_0 = arith.constant 0 : i32
    return %arg0, %c0_i32 : i32, i32
  }
  func.func @transform_1(%arg0: i32) -> (i32, i32) {
    %c0_i32 = arith.constant 0 : i32
    %c0_i32_0 = arith.constant 0 : i32
    %c0_i32_1 = arith.constant 0 : i32
    return %c0_i32, %c0_i32_0 : i32, i32
  }
  func.func @transform_2(%arg0: i32) -> (i32, i32) {
    %c0_i32 = arith.constant 0 : i32
    %c0_i32_0 = arith.constant 0 : i32
    return %arg0, %c0_i32 : i32, i32
  }
}

module attributes {stable_mosaic.version = 14 : i64} {
  func.func @_final_body(%arg0: i32, %arg1: memref<2x1000x64xf32, #tpu.memory_space<vmem>>, %arg2: memref<1000x1xf32, #tpu.memory_space<vmem>>, %arg3: memref<1000x64xf32, #tpu.memory_space<vmem>>, %arg4: memref<1x64xf32, #tpu.memory_space<vmem>>, %arg5: memref<1000x64xf32, #tpu.memory_space<vmem>>) attributes {dimension_semantics = [#tpu.dimension_semantics<arbitrary>], iteration_bounds = array<i64: 10>, scalar_prefetch = 0 : i64, scratch_operands = 0 : i64, tpu.core_type = #tpu.core_type<tc>, window_params = [{transform_indices = @transform_0, window_bounds = array<i64: 2, 1000, 64>}, {transform_indices = @transform_1, window_bounds = array<i64: 1000, 1>}, {transform_indices = @transform_2, window_bounds = array<i64: 1000, 64>}, {pipeline_mode = #tpu.pipeline_mode<synchronous>, transform_indices = @transform_3, window_bounds = array<i64: 1, 64>}, {transform_indices = @transform_4, window_bounds = array<i64: 1000, 64>}]} {
    %get3A = arith.constant 0 : index
    %get3A_0 = arith.constant 0 : index
    %get3A_1 = arith.constant 0 : index
    %get3A_2 = vector.load %arg1[%get3A, %get3A_0, %get3A_1] : memref<2x1000x64xf32, #tpu.memory_space<vmem>>, vector<1x1000x64xf32>
    %get3A_3 = vector.shape_cast %get3A_2 : vector<1x1000x64xf32> to vector<1000x64xf32>
    %get3A_4 = arith.constant 1 : index
    %get3A_5 = arith.constant 0 : index
    %get3A_6 = arith.constant 0 : index
    %get3A_7 = vector.load %arg1[%get3A_4, %get3A_5, %get3A_6] : memref<2x1000x64xf32, #tpu.memory_space<vmem>>, vector<1x1000x64xf32>
    %get3A_8 = vector.shape_cast %get3A_7 : vector<1x1000x64xf32> to vector<1000x64xf32>
    %add3A = arith.addf %get3A_3, %get3A_8 : vector<1000x64xf32>
    %get3A_9 = arith.constant 0 : index
    %get3A_10 = arith.constant 0 : index
    %get3A_11 = vector.load %arg2[%get3A_9, %get3A_10] : memref<1000x1xf32, #tpu.memory_space<vmem>>, vector<1000x1xf32>
    %mul3A = vector.broadcast %get3A_11 : vector<1000x1xf32> to vector<1000x64xf32>
    %mul3A_12 = arith.mulf %add3A, %mul3A : vector<1000x64xf32>
    %get3A_13 = arith.constant 0 : index
    %get3A_14 = arith.constant 0 : index
    %get3A_15 = vector.load %arg3[%get3A_13, %get3A_14] : memref<1000x64xf32, #tpu.memory_space<vmem>>, vector<1000x64xf32>
    %add3A_16 = arith.addf %mul3A_12, %get3A_15 : vector<1000x64xf32>
    %get3A_17 = arith.constant 0 : index
    %get3A_18 = arith.constant 0 : index
    %get3A_19 = vector.load %arg4[%get3A_17, %get3A_18] : memref<1x64xf32, #tpu.memory_space<vmem>>, vector<1x64xf32>
    %add3A_20 = vector.broadcast %get3A_19 : vector<1x64xf32> to vector<1000x64xf32>
    %add3A_21 = arith.addf %add3A_16, %add3A_20 : vector<1000x64xf32>
    %swap3A = arith.constant 0 : index
    %swap3A_22 = arith.constant 0 : index
    %swap3A_23 = vector.load %arg5[%swap3A, %swap3A_22] : memref<1000x64xf32, #tpu.memory_space<vmem>>, vector<1000x64xf32>
    tpu.vector_store %arg5[%swap3A, %swap3A_22], %add3A_21 {strides = array<i32>} : memref<1000x64xf32, #tpu.memory_space<vmem>>, vector<1000x64xf32>,
    return
  }
  func.func @transform_0(%arg0: i32) -> (i32, i32, i32) {
    %c0_i32 = arith.constant 0 : i32
    %c0_i32_0 = arith.constant 0 : i32
    %c0_i32_1 = arith.constant 0 : i32
    return %c0_i32, %arg0, %c0_i32_0 : i32, i32, i32
  }
  func.func @transform_1(%arg0: i32) -> (i32, i32) {
    %c0_i32 = arith.constant 0 : i32
    %c0_i32_0 = arith.constant 0 : i32
    return %arg0, %c0_i32 : i32, i32
  }
  func.func @transform_2(%arg0: i32) -> (i32, i32) {
    %c0_i32 = arith.constant 0 : i32
    %c0_i32_0 = arith.constant 0 : i32
    return %arg0, %c0_i32 : i32, i32
  }
  func.func @transform_3(%arg0: i32) -> (i32, i32) {
    %c0_i32 = arith.constant 0 : i32
    %c0_i32_0 = arith.constant 0 : i32
    %c0_i32_1 = arith.constant 0 : i32
    return %c0_i32, %c0_i32_0 : i32, i32
  }
  func.func @transform_4(%arg0: i32) -> (i32, i32) {
    %c0_i32 = arith.constant 0 : i32
    %c0_i32_0 = arith.constant 0 : i32
    return %arg0, %c0_i32 : i32, i32
  }
}

</mosaic_0001>

<sc_bundles>
// kernel: _run.12.cloned.1.call-start
scs
__scs_entry_jumppad:
0x0: {  	(pc) =	sbr.rel $0x88, $3  }
0x1: {  	(tag) =	ssettag $0x0;
	lr =	simm.s32 $0x1  }
0x2: {  	[smem:$0x3F99] =	sst lr;
	_ =	strace $0xD0000000  }
0x3: {  	_ = 	snop  }
0x4: {  	_ = 	snop  }
0x5: {  	_ = 	snop  }
0x6: {  	_ = 	snop  }
0x7: {  	_ = 	snop  }
__scs_overlays_trampoline_lowered:
0x8: {  	[smem:$0x3FA8] =	sst s0  }
0x9: {  	[smem:$0x3FA9] =	sst s1  }
0xa: {  	[smem:$0x3FAA] =	sst s2  }
0xb: {  	[smem:$0x3FAB] =	sst s3  }
0xc: {  	[smem:$0x3FAC] =	sst s4  }
0xd: {  	[smem:$0x3FAD] =	sst s5  }
0xe: {  	[smem:$0x3FAE] =	sst s6  }
0xf: {  	[smem:$0x3FAF] =	sst s7  }
0x10: {  	[smem:$0x3FB0] =	sst s8  }
0x11: {  	[smem:$0x3FB1] =	sst s9;
	s0 =	simm.s32 @!p0 $0x0  }
0x12: {  	s1 =	sld [smem:$0x3F97];
	s0 =	simm.s32 @p0 $0x1  }
0x13: {  	[smem:$0x3FB2] =	sst s0;
	s0 =	simm.s32 @!p1 $0x0  }
0x14: {  	s2 =	sld [smem:$0x3F96];
	s0 =	simm.s32 @p1 $0x1  }
0x15: {  	[smem:$0x3FB3] =	sst s0;
	s0 =	simm.s32 @!p2 $0x0  }
0x16: {  	s3 =	sld [smem:$0x3FDB];
	s0 =	simm.s32 @p2 $0x1  }
0x17: {  	s4 =	simm.s32 $0x1BF5;
	[smem:$0x3FB5] =	sst s0  }
0x18: {  	s0 =	sld [smem:$0x3F98];
	_ =	swait.ge [sflag:s4], $0x0  }
0x19: {  	s7 =	sld [smem:$0x3F99]  }
0x1a: {  	s8 =	sadd.s32 $0xFFFFE003, lr  }
0x1b: {  	s9 =	sadd.s32 $0xFFFFFEF7, lr;
	s5 =	simm.s32 $0xFFFFFFFF;
	p2 =	slt.u32 s8, $0xFFFFF086  }
0x1c: {  	p1 =	slt.u32 s9, $0xF7A;
	s5 =	simm.s32 @!p2 $0x0  }
0x1d: {  	s5 =	simm.s32 @p1 $0x1;
	p0 =	seq.s32 s7, s2  }
0x1e: {  	s7 =	smul.u32 @!p0 $0xF7A, s2;
	p2 =	seq.s32 @!p0 s5, $0x0  }
0x1f: {  	s9 =	smul.u32 $0xF7A, s1;
	s8 =	simm.s32 @!p0 $0x1BF5;
	p2 =	por !p2, p0  }
0x20: {  	[sflag:s8] =	ssyncset.s32 @!p0 $0xFFFFF086;
	s6 =	sadd.s32 @!p0 s3, s7;
	s7 =	simm.s32 @!p0 $0x108  }
0x21: {  	s3 =	sadd.s32 s3, s9;
	s6 =	sadd.s32 @!p0 $0x88, s6;
	s7 =	simm.s32 @p2 $0x1082  }
0x22: {  	[simem:s7], [sflag:s8] =	dma.local @!p0 [hbm:s6], $0xF7A  }
0x23: {  	s9 =	sor.u32 $0xD0000000, s2;
	s6 =	simm.s32 $0x108;
	_ =	swait.ge @!p0 [sflag:s8], $0x0  }
0x24: {  	s3 =	sadd.s32 $0x88, s3;
	s6 =	simm.s32 @!p1 $0x1082;
	[sflag:s4] =	ssyncset.s32 $0xFFFFF086  }
0x25: {  	[simem:s6], [sflag:s4] =	dma.local [hbm:s3], $0xF7A  }
0x26: {  	[smem:$0x3F99] =	sst s1;
	(tag) =	ssettag s2;
	_ =	strace s9  }
0x27: {  	s1 =	sld [smem:$0x3FA9]  }
0x28: {  	s2 =	sld [smem:$0x3FAA]  }
0x29: {  	s4 =	sld [smem:$0x3FAC]  }
0x2a: {  	p0 =	seq.s32 s5, $0x0;
	s5 =	sld [smem:$0x3FAD]  }
0x2b: {  	s6 =	sld [smem:$0x3FAE]  }
0x2c: {  	s7 =	sld [smem:$0x3FAF]  }
0x2d: {  	s3 =	simm.s32 $0x108;
	s8 =	sld [smem:$0x3FB0]  }
0x2e: {  	s3 =	simm.s32 @!p0 $0x1082;
	s9 =	sld [smem:$0x3FB1]  }
0x2f: {  	lr =	sadd.s32 s0, s3;
	s0 =	sld [smem:$0x3FA8]  }
0x30: {  	s3 =	sld [smem:$0x3FAB]  }
0x31: {  	[smem:$0x3FB4] =	sst s10  }
0x32: {  	s10 =	sld [smem:$0x3FB2];
	_ =	sdelay $0x3  }
0x33: {  	p0 =	seq.s32 s10, $0x1;
	s10 =	sld [smem:$0x3FB4];
	_ =	sdelay $0x3  }
0x34: {  	[smem:$0x3FB4] =	sst s10  }
0x35: {  	s10 =	sld [smem:$0x3FB3];
	_ =	sdelay $0x3  }
0x36: {  	p1 =	seq.s32 s10, $0x1;
	s10 =	sld [smem:$0x3FB4];
	_ =	sdelay $0x3  }
0x37: {  	[smem:$0x3FB4] =	sst s10  }
0x38: {  	s10 =	sld [smem:$0x3FB5]  }
0x39: {  	_ = 	snop;
	(pc) =	sbr.ind lr, $3  }
0x3a: {  	_ = 	snop  }
0x3b: {  	_ = 	snop  }
0x3c: {  	p2 =	seq.s32 s10, $0x1;
	s10 =	sld [smem:$0x3FB4]  }
0x3d: {  	_ =	shalt  }
0x3e: {  	_ =	shalt  }
0x3f: {  	_ =	shalt  }
0x40: {  	_ =	shalt  }
0x41: {  	_ =	shalt  }
0x42: {  	_ =	shalt  }
0x43: {  	_ =	shalt  }
0x44: {  	_ =	shalt  }
0x45: {  	_ =	shalt  }
0x46: {  	_ =	shalt  }
0x47: {  	_ =	shalt  }
0x48: {  	_ =	shalt  }
0x49: {  	_ =	shalt  }
0x4a: {  	_ =	shalt  }
0x4b: {  	_ =	shalt  }
0x4c: {  	_ =	shalt  }
0x4d: {  	_ =	shalt  }
0x4e: {  	_ =	shalt  }
0x4f: {  	_ =	shalt  }
0x50: {  	_ =	shalt  }
0x51: {  	_ =	shalt  }
0x52: {  	_ =	shalt  }
0x53: {  	_ =	shalt  }
0x54: {  	_ =	shalt  }
0x55: {  	_ =	shalt  }
0x56: {  	_ =	shalt  }
0x57: {  	_ =	shalt  }
0x58: {  	_ =	shalt  }
0x59: {  	_ =	shalt  }
0x5a: {  	_ =	shalt  }
0x5b: {  	_ =	shalt  }
0x5c: {  	_ =	shalt  }
0x5d: {  	_ =	shalt  }
0x5e: {  	_ =	shalt  }
0x5f: {  	_ =	shalt  }
0x60: {  	_ =	shalt  }
0x61: {  	_ =	shalt  }
0x62: {  	_ =	shalt  }
0x63: {  	_ =	shalt  }
0x64: {  	_ =	shalt  }
0x65: {  	_ =	shalt  }
0x66: {  	_ =	shalt  }
0x67: {  	_ =	shalt  }
0x68: {  	_ =	shalt  }
0x69: {  	_ =	shalt  }
0x6a: {  	_ =	shalt  }
0x6b: {  	_ =	shalt  }
0x6c: {  	_ =	shalt  }
0x6d: {  	_ =	shalt  }
0x6e: {  	_ =	shalt  }
0x6f: {  	_ =	shalt  }
0x70: {  	_ =	shalt  }
0x71: {  	_ =	shalt  }
0x72: {  	_ =	shalt  }
0x73: {  	_ =	shalt  }
0x74: {  	_ =	shalt  }
0x75: {  	_ =	shalt  }
0x76: {  	_ =	shalt  }
0x77: {  	_ =	shalt  }
0x78: {  	_ =	shalt  }
0x79: {  	_ =	shalt  }
0x7a: {  	_ =	shalt  }
0x7b: {  	_ =	shalt  }
0x7c: {  	_ =	shalt  }
0x7d: {  	_ =	shalt  }
0x7e: {  	_ =	shalt  }
0x7f: {  	_ =	shalt  }
0x80: {  	_ =	shalt  }
0x81: {  	_ =	shalt  }
0x82: {  	_ =	shalt  }
0x83: {  	_ =	shalt  }
0x84: {  	_ =	shalt  }
0x85: {  	_ =	shalt  }
0x86: {  	_ =	shalt  }
0x87: {  	_ =	shalt  }
.Lfunc_end0:
.L_simem_size_0:
called_computation.1_lowered:
.L_overlay_start_0:
0x88: {  	s2 =	sld [smem:$0x3FD9]  }
0x89: {  	s3 =	sld [smem:$0x3FFE];
	_ =	sdelay $0x1  }
0x8a: {  	s1 =	srdreg.scid  }
0x8b: {  	s0 =	sand.u32 $0x1, s1  }
0x8c: {  	s17 =	sshll.u32 s0, $0xA;
	s2 =	sadd.s32 s3, s2  }
0x8d: {  	s2 =	sadd.s32 s2, s17  }
0x8e: {  	[smem:$0x3FC0] =	sst s2  }
0x8f: {  	_ = 	snop  }
0x90: {  	s18 =	sld [smem:$0x3FC9];
	(tm) =	ssettm $0x1  }
0x91: {  	s19 =	sld [smem:$0x3FFB];
	_ =	sdelay $0x3  }
0x92: {  	_ =	strace s19  }
0x93: {  	s2 =	sld [smem:$0x3FFC];
	_ =	sdelay $0x3  }
0x94: {  	_ =	strace s2  }
0x95: {  	s2 =	sld [smem:$0x3FFD];
	_ =	sdelay $0x3  }
0x96: {  	_ =	strace s2  }
0x97: {  	_ =	strace $0x8FFFFFFF  }
0x98: {  	s20 =	sld [smem:$0x3FDB];
	_ =	sdelay $0x1  }
0x99: {  	s4 =	simm.s32 $_scs_section_size  }
0x9a: {  	s5 =	simm.s32 $_size__tile_overlayer_lowered;
	s6 =	simm.s32 $_tile_overlayer_lowered  }
0x9b: {  	s7 =	simm.s32 $0x1BFF;
	s21 =	sshll.u32 s6, $0x1;
	s4 =	sadd.s32 s4, s20  }
0x9c: {  	s22 =	simm.s32 $0x0;
	s5 =	sshll.u32 s5, $0x1;
	s6 =	sadd.s32 s21, s4  }
0x9d: {  	[timem:s22], [sflag:s7] =	dma.local [hbm:s6], s5  }
0x9e: {  	_ =	swait.ge [sflag:s7], s5  }
0x9f: {  	s5 =	ssub.s32 $0x0, s5;
	[sflag:s7] =	ssyncset.done $0x0  }
0xa0: {  	[sflag:s7] =	ssyncadd.s32 s5;
	_ =	sdelay $0x1  }
0xa1: {  	s23 =	simm.s32 $0x1B8B  }
0xa2: {  	_ =	swait.ge [sflag:s23], $0x1  }
0xa3: {  	[sflag:s23] =	ssyncset.done $0x0  }
0xa4: {  	[sflag:s23] =	ssyncadd.s32 $0xFFFFFFFF  }
0xa5: {  	s5 =	sld [smem:$0x0]  }
0xa6: {  	s6 =	sand.u32 $0xFFFFFFFE, s1  }
0xa7: {  	p0 =	sne.s32 s1, s6  }
0xa8: {  	s6 =	sshll.u32 @p0 s6, $0xE  }
0xa9: {  	s6 =	sadd.s32 @p0 $0x11B8D, s6;
	s7 =	sshll.u32 @p0 s5, $0x11  }
0xaa: {  	s6 =	sor.u32 @p0 s7, s6  }
0xab: {  	[sflag:s6] =	ssyncadd.remote.s32 @p0 $0x1;
	_ =	sdelay $0x1  }
0xac: {  	s6 =	simm.s32 @p0 $0x1B8D  }
0xad: {  	_ =	swait.eq @p0 [sflag:s6], $0x1  }
0xae: {  	[sflag:s6] =	ssyncadd.s32 @p0 $0xFFFFFFFF  }
0xaf: {  	s7 =	sshll.u32 @!p0 s1, $0xE  }
0xb0: {  	s7 =	sor.u32 @!p0 $0x4000, s7;
	s6 =	simm.s32 @!p0 $0x1B8D  }
0xb1: {  	s5 =	sshll.u32 @!p0 s5, $0x11;
	s7 =	sadd.s32 @!p0 $0x11B8D, s7;
	_ =	swait.eq @!p0 [sflag:s6], $0x1  }
0xb2: {  	s5 =	sor.u32 @!p0 s5, s7;
	[sflag:s6] =	ssyncadd.s32 @!p0 $0xFFFFFFFF  }
0xb3: {  	s25 =	simm.s32 $0x1B8E;
	s24 =	sld [smem:$0x3FFE];
	[sflag:s5] =	ssyncadd.remote.s32 @!p0 $0x1  }
0xb4: {  	s26 =	simm.s32 $execute0_lowered;
	[smem:$0x3FD2] =	sst s25  }
0xb5: {  	s6 =	sshll.u32 s26, $0x1;
	_ =	strace $0x80000049;
	[dreg:$0x1] =	wrdreg $0xFFFFFFFF  }
0xb6: {  	s28 =	simm.s32 $_size_execute0_lowered;
	s4 =	sadd.s32 s4, s6;
	[dreg:$0x0] =	wrdreg $0x0  }
0xb7: {  	s6 =	sshll.u32 s28, $0x1;
	[dreg:$0x2] =	wrdreg s4  }
0xb8: {  	[dreg:$0x3] =	wrdreg s6  }
0xb9: {  	[dreg:$0x4] =	wrdreg $0xC0  }
0xba: {  	_ =	task [dreg:s22], $0x5FFFF  }
0xbb: {  	[dreg:$0x1] =	wrdreg $0xFFFFFFFF  }
0xbc: {  	[dreg:$0x0] =	wrdreg $0x60  }
0xbd: {  	[dreg:$0x2] =	wrdreg s18  }
0xbe: {  	[dreg:$0x3] =	wrdreg s24  }
0xbf: {  	[dreg:$0x4] =	wrdreg $0x90000  }
0xc0: {  	[dreg:$0x5] =	wrdreg $0x12C400  }
0xc1: {  	[dreg:$0x6] =	wrdreg $0xA  }
0xc2: {  	_ =	task.clear_ibuf [dreg:s22], $0x7FFFF;
	_ =	strace $0x90000049  }
0xc3: {  	s29 =	simm.s32 $0xA;
	_ =	strace $0x8000004B  }
0xc4: {  	_ =	swait.ge [sflag:s29], $0x1  }
0xc5: {  	[sflag:s29] =	ssyncadd.s32 $0xFFFFFFFF  }
0xc6: {  	_ =	strace $0x9000004B  }
0xc7: {  	_ =	sfence  }
0xc8: {  	s30 =	sld [smem:$0x0];
	_ =	sdelay $0x2  }
0xc9: {  	s31 =	sshll.u32 s1, $0xD;
	s1 =	sshrl.u32 s1, $0x2  }
0xca: {  	s4 =	sand.u32 $0x4000, s31;
	s1 =	sadd.s32 s1, s30  }
0xcb: {  	s0 =	sor.u32 s4, s0;
	s1 =	sshll.u32 s1, $0x11  }
0xcc: {  	s0 =	sor.u32 s1, s0  }
0xcd: {  	s0 =	sadd.s32 $0x8F2B, s0  }
0xce: {  	[sflag:s0] =	ssyncadd.remote.s32 $0x1  }
0xcf: {  	_ =	sfence.sel $0xFFFF  }
0xd0: {  	[dreg:$0x0] =	wrdreg $0xFFFFFFFF;
	(pc) =	sbr.abs _section_cstart, $3  }
0xd1: {  	[dreg:$0x1] =	wrdreg $0xFFFFFFFF  }
0xd2: {  	_ =	task.clear_ibuf [dreg:s22], $0x2FFFF;
	_ =	strace $0x9FFFFFFF  }
0xd3: {  	(tm) =	ssettm $0x7FFFFFFF  }
tec
execute0_lowered:
.L_overlay_start_1:
0x0: {  	(tag) =	ssettag $0x1  }
0x1: {  	s8 =	rddreg [dreg:$0x0]  }
0x2: {  	s0 =	srdreg.scid;
	s4 =	rddreg [dreg:$0x1]  }
0x3: {  	s16 =	stileid.u32;
	s1 =	rddreg [dreg:$0x2];
	s18 =	simm.s32 $0x1  }
0x4: {  	s21 =	simm.s32 $0x3;
	s23 =	simm.s32 $0x5000;
	s9 =	smul.u32 $0xA000, s16  }
0x5: {  	s29 =	simm.s32 $0x4F00;
	s30 =	simm.s32 $0x4F80;
	s10 =	smul.u32 $0x27000, s16  }
0x6: {  	s31 =	simm.s32 $0x0;
	s0 =	sand.u32 $0x1, s0;
	s24 =	smul.u32 $0x2700, s16  }
0x7: {  	s26 =	smul.u32 $0x28000, s16;
	s28 =	sshll.u32 s16, $0x6;
	s22 =	sadd.s32 $0x9C000, s1  }
0x8: {  	p0 =	sne.s32 s16, $0x0;
	s2 =	sshll.u32 s0, $0x4;
	s6 =	smul.u32 $0xA0000, s0  }
0x9: {  	s0 =	ssub.s32 $0x2, s0;
	s22 =	sshrl.u32 @!p0 s22, $0x3;
	s3 =	sor.u32 s16, s2  }
0xa: {  	s2 =	rddreg [dreg:$0x3];
	s7 =	sshrl.u32 s0, $0x1;
	s25 =	sshrl.u32 s10, $0x2  }
0xb: {  	s10 =	sshrl.u32 s26, $0x2;
	s26 =	simm.s32 $0x7000;
	s5 =	smul.u32 $0x5000, s3  }
0xc: {  	s3 =	simm.s32 $0x0;
	s6 =	sadd.s32 s9, s6;
	s0 =	ssub.s32 s0, s7  }
0xd: {  	s17 =	sadd.s32 s25, s1;
	s7 =	sor.u32 $0x1C03, s28;
	s13 =	sadd.s32 s10, s2  }
0xe: {  	s9 =	sadd.s32 s9, s2;
	s25 =	simm.s32 $0x80;
	[smem:$0x7FF] =	sst s3  }
0xf: {  	s6 =	sshrl.u32 s6, $0x3;
	s10 =	sadd.s32 $0x2000, s13;
	s11 =	sadd.s32 $0x4000, s13  }
0x10: {  	s12 =	sadd.s32 $0x6000, s13;
	s13 =	sadd.s32 $0x8000, s13;
	s15 =	smax.u32 s0, $0x1  }
0x11: {  	s17 =	sshrl.u32 s17, $0x3;
	_ =	strace $0x8000004A;
	s5 =	sshrl.u32 s5, $0x3  }
0x12: {  	s14 =	sadd.s32 s6, s4;
	s6 =	sadd.s32 s24, s8;
	s8 =	sadd.s32 $0x27008, s8  }
0x13: {  	s24 =	simm.s32 $0x2;
	s5 =	sadd.s32 s5, s4;
	s6 =	sadd.s32 $0x8, s6  }
0x14: {  	v0 =	vimm.f32 $0.0e+00;
	s14 =	sadd.s32 $0x3EC00, s14;
	s4 =	sadd.s32 $0x2C00, s5;
	s5 =	sadd.s32 $0x3100, s5  }
.LBB2_1:
0x15: {  	[tilespmem:s3], [sflag:$0x1] =	stream.linear.gather [hbm4b:s4+s3], $0x2800, $0x38;
	[tilespmem:$0x1CC40] =	vst v63  }
0x16: {  	s0 =	simm.s32 $0x2800;
	s28 =	simm.s32 $0x8;
	s16 =	simm.s32 $0x10  }
0x17: {  	[tilespmem:s0], [sflag:$0x2] =	stream.linear.gather [hbm4b:s5+s3], $0x2800, $0x38;
	[tilespmem:$0x1CC40] =	vst v63  }
0x18: {  	[spmem:s17@s28], [sflag:s7] =	dma.strided [hbm:s6@s16], $0x1380, s18, $0x8   }
0x19: {  	_ =	swait.ge [sflag:s21], $0x1380  }
0x1a: {  	s19 =	simm.s32 @!p0 $0x10;
	[sflag:s21] =	ssyncset.done $0x0  }
0x1b: {  	s0 =	simm.s32 @!p0 $0x1;
	s16 =	simm.s32 @!p0 $0x8;
	[sflag:s21] =	ssyncadd.s32 $0xFFFFEC80  }
0x1c: {  	[spmem:s22@s16], [sflag:s7] =	dma.strided @!p0 [hbm:s8@s19], $0x80, s0, $0x8   }
0x1d: {  	s0 =	simm.s32 @!p0 $0x3  }
0x1e: {  	_ =	swait.ge @!p0 [sflag:s0], $0x80  }
0x1f: {  	[sflag:s0] =	ssyncset.done @!p0 $0x0  }
0x20: {  	s16 =	simm.s32 $0x100;
	[sflag:s0] =	ssyncadd.s32 @!p0 $0xFFFFFF80;
	s0 =	simm.s32 $0x0  }
.LBB2_2:
0x21: {  	p1 =	sne.s32 s16, $0x7F00;
	[tilespmem:s0+$0x5030] =	vst v0;
	s19 =	smov.u32 s16;
	s16 =	sadd.s32 $0x100, s16  }
.Ltmp0:
0x22: {  	[tilespmem:s0+$0x5020] =	vst v0;
	(pc) =	sbr.rel @p1 .LBB2_2-.Ltmp0, $3  }
0x23: {  	[tilespmem:s0+$0x5000] =	vst v0  }
0x24: {  	[tilespmem:s0+$0x5010] =	vst v0;
	_ =	sdelay $0x1  }
0x25: {  	s0 =	sshra.s32 s19, $0x2  }
0x26: {  	[tilespmem:s0+$0x5030] =	vst v0  }
0x27: {  	[tilespmem:s0+$0x5020] =	vst v0  }
0x28: {  	[tilespmem:s0+$0x5000] =	vst v0  }
0x29: {  	[tilespmem:s0+$0x5010] =	vst v0  }
0x2a: {  	[spmem:s9] =	stream.linear.scatter [tilespmem:s23], [sflag:$0x3], $0x2000, $0x38;
	[tilespmem:$0x1CC40] =	vst v63  }
0x2b: {  	_ =	swait.ge [sflag:s21], $0x2000  }
0x2c: {  	[sflag:s21] =	ssyncset.done $0x0  }
0x2d: {  	[sflag:s21] =	ssyncadd.s32 $0xFFFFE000  }
0x2e: {  	[spmem:s10] =	stream.linear.scatter [tilespmem:s23], [sflag:$0x3], $0x2000, $0x38;
	[tilespmem:$0x1CC40] =	vst v63  }
0x2f: {  	_ =	swait.ge [sflag:s21], $0x2000  }
0x30: {  	[sflag:s21] =	ssyncset.done $0x0  }
0x31: {  	[sflag:s21] =	ssyncadd.s32 $0xFFFFE000  }
0x32: {  	[spmem:s11] =	stream.linear.scatter [tilespmem:s23], [sflag:$0x3], $0x2000, $0x38;
	[tilespmem:$0x1CC40] =	vst v63  }
0x33: {  	_ =	swait.ge [sflag:s21], $0x2000  }
0x34: {  	[sflag:s21] =	ssyncset.done $0x0  }
0x35: {  	[sflag:s21] =	ssyncadd.s32 $0xFFFFE000  }
0x36: {  	[spmem:s12] =	stream.linear.scatter [tilespmem:s23], [sflag:$0x3], $0x2000, $0x38;
	[tilespmem:$0x1CC40] =	vst v63  }
0x37: {  	_ =	swait.ge [sflag:s21], $0x2000  }
0x38: {  	[sflag:s21] =	ssyncset.done $0x0  }
0x39: {  	[sflag:s21] =	ssyncadd.s32 $0xFFFFE000  }
0x3a: {  	[spmem:s13] =	stream.linear.scatter [tilespmem:s23], [sflag:$0x3], $0x2000, $0x38;
	[tilespmem:$0x1CC40] =	vst v63  }
0x3b: {  	_ =	swait.ge [sflag:s21], $0x2000  }
0x3c: {  	[sflag:s21] =	ssyncset.done $0x0  }
0x3d: {  	[sflag:s21] =	ssyncadd.s32 $0xFFFFE000  }
0x3e: {  	_ =	swait.ge [sflag:s18], $0x2800  }
0x3f: {  	[sflag:s18] =	ssyncset.done $0x0  }
0x40: {  	[sflag:s18] =	ssyncadd.s32 $0xFFFFD800  }
0x41: {  	_ =	swait.ge [sflag:s24], $0x2800  }
0x42: {  	[sflag:s24] =	ssyncset.done $0x0  }
0x43: {  	[sflag:s24] =	ssyncadd.s32 $0xFFFFD800  }
0x44: {  	s28 =	simm.s32 $0x0;
	[bflag:$0x0] =	sbarrier.arrive $0xFFFF  }
0x45: {  	[tilespmem:s23], [sflag:$0x1] =	stream.indirect.gather [spmem:s1], $0x40, s28, s25, $0xb8;
	[tilespmem:$0x1CC40] =	vst v63  }
0x46: {  	s16 =	simm.s32 $0x80  }
0x47: {  	[tilespmem:s26], [sflag:$0x2] =	stream.indirect.gather [spmem:s1], $0x40, s16, s25, $0xb8;
	[tilespmem:$0x1CC40] =	vst v63  }
0x48: {  	_ =	swait.ge [sflag:s18], $0x2000  }
0x49: {  	[sflag:s18] =	ssyncset.done $0x0  }
0x4a: {  	s19 =	simm.s32 $0x2800;
	[sflag:s18] =	ssyncadd.s32 $0xFFFFE000  }
0x4b: {  	[spmem:s2] =	stream.indirect.scatter.add.f32 [tilespmem:s23], [sflag:$0x3], $0x40, s19, s25, $0xb8;
	[tilespmem:$0x1CC40] =	vst v63  }
0x4c: {  	_ =	swait.ge [sflag:s21], $0x2000  }
0x4d: {  	[sflag:s21] =	ssyncset.done $0x0  }
0x4e: {  	s20 =	simm.s32 $0x100;
	[sflag:s21] =	ssyncadd.s32 $0xFFFFE000  }
0x4f: {  	[tilespmem:s23], [sflag:$0x1] =	stream.indirect.gather [spmem:s1], $0x40, s20, s25, $0xb8;
	[tilespmem:$0x1CC40] =	vst v63  }
0x50: {  	_ =	swait.ge [sflag:s24], $0x2000  }
0x51: {  	[sflag:s24] =	ssyncset.done $0x0  }
0x52: {  	s28 =	simm.s32 $0x2880;
	[sflag:s24] =	ssyncadd.s32 $0xFFFFE000  }
0x53: {  	[spmem:s2] =	stream.indirect.scatter.add.f32 [tilespmem:s26], [sflag:$0x3], $0x40, s28, s25, $0xb8;
	[tilespmem:$0x1CC40] =	vst v63  }
0x54: {  	_ =	swait.ge [sflag:s21], $0x2000  }
0x55: {  	s0 =	simm.s32 $0x100;
	s16 =	simm.s32 $0x800;
	[sflag:s21] =	ssyncset.done $0x0  }
.LBB2_4:
0x56: {  	s19 =	sadd.s32 $0x80, s0  }
0x57: {  	[sflag:s21] =	ssyncadd.s32 $0xFFFFE000;
	s20 =	smov.u32 s16;
	s28 =	sadd.s32 $0x400, s16  }
0x58: {  	[tilespmem:s26], [sflag:$0x2] =	stream.indirect.gather [spmem:s1], $0x40, s19, s25, $0xb8;
	[tilespmem:$0x1CC40] =	vst v63  }
0x59: {  	p1 =	sne.s32 s16, $0x9800;
	_ =	swait.ge [sflag:s18], $0x2000  }
0x5a: {  	[sflag:s18] =	ssyncset.done $0x0  }
0x5b: {  	s16 =	sadd.s32 $0x2800, s0;
	[sflag:s18] =	ssyncadd.s32 $0xFFFFE000  }
0x5c: {  	[spmem:s2] =	stream.indirect.scatter.add.f32 [tilespmem:s23], [sflag:$0x3], $0x40, s16, s25, $0xb8;
	[tilespmem:$0x1CC40] =	vst v63  }
0x5d: {  	_ =	swait.ge [sflag:s21], $0x2000  }
0x5e: {  	[sflag:s21] =	ssyncset.done $0x0  }
0x5f: {  	s16 =	sadd.s32 $0x100, s0;
	[sflag:s21] =	ssyncadd.s32 $0xFFFFE000  }
0x60: {  	[tilespmem:s23], [sflag:$0x1] =	stream.indirect.gather [spmem:s1], $0x40, s16, s25, $0xb8;
	[tilespmem:$0x1CC40] =	vst v63  }
0x61: {  	_ =	swait.ge [sflag:s24], $0x2000  }
.Ltmp1:
0x62: {  	[sflag:s24] =	ssyncset.done $0x0;
	(pc) =	sbr.rel @p1 .LBB2_4-.Ltmp1, $4  }
0x63: {  	s0 =	sadd.s32 $0x2880, s0;
	[sflag:s24] =	ssyncadd.s32 $0xFFFFE000  }
0x64: {  	[spmem:s2] =	stream.indirect.scatter.add.f32 [tilespmem:s26], [sflag:$0x3], $0x40, s0, s25, $0xb8;
	[tilespmem:$0x1CC40] =	vst v63  }
0x65: {  	_ =	swait.ge [sflag:s21], $0x2000  }
0x66: {  	s16 =	smov.u32 s28;
	s0 =	sshra.s32 s20, $0x2;
	[sflag:s21] =	ssyncset.done $0x0  }
0x67: {  	s16 =	sadd.s32 $0x80, s0;
	[sflag:s21] =	ssyncadd.s32 $0xFFFFE000  }
0x68: {  	[tilespmem:s26], [sflag:$0x2] =	stream.indirect.gather [spmem:s1], $0x40, s16, s25, $0xb8;
	[tilespmem:$0x1CC40] =	vst v63  }
0x69: {  	_ =	swait.ge [sflag:s18], $0x2000  }
0x6a: {  	[sflag:s18] =	ssyncset.done $0x0  }
0x6b: {  	s20 =	sadd.s32 $0x2800, s0;
	[sflag:s18] =	ssyncadd.s32 $0xFFFFE000  }
0x6c: {  	[spmem:s2] =	stream.indirect.scatter.add.f32 [tilespmem:s23], [sflag:$0x3], $0x40, s20, s25, $0xb8;
	[tilespmem:$0x1CC40] =	vst v63  }
0x6d: {  	_ =	swait.ge [sflag:s21], $0x2000  }
0x6e: {  	[sflag:s21] =	ssyncset.done $0x0  }
0x6f: {  	s28 =	sadd.s32 $0x100, s0;
	[sflag:s21] =	ssyncadd.s32 $0xFFFFE000  }
0x70: {  	[tilespmem:s23], [sflag:$0x1] =	stream.indirect.gather [spmem:s1], $0x40, s28, s25, $0xb8;
	[tilespmem:$0x1CC40] =	vst v63  }
0x71: {  	_ =	swait.ge [sflag:s24], $0x2000  }
0x72: {  	[sflag:s24] =	ssyncset.done $0x0  }
0x73: {  	s19 =	sadd.s32 $0x2880, s0;
	[sflag:s24] =	ssyncadd.s32 $0xFFFFE000  }
0x74: {  	[spmem:s2] =	stream.indirect.scatter.add.f32 [tilespmem:s26], [sflag:$0x3], $0x40, s19, s25, $0xb8;
	[tilespmem:$0x1CC40] =	vst v63  }
0x75: {  	_ =	swait.ge [sflag:s21], $0x2000  }
0x76: {  	[sflag:s21] =	ssyncset.done $0x0  }
0x77: {  	s20 =	simm.s32 $0x2780;
	[sflag:s21] =	ssyncadd.s32 $0xFFFFE000  }
0x78: {  	[tilespmem:s26], [sflag:$0x2] =	stream.indirect.gather [spmem:s1], $0x40, s20, s25, $0xb8;
	[tilespmem:$0x1CC40] =	vst v63  }
0x79: {  	_ =	swait.ge [sflag:s18], $0x2000  }
0x7a: {  	[sflag:s18] =	ssyncset.done $0x0  }
0x7b: {  	[sflag:s18] =	ssyncadd.s32 $0xFFFFE000  }
0x7c: {  	[spmem:s2] =	stream.indirect.scatter.add.f32 [tilespmem:s23], [sflag:$0x3], $0x40, s29, s25, $0xb8;
	[tilespmem:$0x1CC40] =	vst v63  }
0x7d: {  	_ =	swait.ge [sflag:s21], $0x2000  }
0x7e: {  	[sflag:s21] =	ssyncset.done $0x0  }
0x7f: {  	[sflag:s21] =	ssyncadd.s32 $0xFFFFE000  }
0x80: {  	_ =	swait.ge [sflag:s24], $0x2000  }
0x81: {  	[sflag:s24] =	ssyncset.done $0x0  }
0x82: {  	[sflag:s24] =	ssyncadd.s32 $0xFFFFE000  }
0x83: {  	[spmem:s2] =	stream.indirect.scatter.add.f32 [tilespmem:s26], [sflag:$0x3], $0x40, s30, s25, $0xb8;
	[tilespmem:$0x1CC40] =	vst v63  }
0x84: {  	_ =	swait.ge [sflag:s21], $0x2000  }
0x85: {  	s31 =	sadd.s32 $0x1, s31;
	[sflag:s21] =	ssyncset.done $0x0  }
0x86: {  	p1 =	sne.s32 s31, s15;
	[sflag:s21] =	ssyncadd.s32 $0xFFFFE000  }
.Ltmp2:
0x87: {  	s28 =	sshrl.u32 s9, $0x3;
	[bflag:$0x0] =	sbarrier.arrive $0xFFFF;
	(pc) =	sbr.rel @p1 .LBB2_1-.Ltmp2, $4  }
0x88: {  	[hbm:s14], [sflag:s7] =	dma.local [spmem:s28], $0x1400  }
0x89: {  	_ =	swait.ge [sflag:s21], $0x1400  }
0x8a: {  	[sflag:s21] =	ssyncset.done $0x0  }
0x8b: {  	[sflag:s21] =	ssyncadd.s32 $0xFFFFEC00  }
0x8c: {  	_ =	sfence.sel $0x180000  }
0x8d: {  	[bflag:$0x0] =	sbarrier.arrive $0xFFFF  }
0x8e: {  	_ =	strace $0x9000004A  }
0x8f: {  	[bflag:$0x2] =	sbarrier.arrive $0xFFFF  }
0x90: {  	s0 =	rddreg [dreg:$0x4]  }
0x91: {  	s0 =	sadd.s32 @!p0 $0x100000, s0  }
0x92: {  	[sflag:s0] =	ssyncadd.tile.s32 @!p0 $0x1;
	_ =	shalt  }
.Lfunc_end2:
_tile_overlayer_lowered:
.L_overlay_start_2:
0x93: {  	(tag) =	ssettag $0x2  }
0x94: {  	s0 =	rddreg [dreg:$0x0];
	s2 =	stileid.u32  }
0x95: {  	s1 =	rddreg [dreg:$0x1];
	p0 =	sne.s32 s2, $0x0  }
0x96: {  	s3 =	rddreg [dreg:$0x2];
	[bflag:$0x3] =	sbarrier.arrive $0xFFFF;
	s2 =	simm.s32 @!p0 $0x1C03  }
0x97: {  	[timem:s3], [sflag:s2] =	dma.local @!p0 [hbm:s0], s1  }
0x98: {  	s0 =	simm.s32 @!p0 $0x3  }
0x99: {  	_ =	swait.ge @!p0 [sflag:s0], s1  }
0x9a: {  	s1 =	ssub.s32 @!p0 $0x0, s1;
	[sflag:s0] =	ssyncset.done @!p0 $0x0  }
0x9b: {  	[sflag:s0] =	ssyncadd.s32 @!p0 s1  }
0x9c: {  	[bflag:$0x3] =	sbarrier.arrive $0xFFFF  }
0x9d: {  	_ =	shalt  }

// kernel: _run.15.cloned.1.call-start
scs
__scs_entry_jumppad:
0x0: {  	(pc) =	sbr.rel $0x88, $3  }
0x1: {  	(tag) =	ssettag $0x0;
	lr =	simm.s32 $0x1  }
0x2: {  	[smem:$0x3F99] =	sst lr;
	_ =	strace $0xD0000000  }
0x3: {  	_ = 	snop  }
0x4: {  	_ = 	snop  }
0x5: {  	_ = 	snop  }
0x6: {  	_ = 	snop  }
0x7: {  	_ = 	snop  }
__scs_overlays_trampoline_lowered:
0x8: {  	[smem:$0x3FA8] =	sst s0  }
0x9: {  	[smem:$0x3FA9] =	sst s1  }
0xa: {  	[smem:$0x3FAA] =	sst s2  }
0xb: {  	[smem:$0x3FAB] =	sst s3  }
0xc: {  	[smem:$0x3FAC] =	sst s4  }
0xd: {  	[smem:$0x3FAD] =	sst s5  }
0xe: {  	[smem:$0x3FAE] =	sst s6  }
0xf: {  	[smem:$0x3FAF] =	sst s7  }
0x10: {  	[smem:$0x3FB0] =	sst s8  }
0x11: {  	[smem:$0x3FB1] =	sst s9;
	s0 =	simm.s32 @!p0 $0x0  }
0x12: {  	s1 =	sld [smem:$0x3F97];
	s0 =	simm.s32 @p0 $0x1  }
0x13: {  	[smem:$0x3FB2] =	sst s0;
	s0 =	simm.s32 @!p1 $0x0  }
0x14: {  	s2 =	sld [smem:$0x3F96];
	s0 =	simm.s32 @p1 $0x1  }
0x15: {  	[smem:$0x3FB3] =	sst s0;
	s0 =	simm.s32 @!p2 $0x0  }
0x16: {  	s3 =	sld [smem:$0x3FDB];
	s0 =	simm.s32 @p2 $0x1  }
0x17: {  	s4 =	simm.s32 $0x1BF5;
	[smem:$0x3FB5] =	sst s0  }
0x18: {  	s0 =	sld [smem:$0x3F98];
	_ =	swait.ge [sflag:s4], $0x0  }
0x19: {  	s7 =	sld [smem:$0x3F99]  }
0x1a: {  	s8 =	sadd.s32 $0xFFFFE003, lr  }
0x1b: {  	s9 =	sadd.s32 $0xFFFFFEF7, lr;
	s5 =	simm.s32 $0xFFFFFFFF;
	p2 =	slt.u32 s8, $0xFFFFF086  }
0x1c: {  	p1 =	slt.u32 s9, $0xF7A;
	s5 =	simm.s32 @!p2 $0x0  }
0x1d: {  	s5 =	simm.s32 @p1 $0x1;
	p0 =	seq.s32 s7, s2  }
0x1e: {  	s7 =	smul.u32 @!p0 $0xF7A, s2;
	p2 =	seq.s32 @!p0 s5, $0x0  }
0x1f: {  	s9 =	smul.u32 $0xF7A, s1;
	s8 =	simm.s32 @!p0 $0x1BF5;
	p2 =	por !p2, p0  }
0x20: {  	[sflag:s8] =	ssyncset.s32 @!p0 $0xFFFFF086;
	s6 =	sadd.s32 @!p0 s3, s7;
	s7 =	simm.s32 @!p0 $0x108  }
0x21: {  	s3 =	sadd.s32 s3, s9;
	s6 =	sadd.s32 @!p0 $0x88, s6;
	s7 =	simm.s32 @p2 $0x1082  }
0x22: {  	[simem:s7], [sflag:s8] =	dma.local @!p0 [hbm:s6], $0xF7A  }
0x23: {  	s9 =	sor.u32 $0xD0000000, s2;
	s6 =	simm.s32 $0x108;
	_ =	swait.ge @!p0 [sflag:s8], $0x0  }
0x24: {  	s3 =	sadd.s32 $0x88, s3;
	s6 =	simm.s32 @!p1 $0x1082;
	[sflag:s4] =	ssyncset.s32 $0xFFFFF086  }
0x25: {  	[simem:s6], [sflag:s4] =	dma.local [hbm:s3], $0xF7A  }
0x26: {  	[smem:$0x3F99] =	sst s1;
	(tag) =	ssettag s2;
	_ =	strace s9  }
0x27: {  	s1 =	sld [smem:$0x3FA9]  }
0x28: {  	s2 =	sld [smem:$0x3FAA]  }
0x29: {  	s4 =	sld [smem:$0x3FAC]  }
0x2a: {  	p0 =	seq.s32 s5, $0x0;
	s5 =	sld [smem:$0x3FAD]  }
0x2b: {  	s6 =	sld [smem:$0x3FAE]  }
0x2c: {  	s7 =	sld [smem:$0x3FAF]  }
0x2d: {  	s3 =	simm.s32 $0x108;
	s8 =	sld [smem:$0x3FB0]  }
0x2e: {  	s3 =	simm.s32 @!p0 $0x1082;
	s9 =	sld [smem:$0x3FB1]  }
0x2f: {  	lr =	sadd.s32 s0, s3;
	s0 =	sld [smem:$0x3FA8]  }
0x30: {  	s3 =	sld [smem:$0x3FAB]  }
0x31: {  	[smem:$0x3FB4] =	sst s10  }
0x32: {  	s10 =	sld [smem:$0x3FB2];
	_ =	sdelay $0x3  }
0x33: {  	p0 =	seq.s32 s10, $0x1;
	s10 =	sld [smem:$0x3FB4];
	_ =	sdelay $0x3  }
0x34: {  	[smem:$0x3FB4] =	sst s10  }
0x35: {  	s10 =	sld [smem:$0x3FB3];
	_ =	sdelay $0x3  }
0x36: {  	p1 =	seq.s32 s10, $0x1;
	s10 =	sld [smem:$0x3FB4];
	_ =	sdelay $0x3  }
0x37: {  	[smem:$0x3FB4] =	sst s10  }
0x38: {  	s10 =	sld [smem:$0x3FB5]  }
0x39: {  	_ = 	snop;
	(pc) =	sbr.ind lr, $3  }
0x3a: {  	_ = 	snop  }
0x3b: {  	_ = 	snop  }
0x3c: {  	p2 =	seq.s32 s10, $0x1;
	s10 =	sld [smem:$0x3FB4]  }
0x3d: {  	_ =	shalt  }
0x3e: {  	_ =	shalt  }
0x3f: {  	_ =	shalt  }
0x40: {  	_ =	shalt  }
0x41: {  	_ =	shalt  }
0x42: {  	_ =	shalt  }
0x43: {  	_ =	shalt  }
0x44: {  	_ =	shalt  }
0x45: {  	_ =	shalt  }
0x46: {  	_ =	shalt  }
0x47: {  	_ =	shalt  }
0x48: {  	_ =	shalt  }
0x49: {  	_ =	shalt  }
0x4a: {  	_ =	shalt  }
0x4b: {  	_ =	shalt  }
0x4c: {  	_ =	shalt  }
0x4d: {  	_ =	shalt  }
0x4e: {  	_ =	shalt  }
0x4f: {  	_ =	shalt  }
0x50: {  	_ =	shalt  }
0x51: {  	_ =	shalt  }
0x52: {  	_ =	shalt  }
0x53: {  	_ =	shalt  }
0x54: {  	_ =	shalt  }
0x55: {  	_ =	shalt  }
0x56: {  	_ =	shalt  }
0x57: {  	_ =	shalt  }
0x58: {  	_ =	shalt  }
0x59: {  	_ =	shalt  }
0x5a: {  	_ =	shalt  }
0x5b: {  	_ =	shalt  }
0x5c: {  	_ =	shalt  }
0x5d: {  	_ =	shalt  }
0x5e: {  	_ =	shalt  }
0x5f: {  	_ =	shalt  }
0x60: {  	_ =	shalt  }
0x61: {  	_ =	shalt  }
0x62: {  	_ =	shalt  }
0x63: {  	_ =	shalt  }
0x64: {  	_ =	shalt  }
0x65: {  	_ =	shalt  }
0x66: {  	_ =	shalt  }
0x67: {  	_ =	shalt  }
0x68: {  	_ =	shalt  }
0x69: {  	_ =	shalt  }
0x6a: {  	_ =	shalt  }
0x6b: {  	_ =	shalt  }
0x6c: {  	_ =	shalt  }
0x6d: {  	_ =	shalt  }
0x6e: {  	_ =	shalt  }
0x6f: {  	_ =	shalt  }
0x70: {  	_ =	shalt  }
0x71: {  	_ =	shalt  }
0x72: {  	_ =	shalt  }
0x73: {  	_ =	shalt  }
0x74: {  	_ =	shalt  }
0x75: {  	_ =	shalt  }
0x76: {  	_ =	shalt  }
0x77: {  	_ =	shalt  }
0x78: {  	_ =	shalt  }
0x79: {  	_ =	shalt  }
0x7a: {  	_ =	shalt  }
0x7b: {  	_ =	shalt  }
0x7c: {  	_ =	shalt  }
0x7d: {  	_ =	shalt  }
0x7e: {  	_ =	shalt  }
0x7f: {  	_ =	shalt  }
0x80: {  	_ =	shalt  }
0x81: {  	_ =	shalt  }
0x82: {  	_ =	shalt  }
0x83: {  	_ =	shalt  }
0x84: {  	_ =	shalt  }
0x85: {  	_ =	shalt  }
0x86: {  	_ =	shalt  }
0x87: {  	_ =	shalt  }
.Lfunc_end0:
.L_simem_size_0:
called_computation.2_lowered:
.L_overlay_start_0:
0x88: {  	s2 =	sld [smem:$0x3FD9]  }
0x89: {  	s3 =	sld [smem:$0x3FFE];
	_ =	sdelay $0x1  }
0x8a: {  	s1 =	srdreg.scid  }
0x8b: {  	s0 =	sand.u32 $0x1, s1  }
0x8c: {  	s17 =	sshll.u32 s0, $0xA;
	s2 =	sadd.s32 s3, s2  }
0x8d: {  	s2 =	sadd.s32 s2, s17  }
0x8e: {  	[smem:$0x3FC0] =	sst s2  }
0x8f: {  	_ = 	snop  }
0x90: {  	s2 =	sld [smem:$0x3FD0];
	(tm) =	ssettm $0x1  }
0x91: {  	s18 =	sld [smem:$0x3FFB];
	_ =	sdelay $0x3  }
0x92: {  	_ =	strace s18  }
0x93: {  	s3 =	sld [smem:$0x3FFC];
	_ =	sdelay $0x3  }
0x94: {  	_ =	strace s3  }
0x95: {  	s3 =	sld [smem:$0x3FFD];
	_ =	sdelay $0x3  }
0x96: {  	_ =	strace s3  }
0x97: {  	_ =	strace $0x8FFFFFFF  }
0x98: {  	s19 =	sld [smem:$0x3FDB];
	_ =	sdelay $0x1  }
0x99: {  	s4 =	simm.s32 $_scs_section_size  }
0x9a: {  	s5 =	simm.s32 $_size__tile_overlayer_lowered;
	s6 =	simm.s32 $_tile_overlayer_lowered  }
0x9b: {  	s22 =	simm.s32 $0x1BFF;
	s21 =	sshll.u32 s6, $0x1;
	s3 =	sadd.s32 s4, s19  }
0x9c: {  	s7 =	simm.s32 $0x0;
	s20 =	sshll.u32 s5, $0x1;
	s5 =	sadd.s32 s21, s3  }
0x9d: {  	[timem:s7], [sflag:s22] =	dma.local [hbm:s5], s20  }
0x9e: {  	_ =	swait.ge [sflag:s22], s20  }
0x9f: {  	s4 =	ssub.s32 $0x0, s20;
	[sflag:s22] =	ssyncset.done $0x0  }
0xa0: {  	[sflag:s22] =	ssyncadd.s32 s4;
	_ =	sdelay $0x1  }
0xa1: {  	s23 =	simm.s32 $0x1B8B  }
0xa2: {  	_ =	swait.ge [sflag:s23], $0x1  }
0xa3: {  	[sflag:s23] =	ssyncset.done $0x0  }
0xa4: {  	s25 =	simm.s32 $0x1B8E;
	s24 =	sld [smem:$0x3FFE];
	[sflag:s23] =	ssyncadd.s32 $0xFFFFFFFF  }
0xa5: {  	s26 =	simm.s32 $execute0_lowered;
	[smem:$0x3FD2] =	sst s25  }
0xa6: {  	s5 =	sshll.u32 s26, $0x1;
	_ =	strace $0x8000004C;
	[dreg:$0x1] =	wrdreg $0xFFFFFFFF  }
0xa7: {  	s28 =	simm.s32 $_size_execute0_lowered;
	s3 =	sadd.s32 s3, s5;
	[dreg:$0x0] =	wrdreg $0x0  }
0xa8: {  	s5 =	sshll.u32 s28, $0x1;
	[dreg:$0x2] =	wrdreg s3  }
0xa9: {  	[dreg:$0x3] =	wrdreg s5  }
0xaa: {  	[dreg:$0x4] =	wrdreg $0xC0  }
0xab: {  	_ =	task [dreg:s7], $0x5FFFF  }
0xac: {  	[dreg:$0x1] =	wrdreg $0xFFFFFFFF  }
0xad: {  	[dreg:$0x0] =	wrdreg $0x60  }
0xae: {  	[dreg:$0x2] =	wrdreg s2  }
0xaf: {  	[dreg:$0x3] =	wrdreg s24  }
0xb0: {  	[dreg:$0x4] =	wrdreg $0x90000  }
0xb1: {  	[dreg:$0x5] =	wrdreg $0x12C400  }
0xb2: {  	[dreg:$0x6] =	wrdreg $0x9  }
0xb3: {  	_ =	task.clear_ibuf [dreg:s7], $0x7FFFF;
	_ =	strace $0x9000004C  }
0xb4: {  	s29 =	simm.s32 $0x9;
	_ =	strace $0x8000004E  }
0xb5: {  	_ =	swait.ge [sflag:s29], $0x1  }
0xb6: {  	[sflag:s29] =	ssyncadd.s32 $0xFFFFFFFF  }
0xb7: {  	_ =	strace $0x9000004E  }
0xb8: {  	_ =	sfence  }
0xb9: {  	s30 =	sld [smem:$0x0];
	_ =	sdelay $0x2  }
0xba: {  	s31 =	sshll.u32 s1, $0xD;
	s1 =	sshrl.u32 s1, $0x2  }
0xbb: {  	s3 =	sand.u32 $0x4000, s31;
	s1 =	sadd.s32 s1, s30  }
0xbc: {  	s0 =	sor.u32 s3, s0;
	s1 =	sshll.u32 s1, $0x11  }
0xbd: {  	s0 =	sor.u32 s1, s0  }
0xbe: {  	s0 =	sadd.s32 $0x8F2B, s0  }
0xbf: {  	[sflag:s0] =	ssyncadd.remote.s32 $0x1  }
0xc0: {  	_ =	sfence.sel $0xFFFF  }
0xc1: {  	[dreg:$0x0] =	wrdreg $0xFFFFFFFF;
	(pc) =	sbr.abs _section_cstart, $3  }
0xc2: {  	[dreg:$0x1] =	wrdreg $0xFFFFFFFF  }
0xc3: {  	_ =	task.clear_ibuf [dreg:s7], $0x2FFFF;
	_ =	strace $0x9FFFFFFF  }
0xc4: {  	(tm) =	ssettm $0x7FFFFFFF  }
0xc5: {  	_ =	shalt  }
tec
execute0_lowered:
.L_overlay_start_1:
0x0: {  	(tag) =	ssettag $0x1  }
0x1: {  	s8 =	rddreg [dreg:$0x0]  }
0x2: {  	s5 =	rddreg [dreg:$0x1]  }
0x3: {  	s0 =	srdreg.scid;
	s1 =	rddreg [dreg:$0x2]  }
0x4: {  	s16 =	stileid.u32;
	s2 =	rddreg [dreg:$0x3];
	s3 =	simm.s32 $0x0  }
0x5: {  	s18 =	simm.s32 $0x3;
	s20 =	simm.s32 $0x5000;
	s21 =	simm.s32 $0x1  }
0x6: {  	s22 =	simm.s32 $0x2;
	s23 =	simm.s32 $0x80;
	s24 =	simm.s32 $0x7000  }
0x7: {  	s28 =	simm.s32 $0x4F80;
	s29 =	simm.s32 $0x0;
	s9 =	smul.u32 $0xA000, s16  }
0x8: {  	s4 =	sand.u32 $0x1, s0;
	[smem:$0x7FF] =	sst s3;
	s25 =	smul.u32 $0x9C00, s16  }
0x9: {  	s26 =	smul.u32 $0x28000, s16;
	s31 =	sshll.u32 s16, $0x6;
	s19 =	sadd.s32 $0x9C000, s1  }
0xa: {  	p0 =	sne.s32 s16, $0x0;
	s0 =	sshll.u32 s4, $0x4;
	s7 =	smul.u32 $0xA0000, s4  }
0xb: {  	_ =	strace $0x8000004D;
	s4 =	ssub.s32 $0x2, s4;
	s19 =	sshrl.u32 @!p0 s19, $0x3  }
0xc: {  	s0 =	sor.u32 s16, s0;
	s10 =	sshrl.u32 s4, $0x1;
	s17 =	sadd.s32 s25, s1  }
0xd: {  	s30 =	sshrl.u32 s25, $0x3;
	s6 =	smul.u32 $0x5000, s0;
	s7 =	sadd.s32 s9, s7  }
0xe: {  	s15 =	ssub.s32 s4, s10;
	s10 =	sshrl.u32 s26, $0x2;
	s9 =	sadd.s32 s9, s2  }
0xf: {  	s17 =	sshrl.u32 s17, $0x3;
	s26 =	simm.s32 $0x4F00;
	s7 =	sshrl.u32 s7, $0x3  }
0x10: {  	s13 =	sadd.s32 s10, s2;
	s15 =	smax.u32 s15, $0x1;
	s6 =	sshrl.u32 s6, $0x3  }
0x11: {  	s14 =	sadd.s32 s7, s5;
	s7 =	sor.u32 $0x1C03, s31;
	s10 =	sadd.s32 $0x2000, s13  }
0x12: {  	s11 =	sadd.s32 $0x4000, s13;
	s12 =	sadd.s32 $0x6000, s13;
	s6 =	sadd.s32 s6, s5  }
0x13: {  	s13 =	sadd.s32 $0x8000, s13;
	s14 =	sadd.s32 $0x3DE00, s14;
	s4 =	sadd.s32 $0x2C00, s6  }
0x14: {  	v0 =	vimm.f32 $0.0e+00;
	s5 =	sadd.s32 $0x3100, s6;
	s6 =	sadd.s32 s8, s30;
	s8 =	sadd.s32 $0x13800, s8  }
.LBB2_1:
0x15: {  	[tilespmem:s3], [sflag:$0x1] =	stream.linear.gather [hbm4b:s4+s3], $0x2800, $0x38;
	[tilespmem:$0x1CC40] =	vst v63  }
0x16: {  	s0 =	simm.s32 $0x2800  }
0x17: {  	[tilespmem:s0], [sflag:$0x2] =	stream.linear.gather [hbm4b:s5+s3], $0x2800, $0x38;
	[tilespmem:$0x1CC40] =	vst v63  }
0x18: {  	[spmem:s17], [sflag:s7] =	dma.local [hbm:s6], $0x1380  }
0x19: {  	_ =	swait.ge [sflag:s18], $0x1380  }
0x1a: {  	[sflag:s18] =	ssyncset.done $0x0  }
0x1b: {  	s30 =	simm.s32 @!p0 $0x3;
	[sflag:s18] =	ssyncadd.s32 $0xFFFFEC80  }
0x1c: {  	[spmem:s19], [sflag:s7] =	dma.local @!p0 [hbm:s8], $0x80  }
0x1d: {  	_ =	swait.ge @!p0 [sflag:s30], $0x80  }
0x1e: {  	[sflag:s30] =	ssyncset.done @!p0 $0x0  }
0x1f: {  	s31 =	simm.s32 $0x100;
	[sflag:s30] =	ssyncadd.s32 @!p0 $0xFFFFFF80;
	s30 =	simm.s32 $0x0  }
.LBB2_2:
0x20: {  	p1 =	sne.s32 s31, $0x7F00;
	[tilespmem:s30+$0x5030] =	vst v0;
	s0 =	smov.u32 s31;
	s31 =	sadd.s32 $0x100, s31  }
.Ltmp0:
0x21: {  	[tilespmem:s30+$0x5020] =	vst v0;
	(pc) =	sbr.rel @p1 .LBB2_2-.Ltmp0, $3  }
0x22: {  	[tilespmem:s30+$0x5000] =	vst v0  }
0x23: {  	[tilespmem:s30+$0x5010] =	vst v0;
	_ =	sdelay $0x1  }
0x24: {  	s30 =	sshra.s32 s0, $0x2  }
0x25: {  	[tilespmem:s30+$0x5030] =	vst v0  }
0x26: {  	[tilespmem:s30+$0x5020] =	vst v0  }
0x27: {  	[tilespmem:s30+$0x5000] =	vst v0  }
0x28: {  	[tilespmem:s30+$0x5010] =	vst v0  }
0x29: {  	[spmem:s9] =	stream.linear.scatter [tilespmem:s20], [sflag:$0x3], $0x2000, $0x38;
	[tilespmem:$0x1CC40] =	vst v63  }
0x2a: {  	_ =	swait.ge [sflag:s18], $0x2000  }
0x2b: {  	[sflag:s18] =	ssyncset.done $0x0  }
0x2c: {  	[sflag:s18] =	ssyncadd.s32 $0xFFFFE000  }
0x2d: {  	[spmem:s10] =	stream.linear.scatter [tilespmem:s20], [sflag:$0x3], $0x2000, $0x38;
	[tilespmem:$0x1CC40] =	vst v63  }
0x2e: {  	_ =	swait.ge [sflag:s18], $0x2000  }
0x2f: {  	[sflag:s18] =	ssyncset.done $0x0  }
0x30: {  	[sflag:s18] =	ssyncadd.s32 $0xFFFFE000  }
0x31: {  	[spmem:s11] =	stream.linear.scatter [tilespmem:s20], [sflag:$0x3], $0x2000, $0x38;
	[tilespmem:$0x1CC40] =	vst v63  }
0x32: {  	_ =	swait.ge [sflag:s18], $0x2000  }
0x33: {  	[sflag:s18] =	ssyncset.done $0x0  }
0x34: {  	[sflag:s18] =	ssyncadd.s32 $0xFFFFE000  }
0x35: {  	[spmem:s12] =	stream.linear.scatter [tilespmem:s20], [sflag:$0x3], $0x2000, $0x38;
	[tilespmem:$0x1CC40] =	vst v63  }
0x36: {  	_ =	swait.ge [sflag:s18], $0x2000  }
0x37: {  	[sflag:s18] =	ssyncset.done $0x0  }
0x38: {  	[sflag:s18] =	ssyncadd.s32 $0xFFFFE000  }
0x39: {  	[spmem:s13] =	stream.linear.scatter [tilespmem:s20], [sflag:$0x3], $0x2000, $0x38;
	[tilespmem:$0x1CC40] =	vst v63  }
0x3a: {  	_ =	swait.ge [sflag:s18], $0x2000  }
0x3b: {  	[sflag:s18] =	ssyncset.done $0x0  }
0x3c: {  	[sflag:s18] =	ssyncadd.s32 $0xFFFFE000  }
0x3d: {  	_ =	swait.ge [sflag:s21], $0x2800  }
0x3e: {  	[sflag:s21] =	ssyncset.done $0x0  }
0x3f: {  	[sflag:s21] =	ssyncadd.s32 $0xFFFFD800  }
0x40: {  	_ =	swait.ge [sflag:s22], $0x2800  }
0x41: {  	[sflag:s22] =	ssyncset.done $0x0  }
0x42: {  	[sflag:s22] =	ssyncadd.s32 $0xFFFFD800  }
0x43: {  	s0 =	simm.s32 $0x0;
	[bflag:$0x0] =	sbarrier.arrive $0xFFFF  }
0x44: {  	[tilespmem:s20], [sflag:$0x1] =	stream.indirect.gather [spmem:s1], $0x40, s0, s23, $0xb8;
	[tilespmem:$0x1CC40] =	vst v63  }
0x45: {  	s16 =	simm.s32 $0x80  }
0x46: {  	[tilespmem:s24], [sflag:$0x2] =	stream.indirect.gather [spmem:s1], $0x40, s16, s23, $0xb8;
	[tilespmem:$0x1CC40] =	vst v63  }
0x47: {  	_ =	swait.ge [sflag:s21], $0x2000  }
0x48: {  	[sflag:s21] =	ssyncset.done $0x0  }
0x49: {  	s25 =	simm.s32 $0x2800;
	[sflag:s21] =	ssyncadd.s32 $0xFFFFE000  }
0x4a: {  	[spmem:s2] =	stream.indirect.scatter.add.f32 [tilespmem:s20], [sflag:$0x3], $0x40, s25, s23, $0xb8;
	[tilespmem:$0x1CC40] =	vst v63  }
0x4b: {  	_ =	swait.ge [sflag:s18], $0x2000  }
0x4c: {  	[sflag:s18] =	ssyncset.done $0x0  }
0x4d: {  	s16 =	simm.s32 $0x100;
	[sflag:s18] =	ssyncadd.s32 $0xFFFFE000  }
0x4e: {  	[tilespmem:s20], [sflag:$0x1] =	stream.indirect.gather [spmem:s1], $0x40, s16, s23, $0xb8;
	[tilespmem:$0x1CC40] =	vst v63  }
0x4f: {  	_ =	swait.ge [sflag:s22], $0x2000  }
0x50: {  	[sflag:s22] =	ssyncset.done $0x0  }
0x51: {  	s25 =	simm.s32 $0x2880;
	[sflag:s22] =	ssyncadd.s32 $0xFFFFE000  }
0x52: {  	[spmem:s2] =	stream.indirect.scatter.add.f32 [tilespmem:s24], [sflag:$0x3], $0x40, s25, s23, $0xb8;
	[tilespmem:$0x1CC40] =	vst v63  }
0x53: {  	_ =	swait.ge [sflag:s18], $0x2000  }
0x54: {  	s31 =	simm.s32 $0x800;
	s30 =	simm.s32 $0x100;
	[sflag:s18] =	ssyncset.done $0x0  }
.LBB2_4:
0x55: {  	s0 =	sadd.s32 $0x80, s30  }
0x56: {  	[sflag:s18] =	ssyncadd.s32 $0xFFFFE000;
	s16 =	smov.u32 s31;
	s25 =	sadd.s32 $0x400, s31  }
0x57: {  	[tilespmem:s24], [sflag:$0x2] =	stream.indirect.gather [spmem:s1], $0x40, s0, s23, $0xb8;
	[tilespmem:$0x1CC40] =	vst v63  }
0x58: {  	p1 =	sne.s32 s31, $0x9800;
	_ =	swait.ge [sflag:s21], $0x2000  }
0x59: {  	[sflag:s21] =	ssyncset.done $0x0  }
0x5a: {  	s0 =	sadd.s32 $0x2800, s30;
	[sflag:s21] =	ssyncadd.s32 $0xFFFFE000  }
0x5b: {  	[spmem:s2] =	stream.indirect.scatter.add.f32 [tilespmem:s20], [sflag:$0x3], $0x40, s0, s23, $0xb8;
	[tilespmem:$0x1CC40] =	vst v63  }
0x5c: {  	_ =	swait.ge [sflag:s18], $0x2000  }
0x5d: {  	[sflag:s18] =	ssyncset.done $0x0  }
0x5e: {  	s0 =	sadd.s32 $0x100, s30;
	[sflag:s18] =	ssyncadd.s32 $0xFFFFE000  }
0x5f: {  	[tilespmem:s20], [sflag:$0x1] =	stream.indirect.gather [spmem:s1], $0x40, s0, s23, $0xb8;
	[tilespmem:$0x1CC40] =	vst v63  }
0x60: {  	_ =	swait.ge [sflag:s22], $0x2000  }
.Ltmp1:
0x61: {  	[sflag:s22] =	ssyncset.done $0x0;
	(pc) =	sbr.rel @p1 .LBB2_4-.Ltmp1, $4  }
0x62: {  	s0 =	sadd.s32 $0x2880, s30;
	[sflag:s22] =	ssyncadd.s32 $0xFFFFE000  }
0x63: {  	[spmem:s2] =	stream.indirect.scatter.add.f32 [tilespmem:s24], [sflag:$0x3], $0x40, s0, s23, $0xb8;
	[tilespmem:$0x1CC40] =	vst v63  }
0x64: {  	_ =	swait.ge [sflag:s18], $0x2000  }
0x65: {  	s31 =	smov.u32 s25;
	s30 =	sshra.s32 s16, $0x2;
	[sflag:s18] =	ssyncset.done $0x0  }
0x66: {  	s0 =	sadd.s32 $0x80, s30;
	[sflag:s18] =	ssyncadd.s32 $0xFFFFE000  }
0x67: {  	[tilespmem:s24], [sflag:$0x2] =	stream.indirect.gather [spmem:s1], $0x40, s0, s23, $0xb8;
	[tilespmem:$0x1CC40] =	vst v63  }
0x68: {  	_ =	swait.ge [sflag:s21], $0x2000  }
0x69: {  	[sflag:s21] =	ssyncset.done $0x0  }
0x6a: {  	s31 =	sadd.s32 $0x2800, s30;
	[sflag:s21] =	ssyncadd.s32 $0xFFFFE000  }
0x6b: {  	[spmem:s2] =	stream.indirect.scatter.add.f32 [tilespmem:s20], [sflag:$0x3], $0x40, s31, s23, $0xb8;
	[tilespmem:$0x1CC40] =	vst v63  }
0x6c: {  	_ =	swait.ge [sflag:s18], $0x2000  }
0x6d: {  	[sflag:s18] =	ssyncset.done $0x0  }
0x6e: {  	s16 =	sadd.s32 $0x100, s30;
	[sflag:s18] =	ssyncadd.s32 $0xFFFFE000  }
0x6f: {  	[tilespmem:s20], [sflag:$0x1] =	stream.indirect.gather [spmem:s1], $0x40, s16, s23, $0xb8;
	[tilespmem:$0x1CC40] =	vst v63  }
0x70: {  	_ =	swait.ge [sflag:s22], $0x2000  }
0x71: {  	[sflag:s22] =	ssyncset.done $0x0  }
0x72: {  	s25 =	sadd.s32 $0x2880, s30;
	[sflag:s22] =	ssyncadd.s32 $0xFFFFE000  }
0x73: {  	[spmem:s2] =	stream.indirect.scatter.add.f32 [tilespmem:s24], [sflag:$0x3], $0x40, s25, s23, $0xb8;
	[tilespmem:$0x1CC40] =	vst v63  }
0x74: {  	_ =	swait.ge [sflag:s18], $0x2000  }
0x75: {  	[sflag:s18] =	ssyncset.done $0x0  }
0x76: {  	s30 =	simm.s32 $0x2780;
	[sflag:s18] =	ssyncadd.s32 $0xFFFFE000  }
0x77: {  	[tilespmem:s24], [sflag:$0x2] =	stream.indirect.gather [spmem:s1], $0x40, s30, s23, $0xb8;
	[tilespmem:$0x1CC40] =	vst v63  }
0x78: {  	_ =	swait.ge [sflag:s21], $0x2000  }
0x79: {  	[sflag:s21] =	ssyncset.done $0x0  }
0x7a: {  	[sflag:s21] =	ssyncadd.s32 $0xFFFFE000  }
0x7b: {  	[spmem:s2] =	stream.indirect.scatter.add.f32 [tilespmem:s20], [sflag:$0x3], $0x40, s26, s23, $0xb8;
	[tilespmem:$0x1CC40] =	vst v63  }
0x7c: {  	_ =	swait.ge [sflag:s18], $0x2000  }
0x7d: {  	[sflag:s18] =	ssyncset.done $0x0  }
0x7e: {  	[sflag:s18] =	ssyncadd.s32 $0xFFFFE000  }
0x7f: {  	_ =	swait.ge [sflag:s22], $0x2000  }
0x80: {  	[sflag:s22] =	ssyncset.done $0x0  }
0x81: {  	[sflag:s22] =	ssyncadd.s32 $0xFFFFE000  }
0x82: {  	[spmem:s2] =	stream.indirect.scatter.add.f32 [tilespmem:s24], [sflag:$0x3], $0x40, s28, s23, $0xb8;
	[tilespmem:$0x1CC40] =	vst v63  }
0x83: {  	_ =	swait.ge [sflag:s18], $0x2000  }
0x84: {  	s29 =	sadd.s32 $0x1, s29;
	[sflag:s18] =	ssyncset.done $0x0  }
0x85: {  	p1 =	sne.s32 s29, s15;
	[sflag:s18] =	ssyncadd.s32 $0xFFFFE000  }
.Ltmp2:
0x86: {  	s31 =	sshrl.u32 s9, $0x3;
	[bflag:$0x0] =	sbarrier.arrive $0xFFFF;
	(pc) =	sbr.rel @p1 .LBB2_1-.Ltmp2, $4  }
0x87: {  	[hbm:s14], [sflag:s7] =	dma.local [spmem:s31], $0x1400  }
0x88: {  	_ =	swait.ge [sflag:s18], $0x1400  }
0x89: {  	[sflag:s18] =	ssyncset.done $0x0  }
0x8a: {  	[sflag:s18] =	ssyncadd.s32 $0xFFFFEC00  }
0x8b: {  	_ =	sfence.sel $0x180000  }
0x8c: {  	[bflag:$0x0] =	sbarrier.arrive $0xFFFF  }
0x8d: {  	_ =	strace $0x9000004D  }
0x8e: {  	[bflag:$0x2] =	sbarrier.arrive $0xFFFF  }
0x8f: {  	s0 =	rddreg [dreg:$0x4]  }
0x90: {  	s0 =	sadd.s32 @!p0 $0x100000, s0  }
0x91: {  	[sflag:s0] =	ssyncadd.tile.s32 @!p0 $0x1;
	_ =	shalt  }
.Lfunc_end2:
_tile_overlayer_lowered:
.L_overlay_start_2:
0x92: {  	(tag) =	ssettag $0x2  }
0x93: {  	s0 =	rddreg [dreg:$0x0];
	s2 =	stileid.u32  }
0x94: {  	s1 =	rddreg [dreg:$0x1];
	p0 =	sne.s32 s2, $0x0  }
0x95: {  	s3 =	rddreg [dreg:$0x2];
	[bflag:$0x3] =	sbarrier.arrive $0xFFFF;
	s2 =	simm.s32 @!p0 $0x1C03  }
0x96: {  	[timem:s3], [sflag:s2] =	dma.local @!p0 [hbm:s0], s1  }
0x97: {  	s0 =	simm.s32 @!p0 $0x3  }
0x98: {  	_ =	swait.ge @!p0 [sflag:s0], s1  }
0x99: {  	s1 =	ssub.s32 @!p0 $0x0, s1;
	[sflag:s0] =	ssyncset.done @!p0 $0x0  }
0x9a: {  	[sflag:s0] =	ssyncadd.s32 @!p0 s1  }
0x9b: {  	[bflag:$0x3] =	sbarrier.arrive $0xFFFF  }
0x9c: {  	_ =	shalt  }

// kernel: _run.9.cloned.1.call-start
scs
__scs_entry_jumppad:
0x0: {  	(pc) =	sbr.rel $0x88, $3  }
0x1: {  	(tag) =	ssettag $0x0;
	lr =	simm.s32 $0x1  }
0x2: {  	[smem:$0x3F99] =	sst lr;
	_ =	strace $0xD0000000  }
0x3: {  	_ = 	snop  }
0x4: {  	_ = 	snop  }
0x5: {  	_ = 	snop  }
0x6: {  	_ = 	snop  }
0x7: {  	_ = 	snop  }
__scs_overlays_trampoline_lowered:
0x8: {  	[smem:$0x3FA8] =	sst s0  }
0x9: {  	[smem:$0x3FA9] =	sst s1  }
0xa: {  	[smem:$0x3FAA] =	sst s2  }
0xb: {  	[smem:$0x3FAB] =	sst s3  }
0xc: {  	[smem:$0x3FAC] =	sst s4  }
0xd: {  	[smem:$0x3FAD] =	sst s5  }
0xe: {  	[smem:$0x3FAE] =	sst s6  }
0xf: {  	[smem:$0x3FAF] =	sst s7  }
0x10: {  	[smem:$0x3FB0] =	sst s8  }
0x11: {  	[smem:$0x3FB1] =	sst s9;
	s0 =	simm.s32 @!p0 $0x0  }
0x12: {  	s1 =	sld [smem:$0x3F97];
	s0 =	simm.s32 @p0 $0x1  }
0x13: {  	[smem:$0x3FB2] =	sst s0;
	s0 =	simm.s32 @!p1 $0x0  }
0x14: {  	s2 =	sld [smem:$0x3F96];
	s0 =	simm.s32 @p1 $0x1  }
0x15: {  	[smem:$0x3FB3] =	sst s0;
	s0 =	simm.s32 @!p2 $0x0  }
0x16: {  	s3 =	sld [smem:$0x3FDB];
	s0 =	simm.s32 @p2 $0x1  }
0x17: {  	s4 =	simm.s32 $0x1BF5;
	[smem:$0x3FB5] =	sst s0  }
0x18: {  	s0 =	sld [smem:$0x3F98];
	_ =	swait.ge [sflag:s4], $0x0  }
0x19: {  	s7 =	sld [smem:$0x3F99]  }
0x1a: {  	s8 =	sadd.s32 $0xFFFFE003, lr  }
0x1b: {  	s9 =	sadd.s32 $0xFFFFFEF7, lr;
	s5 =	simm.s32 $0xFFFFFFFF;
	p2 =	slt.u32 s8, $0xFFFFF086  }
0x1c: {  	p1 =	slt.u32 s9, $0xF7A;
	s5 =	simm.s32 @!p2 $0x0  }
0x1d: {  	s5 =	simm.s32 @p1 $0x1;
	p0 =	seq.s32 s7, s2  }
0x1e: {  	s7 =	smul.u32 @!p0 $0xF7A, s2;
	p2 =	seq.s32 @!p0 s5, $0x0  }
0x1f: {  	s9 =	smul.u32 $0xF7A, s1;
	s8 =	simm.s32 @!p0 $0x1BF5;
	p2 =	por !p2, p0  }
0x20: {  	[sflag:s8] =	ssyncset.s32 @!p0 $0xFFFFF086;
	s6 =	sadd.s32 @!p0 s3, s7;
	s7 =	simm.s32 @!p0 $0x108  }
0x21: {  	s3 =	sadd.s32 s3, s9;
	s6 =	sadd.s32 @!p0 $0x88, s6;
	s7 =	simm.s32 @p2 $0x1082  }
0x22: {  	[simem:s7], [sflag:s8] =	dma.local @!p0 [hbm:s6], $0xF7A  }
0x23: {  	s9 =	sor.u32 $0xD0000000, s2;
	s6 =	simm.s32 $0x108;
	_ =	swait.ge @!p0 [sflag:s8], $0x0  }
0x24: {  	s3 =	sadd.s32 $0x88, s3;
	s6 =	simm.s32 @!p1 $0x1082;
	[sflag:s4] =	ssyncset.s32 $0xFFFFF086  }
0x25: {  	[simem:s6], [sflag:s4] =	dma.local [hbm:s3], $0xF7A  }
0x26: {  	[smem:$0x3F99] =	sst s1;
	(tag) =	ssettag s2;
	_ =	strace s9  }
0x27: {  	s1 =	sld [smem:$0x3FA9]  }
0x28: {  	s2 =	sld [smem:$0x3FAA]  }
0x29: {  	s4 =	sld [smem:$0x3FAC]  }
0x2a: {  	p0 =	seq.s32 s5, $0x0;
	s5 =	sld [smem:$0x3FAD]  }
0x2b: {  	s6 =	sld [smem:$0x3FAE]  }
0x2c: {  	s7 =	sld [smem:$0x3FAF]  }
0x2d: {  	s3 =	simm.s32 $0x108;
	s8 =	sld [smem:$0x3FB0]  }
0x2e: {  	s3 =	simm.s32 @!p0 $0x1082;
	s9 =	sld [smem:$0x3FB1]  }
0x2f: {  	lr =	sadd.s32 s0, s3;
	s0 =	sld [smem:$0x3FA8]  }
0x30: {  	s3 =	sld [smem:$0x3FAB]  }
0x31: {  	[smem:$0x3FB4] =	sst s10  }
0x32: {  	s10 =	sld [smem:$0x3FB2];
	_ =	sdelay $0x3  }
0x33: {  	p0 =	seq.s32 s10, $0x1;
	s10 =	sld [smem:$0x3FB4];
	_ =	sdelay $0x3  }
0x34: {  	[smem:$0x3FB4] =	sst s10  }
0x35: {  	s10 =	sld [smem:$0x3FB3];
	_ =	sdelay $0x3  }
0x36: {  	p1 =	seq.s32 s10, $0x1;
	s10 =	sld [smem:$0x3FB4];
	_ =	sdelay $0x3  }
0x37: {  	[smem:$0x3FB4] =	sst s10  }
0x38: {  	s10 =	sld [smem:$0x3FB5]  }
0x39: {  	_ = 	snop;
	(pc) =	sbr.ind lr, $3  }
0x3a: {  	_ = 	snop  }
0x3b: {  	_ = 	snop  }
0x3c: {  	p2 =	seq.s32 s10, $0x1;
	s10 =	sld [smem:$0x3FB4]  }
0x3d: {  	_ =	shalt  }
0x3e: {  	_ =	shalt  }
0x3f: {  	_ =	shalt  }
0x40: {  	_ =	shalt  }
0x41: {  	_ =	shalt  }
0x42: {  	_ =	shalt  }
0x43: {  	_ =	shalt  }
0x44: {  	_ =	shalt  }
0x45: {  	_ =	shalt  }
0x46: {  	_ =	shalt  }
0x47: {  	_ =	shalt  }
0x48: {  	_ =	shalt  }
0x49: {  	_ =	shalt  }
0x4a: {  	_ =	shalt  }
0x4b: {  	_ =	shalt  }
0x4c: {  	_ =	shalt  }
0x4d: {  	_ =	shalt  }
0x4e: {  	_ =	shalt  }
0x4f: {  	_ =	shalt  }
0x50: {  	_ =	shalt  }
0x51: {  	_ =	shalt  }
0x52: {  	_ =	shalt  }
0x53: {  	_ =	shalt  }
0x54: {  	_ =	shalt  }
0x55: {  	_ =	shalt  }
0x56: {  	_ =	shalt  }
0x57: {  	_ =	shalt  }
0x58: {  	_ =	shalt  }
0x59: {  	_ =	shalt  }
0x5a: {  	_ =	shalt  }
0x5b: {  	_ =	shalt  }
0x5c: {  	_ =	shalt  }
0x5d: {  	_ =	shalt  }
0x5e: {  	_ =	shalt  }
0x5f: {  	_ =	shalt  }
0x60: {  	_ =	shalt  }
0x61: {  	_ =	shalt  }
0x62: {  	_ =	shalt  }
0x63: {  	_ =	shalt  }
0x64: {  	_ =	shalt  }
0x65: {  	_ =	shalt  }
0x66: {  	_ =	shalt  }
0x67: {  	_ =	shalt  }
0x68: {  	_ =	shalt  }
0x69: {  	_ =	shalt  }
0x6a: {  	_ =	shalt  }
0x6b: {  	_ =	shalt  }
0x6c: {  	_ =	shalt  }
0x6d: {  	_ =	shalt  }
0x6e: {  	_ =	shalt  }
0x6f: {  	_ =	shalt  }
0x70: {  	_ =	shalt  }
0x71: {  	_ =	shalt  }
0x72: {  	_ =	shalt  }
0x73: {  	_ =	shalt  }
0x74: {  	_ =	shalt  }
0x75: {  	_ =	shalt  }
0x76: {  	_ =	shalt  }
0x77: {  	_ =	shalt  }
0x78: {  	_ =	shalt  }
0x79: {  	_ =	shalt  }
0x7a: {  	_ =	shalt  }
0x7b: {  	_ =	shalt  }
0x7c: {  	_ =	shalt  }
0x7d: {  	_ =	shalt  }
0x7e: {  	_ =	shalt  }
0x7f: {  	_ =	shalt  }
0x80: {  	_ =	shalt  }
0x81: {  	_ =	shalt  }
0x82: {  	_ =	shalt  }
0x83: {  	_ =	shalt  }
0x84: {  	_ =	shalt  }
0x85: {  	_ =	shalt  }
0x86: {  	_ =	shalt  }
0x87: {  	_ =	shalt  }
.Lfunc_end0:
.L_simem_size_0:
called_computation_lowered:
.L_overlay_start_0:
0x88: {  	s2 =	sld [smem:$0x3FD9]  }
0x89: {  	s3 =	sld [smem:$0x3FFE];
	_ =	sdelay $0x1  }
0x8a: {  	s1 =	srdreg.scid  }
0x8b: {  	s0 =	sand.u32 $0x1, s1  }
0x8c: {  	s17 =	sshll.u32 s0, $0xA;
	s2 =	sadd.s32 s3, s2  }
0x8d: {  	s2 =	sadd.s32 s2, s17  }
0x8e: {  	[smem:$0x3FC0] =	sst s2  }
0x8f: {  	_ = 	snop  }
0x90: {  	s2 =	sld [smem:$0x3FC9]  }
0x91: {  	s18 =	sld [smem:$0x3FD0];
	(tm) =	ssettm $0x1  }
0x92: {  	s4 =	sld [smem:$0x3FFB];
	_ =	sdelay $0x3  }
0x93: {  	_ =	strace s4  }
0x94: {  	s4 =	sld [smem:$0x3FFC];
	_ =	sdelay $0x3  }
0x95: {  	_ =	strace s4  }
0x96: {  	s4 =	sld [smem:$0x3FFD];
	_ =	sdelay $0x3  }
0x97: {  	_ =	strace s4  }
0x98: {  	_ =	strace $0x8FFFFFFF  }
0x99: {  	s19 =	sld [smem:$0x3FDB];
	_ =	sdelay $0x1  }
0x9a: {  	s5 =	simm.s32 $_scs_section_size  }
0x9b: {  	s6 =	simm.s32 $_size__tile_overlayer_lowered;
	s7 =	simm.s32 $_tile_overlayer_lowered  }
0x9c: {  	s22 =	simm.s32 $0x1BFF;
	s21 =	sshll.u32 s7, $0x1;
	s4 =	sadd.s32 s5, s19  }
0x9d: {  	s8 =	simm.s32 $0x0;
	s20 =	sshll.u32 s6, $0x1;
	s6 =	sadd.s32 s21, s4  }
0x9e: {  	[timem:s8], [sflag:s22] =	dma.local [hbm:s6], s20  }
0x9f: {  	_ =	swait.ge [sflag:s22], s20  }
0xa0: {  	s5 =	ssub.s32 $0x0, s20;
	[sflag:s22] =	ssyncset.done $0x0  }
0xa1: {  	[sflag:s22] =	ssyncadd.s32 s5;
	_ =	sdelay $0x1  }
0xa2: {  	s23 =	simm.s32 $0x1B8B  }
0xa3: {  	_ =	swait.ge [sflag:s23], $0x1  }
0xa4: {  	[sflag:s23] =	ssyncset.done $0x0  }
0xa5: {  	s25 =	simm.s32 $0x1B8E;
	s24 =	sld [smem:$0x3FFE];
	[sflag:s23] =	ssyncadd.s32 $0xFFFFFFFF  }
0xa6: {  	s26 =	simm.s32 $execute0_lowered;
	[smem:$0x3FD2] =	sst s25  }
0xa7: {  	s6 =	sshll.u32 s26, $0x1;
	_ =	strace $0x80000046;
	[dreg:$0x1] =	wrdreg $0xFFFFFFFF  }
0xa8: {  	s28 =	simm.s32 $_size_execute0_lowered;
	s4 =	sadd.s32 s4, s6;
	[dreg:$0x0] =	wrdreg $0x0  }
0xa9: {  	s6 =	sshll.u32 s28, $0x1;
	[dreg:$0x2] =	wrdreg s4  }
0xaa: {  	[dreg:$0x3] =	wrdreg s6  }
0xab: {  	[dreg:$0x4] =	wrdreg $0xC0  }
0xac: {  	_ =	task [dreg:s8], $0x5FFFF  }
0xad: {  	[dreg:$0x1] =	wrdreg $0xFFFFFFFF  }
0xae: {  	[dreg:$0x0] =	wrdreg $0x60  }
0xaf: {  	[dreg:$0x2] =	wrdreg s2  }
0xb0: {  	[dreg:$0x3] =	wrdreg s24  }
0xb1: {  	[dreg:$0x4] =	wrdreg s18  }
0xb2: {  	[dreg:$0x5] =	wrdreg $0x90000  }
0xb3: {  	[dreg:$0x6] =	wrdreg $0x12C400  }
0xb4: {  	[dreg:$0x7] =	wrdreg $0x1CF400  }
0xb5: {  	[dreg:$0x8] =	wrdreg $0x9  }
0xb6: {  	_ =	task.clear_ibuf [dreg:s8], $0x9FFFF;
	_ =	strace $0x90000046  }
0xb7: {  	s29 =	simm.s32 $0x9;
	_ =	strace $0x80000048  }
0xb8: {  	_ =	swait.ge [sflag:s29], $0x1  }
0xb9: {  	[sflag:s29] =	ssyncadd.s32 $0xFFFFFFFF  }
0xba: {  	_ =	strace $0x90000048  }
0xbb: {  	_ =	sfence  }
0xbc: {  	s30 =	sld [smem:$0x0];
	_ =	sdelay $0x2  }
0xbd: {  	s31 =	sshll.u32 s1, $0xD;
	s1 =	sshrl.u32 s1, $0x2  }
0xbe: {  	s3 =	sand.u32 $0x4000, s31;
	s1 =	sadd.s32 s1, s30  }
0xbf: {  	s0 =	sor.u32 s3, s0;
	s1 =	sshll.u32 s1, $0x11  }
0xc0: {  	s0 =	sor.u32 s1, s0  }
0xc1: {  	s0 =	sadd.s32 $0x8F2B, s0  }
0xc2: {  	[sflag:s0] =	ssyncadd.remote.s32 $0x1  }
0xc3: {  	_ =	sfence.sel $0xFFFF  }
0xc4: {  	[dreg:$0x0] =	wrdreg $0xFFFFFFFF;
	(pc) =	sbr.abs _section_cstart, $3  }
0xc5: {  	[dreg:$0x1] =	wrdreg $0xFFFFFFFF  }
0xc6: {  	_ =	task.clear_ibuf [dreg:s8], $0x2FFFF;
	_ =	strace $0x9FFFFFFF  }
0xc7: {  	(tm) =	ssettm $0x7FFFFFFF  }
tec
execute0_lowered:
.L_overlay_start_1:
0x0: {  	(tag) =	ssettag $0x1  }
0x1: {  	s1 =	rddreg [dreg:$0x0]  }
0x2: {  	s4 =	rddreg [dreg:$0x1];
	s0 =	srdreg.scid  }
0x3: {  	s17 =	rddreg [dreg:$0x2];
	s19 =	stileid.u32  }
0x4: {  	s2 =	rddreg [dreg:$0x4];
	s6 =	simm.s32 $0x0;
	s29 =	simm.s32 $0x2  }
0x5: {  	s30 =	simm.s32 $0x80;
	s31 =	simm.s32 $0x7000;
	s10 =	smul.u32 $0xA000, s19  }
0x6: {  	s9 =	sand.u32 $0x1, s0;
	s0 =	rddreg [dreg:$0x3];
	s15 =	smul.u32 $0x280, s19  }
0x7: {  	s28 =	simm.s32 $0x0;
	[smem:$0x7FF] =	sst s6;
	s11 =	smul.u32 $0x27000, s19  }
0x8: {  	s16 =	smul.u32 $0x2700, s19;
	s23 =	sshll.u32 s19, $0x6;
	p0 =	sne.s32 s19, $0x0  }
0x9: {  	s3 =	sshll.u32 s9, $0x4;
	s12 =	smul.u32 $0xA0000, s9;
	s14 =	ssub.s32 $0x2, s9  }
0xa: {  	s5 =	sor.u32 s19, s3;
	s3 =	rddreg [dreg:$0x5];
	_ =	strace $0x80000047  }
0xb: {  	s8 =	sshrl.u32 s14, $0x1;
	s24 =	sadd.s32 s1, s16;
	s16 =	smul.u32 $0x2800, s9  }
0xc: {  	s11 =	sshrl.u32 s11, $0x2;
	s9 =	sadd.s32 $0x27000, s1;
	s5 =	smul.u32 $0x5000, s5  }
0xd: {  	s13 =	sadd.s32 s10, s12;
	s18 =	ssub.s32 s14, s8;
	s12 =	smul.u32 $0x28000, s19  }
0xe: {  	s20 =	sadd.s32 s11, s0;
	[dreg:$0x9] =	wrdreg s24;
	s8 =	sor.u32 $0x1C03, s23  }
0xf: {  	s10 =	sadd.s32 s10, s2;
	s24 =	simm.s32 $0x3;
	s23 =	simm.s32 $0x4F80  }
0x10: {  	s26 =	sadd.s32 s15, s16;
	s15 =	sadd.s32 s15, s3;
	s18 =	smax.u32 s18, $0x1  }
0x11: {  	s20 =	sshrl.u32 s20, $0x3;
	s5 =	sshrl.u32 s5, $0x3;
	s25 =	sshrl.u32 s12, $0x2  }
0x12: {  	s1 =	sshrl.u32 s26, $0x3;
	s26 =	simm.s32 $0x5000;
	s7 =	sadd.s32 s5, s4  }
0x13: {  	s5 =	sshrl.u32 s13, $0x3;
	s14 =	sadd.s32 s25, s2;
	s17 =	sadd.s32 s17, s1  }
0x14: {  	s1 =	simm.s32 $0x1CC40;
	s4 =	sadd.s32 s5, s4;
	s21 =	sadd.s32 $0x2C00, s7  }
0x15: {  	s22 =	sadd.s32 $0x3100, s7;
	s11 =	sadd.s32 $0x2000, s14;
	s12 =	sadd.s32 $0x4000, s14  }
0x16: {  	s13 =	sadd.s32 $0x6000, s14;
	s14 =	sadd.s32 $0x8000, s14;
	[dreg:$0x7] =	wrdreg s21  }
0x17: {  	[dreg:$0x8] =	wrdreg s22;
	s22 =	sadd.s32 $0x9C000, s0;
	s16 =	sadd.s32 $0x16C00, s4  }
0x18: {  	v0 =	vimm.f32 $0.0e+00;
	v1 =	vimm.f32 $1.000000000e+00;
	s21 =	simm.s32 $0x1;
	s25 =	sshrl.u32 @!p0 s22, $0x3;
	s22 =	simm.s32 $0x4F00  }
.LBB2_1:
0x19: {  	s4 =	simm.s32 $0x0;
	s5 =	rddreg [dreg:$0x7]  }
0x1a: {  	[tilespmem:s4], [sflag:$0x1] =	stream.linear.gather [hbm4b:s5+s4], $0x2800, $0x38;
	[tilespmem:$0x1D1C0] =	vst v63  }
0x1b: {  	s19 =	rddreg [dreg:$0x8];
	s6 =	simm.s32 $0x2800  }
0x1c: {  	[tilespmem:s6], [sflag:$0x2] =	stream.linear.gather [hbm4b:s19+s4], $0x2800, $0x38;
	[tilespmem:$0x1D1C0] =	vst v63  }
0x1d: {  	s7 =	simm.s32 $0x8;
	s6 =	rddreg [dreg:$0x9];
	s19 =	simm.s32 $0x10  }
0x1e: {  	[spmem:s20@s7], [sflag:s8] =	dma.strided [hbm:s6@s19], $0x1380, s21, $0x8   }
0x1f: {  	_ =	swait.ge [sflag:s24], $0x1380  }
0x20: {  	s5 =	simm.s32 @!p0 $0x10;
	[sflag:s24] =	ssyncset.done $0x0  }
0x21: {  	s4 =	simm.s32 @!p0 $0x1;
	s19 =	simm.s32 @!p0 $0x8;
	[sflag:s24] =	ssyncadd.s32 $0xFFFFEC80  }
0x22: {  	[spmem:s25@s19], [sflag:s8] =	dma.strided @!p0 [hbm:s9@s5], $0x80, s4, $0x8   }
0x23: {  	s4 =	simm.s32 @!p0 $0x3  }
0x24: {  	_ =	swait.ge @!p0 [sflag:s4], $0x80  }
0x25: {  	[sflag:s4] =	ssyncset.done @!p0 $0x0  }
0x26: {  	s19 =	simm.s32 $0x0;
	[sflag:s4] =	ssyncadd.s32 @!p0 $0xFFFFFF80;
	s4 =	simm.s32 $0x100  }
.LBB2_2:
0x27: {  	p1 =	sne.s32 s4, $0x7F00;
	[tilespmem:s19+$0x5030] =	vst v0;
	s5 =	smov.u32 s4;
	s4 =	sadd.s32 $0x100, s4  }
.Ltmp0:
0x28: {  	[tilespmem:s19+$0x5020] =	vst v0;
	(pc) =	sbr.rel @p1 .LBB2_2-.Ltmp0, $3  }
0x29: {  	[tilespmem:s19+$0x5000] =	vst v0  }
0x2a: {  	[tilespmem:s19+$0x5010] =	vst v0;
	_ =	sdelay $0x1  }
0x2b: {  	s19 =	sshra.s32 s5, $0x2  }
0x2c: {  	[tilespmem:s19+$0x5030] =	vst v0  }
0x2d: {  	[tilespmem:s19+$0x5020] =	vst v0  }
0x2e: {  	[tilespmem:s19+$0x5000] =	vst v0  }
0x2f: {  	[tilespmem:s19+$0x5010] =	vst v0  }
0x30: {  	[spmem:s10] =	stream.linear.scatter [tilespmem:s26], [sflag:$0x3], $0x2000, $0x38;
	[tilespmem:$0x1D1C0] =	vst v63  }
0x31: {  	_ =	swait.ge [sflag:s24], $0x2000  }
0x32: {  	[sflag:s24] =	ssyncset.done $0x0  }
0x33: {  	[sflag:s24] =	ssyncadd.s32 $0xFFFFE000  }
0x34: {  	[spmem:s11] =	stream.linear.scatter [tilespmem:s26], [sflag:$0x3], $0x2000, $0x38;
	[tilespmem:$0x1D1C0] =	vst v63  }
0x35: {  	_ =	swait.ge [sflag:s24], $0x2000  }
0x36: {  	[sflag:s24] =	ssyncset.done $0x0  }
0x37: {  	[sflag:s24] =	ssyncadd.s32 $0xFFFFE000  }
0x38: {  	[spmem:s12] =	stream.linear.scatter [tilespmem:s26], [sflag:$0x3], $0x2000, $0x38;
	[tilespmem:$0x1D1C0] =	vst v63  }
0x39: {  	_ =	swait.ge [sflag:s24], $0x2000  }
0x3a: {  	[sflag:s24] =	ssyncset.done $0x0  }
0x3b: {  	[sflag:s24] =	ssyncadd.s32 $0xFFFFE000  }
0x3c: {  	[spmem:s13] =	stream.linear.scatter [tilespmem:s26], [sflag:$0x3], $0x2000, $0x38;
	[tilespmem:$0x1D1C0] =	vst v63  }
0x3d: {  	_ =	swait.ge [sflag:s24], $0x2000  }
0x3e: {  	[sflag:s24] =	ssyncset.done $0x0  }
0x3f: {  	[sflag:s24] =	ssyncadd.s32 $0xFFFFE000  }
0x40: {  	[spmem:s14] =	stream.linear.scatter [tilespmem:s26], [sflag:$0x3], $0x2000, $0x38;
	[tilespmem:$0x1D1C0] =	vst v63  }
0x41: {  	_ =	swait.ge [sflag:s24], $0x2000  }
0x42: {  	[sflag:s24] =	ssyncset.done $0x0  }
0x43: {  	[sflag:s24] =	ssyncadd.s32 $0xFFFFE000  }
0x44: {  	[tilespmem:$0x1CC40] =	vst v1  }
0x45: {  	[tilespmem:$0x1CC50] =	vst v1  }
0x46: {  	[tilespmem:$0x1CC60] =	vst v1  }
0x47: {  	[tilespmem:$0x1CC70] =	vst v1  }
0x48: {  	[tilespmem:$0x1CC80] =	vst v1  }
0x49: {  	[tilespmem:$0x1CC90] =	vst v1  }
0x4a: {  	[tilespmem:$0x1CCA0] =	vst v1  }
0x4b: {  	[tilespmem:$0x1CCB0] =	vst v1  }
0x4c: {  	[tilespmem:$0x1CCC0] =	vst v0  }
0x4d: {  	[tilespmem:$0x1CCD0] =	vst v0  }
0x4e: {  	[tilespmem:$0x1CCE0] =	vst v0  }
0x4f: {  	[tilespmem:$0x1CCF0] =	vst v0  }
0x50: {  	[tilespmem:$0x1CD00] =	vst v0  }
0x51: {  	[tilespmem:$0x1CD10] =	vst v0  }
0x52: {  	[tilespmem:$0x1CD20] =	vst v0  }
0x53: {  	[tilespmem:$0x1CD30] =	vst v0  }
0x54: {  	[tilespmem:$0x1CD40] =	vst v0  }
0x55: {  	[tilespmem:$0x1CD50] =	vst v0  }
0x56: {  	[tilespmem:$0x1CD60] =	vst v0  }
0x57: {  	[tilespmem:$0x1CD70] =	vst v0  }
0x58: {  	[tilespmem:$0x1CD80] =	vst v0  }
0x59: {  	[tilespmem:$0x1CD90] =	vst v0  }
0x5a: {  	[tilespmem:$0x1CDA0] =	vst v0  }
0x5b: {  	[tilespmem:$0x1CDB0] =	vst v0  }
0x5c: {  	[tilespmem:$0x1CDC0] =	vst v0  }
0x5d: {  	[tilespmem:$0x1CDD0] =	vst v0  }
0x5e: {  	[tilespmem:$0x1CDE0] =	vst v0  }
0x5f: {  	[tilespmem:$0x1CDF0] =	vst v0  }
0x60: {  	[tilespmem:$0x1CE00] =	vst v0  }
0x61: {  	[tilespmem:$0x1CE10] =	vst v0  }
0x62: {  	[tilespmem:$0x1CE20] =	vst v0  }
0x63: {  	[tilespmem:$0x1CE30] =	vst v0  }
0x64: {  	[tilespmem:$0x1CE40] =	vst v0  }
0x65: {  	[tilespmem:$0x1CE50] =	vst v0  }
0x66: {  	[tilespmem:$0x1CE60] =	vst v0  }
0x67: {  	[tilespmem:$0x1CE70] =	vst v0  }
0x68: {  	[tilespmem:$0x1CE80] =	vst v0  }
0x69: {  	[tilespmem:$0x1CE90] =	vst v0  }
0x6a: {  	[tilespmem:$0x1CEA0] =	vst v0  }
0x6b: {  	[tilespmem:$0x1CEB0] =	vst v0  }
0x6c: {  	[tilespmem:$0x1CEC0] =	vst v0  }
0x6d: {  	[tilespmem:$0x1CED0] =	vst v0  }
0x6e: {  	[tilespmem:$0x1CEE0] =	vst v0  }
0x6f: {  	[tilespmem:$0x1CEF0] =	vst v0  }
0x70: {  	[tilespmem:$0x1CF00] =	vst v0  }
0x71: {  	[tilespmem:$0x1CF10] =	vst v0  }
0x72: {  	[tilespmem:$0x1CF20] =	vst v0  }
0x73: {  	s4 =	simm.s32 $0x1CCC0;
	[tilespmem:$0x1CF30] =	vst v0  }
0x74: {  	[spmem:s15] =	stream.linear.scatter [tilespmem:s4], [sflag:$0x3], $0x280, $0x38;
	[tilespmem:$0x1D1C0] =	vst v63  }
0x75: {  	_ =	swait.ge [sflag:s24], $0x280  }
0x76: {  	[sflag:s24] =	ssyncset.done $0x0  }
0x77: {  	[sflag:s24] =	ssyncadd.s32 $0xFFFFFD80  }
0x78: {  	_ =	swait.ge [sflag:s21], $0x2800  }
0x79: {  	[sflag:s21] =	ssyncset.done $0x0  }
0x7a: {  	[sflag:s21] =	ssyncadd.s32 $0xFFFFD800  }
0x7b: {  	_ =	swait.ge [sflag:s29], $0x2800  }
0x7c: {  	[sflag:s29] =	ssyncset.done $0x0  }
0x7d: {  	[sflag:s29] =	ssyncadd.s32 $0xFFFFD800  }
0x7e: {  	s19 =	simm.s32 $0x0;
	[bflag:$0x0] =	sbarrier.arrive $0xFFFF  }
0x7f: {  	[tilespmem:s26], [sflag:$0x1] =	stream.indirect.gather [spmem:s0], $0x40, s19, s30, $0xb8;
	[tilespmem:$0x1D1C0] =	vst v63  }
0x80: {  	s5 =	simm.s32 $0x80  }
0x81: {  	[tilespmem:s31], [sflag:$0x2] =	stream.indirect.gather [spmem:s0], $0x40, s5, s30, $0xb8;
	[tilespmem:$0x1D1C0] =	vst v63  }
0x82: {  	_ =	swait.ge [sflag:s21], $0x2000  }
0x83: {  	[sflag:s21] =	ssyncset.done $0x0  }
0x84: {  	s6 =	simm.s32 $0x2800;
	[sflag:s21] =	ssyncadd.s32 $0xFFFFE000  }
0x85: {  	[spmem:s3] =	stream.indirect.scatter.add.f32 [tilespmem:s1], [sflag:$0x3], $0x1, s6, s30, $0xb8;
	[tilespmem:$0x1D1C0] =	vst v63  }
0x86: {  	_ =	swait.ge [sflag:s24], $0x80  }
0x87: {  	[sflag:s24] =	ssyncset.done $0x0  }
0x88: {  	[sflag:s24] =	ssyncadd.s32 $0xFFFFFF80  }
0x89: {  	[spmem:s2] =	stream.indirect.scatter.add.f32 [tilespmem:s26], [sflag:$0x3], $0x40, s6, s30, $0xb8;
	[tilespmem:$0x1D1C0] =	vst v63  }
0x8a: {  	_ =	swait.ge [sflag:s24], $0x2000  }
0x8b: {  	[sflag:s24] =	ssyncset.done $0x0  }
0x8c: {  	s7 =	simm.s32 $0x100;
	[sflag:s24] =	ssyncadd.s32 $0xFFFFE000  }
0x8d: {  	[tilespmem:s26], [sflag:$0x1] =	stream.indirect.gather [spmem:s0], $0x40, s7, s30, $0xb8;
	[tilespmem:$0x1D1C0] =	vst v63  }
0x8e: {  	_ =	swait.ge [sflag:s29], $0x2000  }
0x8f: {  	[sflag:s29] =	ssyncset.done $0x0  }
0x90: {  	s19 =	simm.s32 $0x2880;
	[sflag:s29] =	ssyncadd.s32 $0xFFFFE000  }
0x91: {  	[spmem:s3] =	stream.indirect.scatter.add.f32 [tilespmem:s1], [sflag:$0x3], $0x1, s19, s30, $0xb8;
	[tilespmem:$0x1D1C0] =	vst v63  }
0x92: {  	_ =	swait.ge [sflag:s24], $0x80  }
0x93: {  	[sflag:s24] =	ssyncset.done $0x0  }
0x94: {  	[sflag:s24] =	ssyncadd.s32 $0xFFFFFF80  }
0x95: {  	[spmem:s2] =	stream.indirect.scatter.add.f32 [tilespmem:s31], [sflag:$0x3], $0x40, s19, s30, $0xb8;
	[tilespmem:$0x1D1C0] =	vst v63  }
0x96: {  	_ =	swait.ge [sflag:s24], $0x2000  }
0x97: {  	s4 =	simm.s32 $0x800;
	s19 =	simm.s32 $0x100;
	[sflag:s24] =	ssyncset.done $0x0  }
.LBB2_4:
0x98: {  	s5 =	sadd.s32 $0x80, s19  }
0x99: {  	[sflag:s24] =	ssyncadd.s32 $0xFFFFE000;
	s6 =	smov.u32 s4;
	s7 =	sadd.s32 $0x400, s4  }
0x9a: {  	[tilespmem:s31], [sflag:$0x2] =	stream.indirect.gather [spmem:s0], $0x40, s5, s30, $0xb8;
	[tilespmem:$0x1D1C0] =	vst v63  }
0x9b: {  	p1 =	sne.s32 s4, $0x9800;
	_ =	swait.ge [sflag:s21], $0x2000  }
0x9c: {  	[sflag:s21] =	ssyncset.done $0x0  }
0x9d: {  	s4 =	sadd.s32 $0x2800, s19;
	[sflag:s21] =	ssyncadd.s32 $0xFFFFE000  }
0x9e: {  	[spmem:s3] =	stream.indirect.scatter.add.f32 [tilespmem:s1], [sflag:$0x3], $0x1, s4, s30, $0xb8;
	[tilespmem:$0x1D1C0] =	vst v63  }
0x9f: {  	_ =	swait.ge [sflag:s24], $0x80  }
0xa0: {  	[sflag:s24] =	ssyncset.done $0x0  }
0xa1: {  	[sflag:s24] =	ssyncadd.s32 $0xFFFFFF80  }
0xa2: {  	[spmem:s2] =	stream.indirect.scatter.add.f32 [tilespmem:s26], [sflag:$0x3], $0x40, s4, s30, $0xb8;
	[tilespmem:$0x1D1C0] =	vst v63  }
0xa3: {  	_ =	swait.ge [sflag:s24], $0x2000  }
0xa4: {  	[sflag:s24] =	ssyncset.done $0x0  }
0xa5: {  	s4 =	sadd.s32 $0x100, s19;
	[sflag:s24] =	ssyncadd.s32 $0xFFFFE000  }
0xa6: {  	[tilespmem:s26], [sflag:$0x1] =	stream.indirect.gather [spmem:s0], $0x40, s4, s30, $0xb8;
	[tilespmem:$0x1D1C0] =	vst v63  }
0xa7: {  	_ =	swait.ge [sflag:s29], $0x2000  }
0xa8: {  	[sflag:s29] =	ssyncset.done $0x0  }
0xa9: {  	s4 =	sadd.s32 $0x2880, s19;
	[sflag:s29] =	ssyncadd.s32 $0xFFFFE000  }
0xaa: {  	[spmem:s3] =	stream.indirect.scatter.add.f32 [tilespmem:s1], [sflag:$0x3], $0x1, s4, s30, $0xb8;
	[tilespmem:$0x1D1C0] =	vst v63  }
0xab: {  	_ =	swait.ge [sflag:s24], $0x80  }
.Ltmp1:
0xac: {  	[sflag:s24] =	ssyncset.done $0x0;
	(pc) =	sbr.rel @p1 .LBB2_4-.Ltmp1, $4  }
0xad: {  	[sflag:s24] =	ssyncadd.s32 $0xFFFFFF80  }
0xae: {  	[spmem:s2] =	stream.indirect.scatter.add.f32 [tilespmem:s31], [sflag:$0x3], $0x40, s4, s30, $0xb8;
	[tilespmem:$0x1D1C0] =	vst v63  }
0xaf: {  	_ =	swait.ge [sflag:s24], $0x2000  }
0xb0: {  	s19 =	sshra.s32 s6, $0x2;
	s4 =	smov.u32 s7;
	[sflag:s24] =	ssyncset.done $0x0  }
0xb1: {  	s4 =	sadd.s32 $0x80, s19;
	[sflag:s24] =	ssyncadd.s32 $0xFFFFE000  }
0xb2: {  	[tilespmem:s31], [sflag:$0x2] =	stream.indirect.gather [spmem:s0], $0x40, s4, s30, $0xb8;
	[tilespmem:$0x1D1C0] =	vst v63  }
0xb3: {  	_ =	swait.ge [sflag:s21], $0x2000  }
0xb4: {  	[sflag:s21] =	ssyncset.done $0x0  }
0xb5: {  	s6 =	sadd.s32 $0x2800, s19;
	[sflag:s21] =	ssyncadd.s32 $0xFFFFE000  }
0xb6: {  	[spmem:s3] =	stream.indirect.scatter.add.f32 [tilespmem:s1], [sflag:$0x3], $0x1, s6, s30, $0xb8;
	[tilespmem:$0x1D1C0] =	vst v63  }
0xb7: {  	_ =	swait.ge [sflag:s24], $0x80  }
0xb8: {  	[sflag:s24] =	ssyncset.done $0x0  }
0xb9: {  	[sflag:s24] =	ssyncadd.s32 $0xFFFFFF80  }
0xba: {  	[spmem:s2] =	stream.indirect.scatter.add.f32 [tilespmem:s26], [sflag:$0x3], $0x40, s6, s30, $0xb8;
	[tilespmem:$0x1D1C0] =	vst v63  }
0xbb: {  	_ =	swait.ge [sflag:s24], $0x2000  }
0xbc: {  	[sflag:s24] =	ssyncset.done $0x0  }
0xbd: {  	s7 =	sadd.s32 $0x100, s19;
	[sflag:s24] =	ssyncadd.s32 $0xFFFFE000  }
0xbe: {  	[tilespmem:s26], [sflag:$0x1] =	stream.indirect.gather [spmem:s0], $0x40, s7, s30, $0xb8;
	[tilespmem:$0x1D1C0] =	vst v63  }
0xbf: {  	_ =	swait.ge [sflag:s29], $0x2000  }
0xc0: {  	[sflag:s29] =	ssyncset.done $0x0  }
0xc1: {  	s5 =	sadd.s32 $0x2880, s19;
	[sflag:s29] =	ssyncadd.s32 $0xFFFFE000  }
0xc2: {  	[spmem:s3] =	stream.indirect.scatter.add.f32 [tilespmem:s1], [sflag:$0x3], $0x1, s5, s30, $0xb8;
	[tilespmem:$0x1D1C0] =	vst v63  }
0xc3: {  	_ =	swait.ge [sflag:s24], $0x80  }
0xc4: {  	[sflag:s24] =	ssyncset.done $0x0  }
0xc5: {  	[sflag:s24] =	ssyncadd.s32 $0xFFFFFF80  }
0xc6: {  	[spmem:s2] =	stream.indirect.scatter.add.f32 [tilespmem:s31], [sflag:$0x3], $0x40, s5, s30, $0xb8;
	[tilespmem:$0x1D1C0] =	vst v63  }
0xc7: {  	_ =	swait.ge [sflag:s24], $0x2000  }
0xc8: {  	[sflag:s24] =	ssyncset.done $0x0  }
0xc9: {  	s6 =	simm.s32 $0x2780;
	[sflag:s24] =	ssyncadd.s32 $0xFFFFE000  }
0xca: {  	[tilespmem:s31], [sflag:$0x2] =	stream.indirect.gather [spmem:s0], $0x40, s6, s30, $0xb8;
	[tilespmem:$0x1D1C0] =	vst v63  }
0xcb: {  	_ =	swait.ge [sflag:s21], $0x2000  }
0xcc: {  	[sflag:s21] =	ssyncset.done $0x0  }
0xcd: {  	[sflag:s21] =	ssyncadd.s32 $0xFFFFE000  }
0xce: {  	[spmem:s3] =	stream.indirect.scatter.add.f32 [tilespmem:s1], [sflag:$0x3], $0x1, s22, s30, $0xb8;
	[tilespmem:$0x1D1C0] =	vst v63  }
0xcf: {  	_ =	swait.ge [sflag:s24], $0x80  }
0xd0: {  	[sflag:s24] =	ssyncset.done $0x0  }
0xd1: {  	[sflag:s24] =	ssyncadd.s32 $0xFFFFFF80  }
0xd2: {  	[spmem:s2] =	stream.indirect.scatter.add.f32 [tilespmem:s26], [sflag:$0x3], $0x40, s22, s30, $0xb8;
	[tilespmem:$0x1D1C0] =	vst v63  }
0xd3: {  	_ =	swait.ge [sflag:s24], $0x2000  }
0xd4: {  	[sflag:s24] =	ssyncset.done $0x0  }
0xd5: {  	[sflag:s24] =	ssyncadd.s32 $0xFFFFE000  }
0xd6: {  	_ =	swait.ge [sflag:s29], $0x2000  }
0xd7: {  	[sflag:s29] =	ssyncset.done $0x0  }
0xd8: {  	[sflag:s29] =	ssyncadd.s32 $0xFFFFE000  }
0xd9: {  	[spmem:s3] =	stream.indirect.scatter.add.f32 [tilespmem:s1], [sflag:$0x3], $0x1, s23, s30, $0xb8;
	[tilespmem:$0x1D1C0] =	vst v63  }
0xda: {  	_ =	swait.ge [sflag:s24], $0x80  }
0xdb: {  	[sflag:s24] =	ssyncset.done $0x0  }
0xdc: {  	[sflag:s24] =	ssyncadd.s32 $0xFFFFFF80  }
0xdd: {  	[spmem:s2] =	stream.indirect.scatter.add.f32 [tilespmem:s31], [sflag:$0x3], $0x40, s23, s30, $0xb8;
	[tilespmem:$0x1D1C0] =	vst v63  }
0xde: {  	_ =	swait.ge [sflag:s24], $0x2000  }
0xdf: {  	[sflag:s24] =	ssyncset.done $0x0  }
0xe0: {  	[sflag:s24] =	ssyncadd.s32 $0xFFFFE000  }
0xe1: {  	s7 =	sshrl.u32 s10, $0x3;
	[bflag:$0x0] =	sbarrier.arrive $0xFFFF  }
0xe2: {  	[hbm:s16], [sflag:s8] =	dma.local [spmem:s7], $0x1400  }
0xe3: {  	s28 =	sadd.s32 $0x1, s28;
	_ =	swait.ge [sflag:s24], $0x1400  }
0xe4: {  	p1 =	sne.s32 s28, s18;
	[sflag:s24] =	ssyncset.done $0x0  }
.Ltmp2:
0xe5: {  	s19 =	sshrl.u32 s15, $0x3;
	[sflag:s24] =	ssyncadd.s32 $0xFFFFEC00;
	(pc) =	sbr.rel @p1 .LBB2_1-.Ltmp2, $4  }
0xe6: {  	[hbm:s17], [sflag:s8] =	dma.local [spmem:s19], $0x50  }
0xe7: {  	_ =	swait.ge [sflag:s24], $0x50  }
0xe8: {  	[sflag:s24] =	ssyncset.done $0x0  }
0xe9: {  	[sflag:s24] =	ssyncadd.s32 $0xFFFFFFB0  }
0xea: {  	_ =	sfence.sel $0x180000  }
0xeb: {  	[bflag:$0x0] =	sbarrier.arrive $0xFFFF  }
0xec: {  	_ =	strace $0x90000047  }
0xed: {  	[bflag:$0x2] =	sbarrier.arrive $0xFFFF  }
0xee: {  	s0 =	rddreg [dreg:$0x6]  }
0xef: {  	s0 =	sadd.s32 @!p0 $0x100000, s0  }
0xf0: {  	[sflag:s0] =	ssyncadd.tile.s32 @!p0 $0x1;
	_ =	shalt  }
.Lfunc_end2:
_tile_overlayer_lowered:
.L_overlay_start_2:
0xf1: {  	(tag) =	ssettag $0x2  }
0xf2: {  	s0 =	rddreg [dreg:$0x0];
	s2 =	stileid.u32  }
0xf3: {  	s1 =	rddreg [dreg:$0x1];
	p0 =	sne.s32 s2, $0x0  }
0xf4: {  	s3 =	rddreg [dreg:$0x2];
	[bflag:$0x3] =	sbarrier.arrive $0xFFFF;
	s2 =	simm.s32 @!p0 $0x1C03  }
0xf5: {  	[timem:s3], [sflag:s2] =	dma.local @!p0 [hbm:s0], s1  }
0xf6: {  	s0 =	simm.s32 @!p0 $0x3  }
0xf7: {  	_ =	swait.ge @!p0 [sflag:s0], s1  }
0xf8: {  	s1 =	ssub.s32 @!p0 $0x0, s1;
	[sflag:s0] =	ssyncset.done @!p0 $0x0  }
0xf9: {  	[sflag:s0] =	ssyncadd.s32 @!p0 s1  }
0xfa: {  	[bflag:$0x3] =	sbarrier.arrive $0xFFFF  }
0xfb: {  	_ =	shalt  }

</sc_bundles>
